<compile_context>
chip_gen: v7x
topology: tpu7x:2x2x1
jax: 0.10.2.dev20260603
libtpu: 0.0.44.dev20260713+nightly
codegen_flags: <defaults>
</compile_context>

<pallas_src>
import functools

import jax
import jax.numpy as jnp
from jax import lax
from jax.experimental import pallas as pl
from jax.experimental.pallas import tpu as pltpu
from jax.experimental.pallas import tpu_sc as plsc


def kernel(unary, binary, index1, index2):
    N, D = unary.shape
    E, DB = binary.shape
    DO = 2 * D + DB
    L = 128

    info = plsc.get_sparse_core_info()
    NW = info.num_cores * info.num_subcores
    NC = info.num_cores

    assert E % L == 0
    n_groups = E // L
    gpw = n_groups // NW
    rem = n_groups - gpw * NW
    max_g = gpw + (1 if rem else 0)
    stage = max_g * L

    index1 = index1.astype(jnp.int32)
    index2 = index2.astype(jnp.int32)
    binary_t = binary.T

    mesh = plsc.VectorSubcoreMesh(core_axis_name="c", subcore_axis_name="s")

    @functools.partial(
        pl.kernel,
        mesh=mesh,
        out_type=jax.ShapeDtypeStruct((DO, E), jnp.float32),
        scratch_types=[
            pltpu.VMEM((stage,), jnp.int32),
            pltpu.VMEM((stage,), jnp.int32),
            pltpu.VMEM((L, D), jnp.float32),
            pltpu.VMEM((L, D), jnp.float32),
            pltpu.VMEM((L, D), jnp.float32),
            pltpu.VMEM((L, D), jnp.float32),
            pltpu.VMEM((DO, L), jnp.float32),
            pltpu.SemaphoreType.DMA,
            pltpu.SemaphoreType.DMA,
            pltpu.SemaphoreType.DMA,
            pltpu.SemaphoreType.DMA,
        ],
        compiler_params=pltpu.CompilerParams(
            use_tc_tiling_on_sc=True, needs_layout_passes=False),
    )
    def join(unary_hbm, bin_t_hbm, idx1_hbm, idx2_hbm, out_t_hbm,
             idx1_v, idx2_v, r1a, r2a, r1b, r2b, outb,
             gsem_a, gsem_b, bsem, wsem):
        w = lax.axis_index("s") * NC + lax.axis_index("c")
        cnt = gpw + jnp.where(w < rem, 1, 0)
        base_g = gpw * w + jnp.minimum(w, rem)
        base_e = base_g * L

        pltpu.sync_copy(idx1_hbm.at[pl.ds(base_e, stage)], idx1_v)
        pltpu.sync_copy(idx2_hbm.at[pl.ds(base_e, stage)], idx2_v)

        slots = ((r1a, r2a, gsem_a), (r1b, r2b, gsem_b))

        def issue_gathers(i, s):
            r1, r2, gs = slots[s]
            pltpu.async_copy(unary_hbm.at[idx1_v.at[pl.ds(i * L, L)]], r1, gs)
            pltpu.async_copy(unary_hbm.at[idx2_v.at[pl.ds(i * L, L)]], r2, gs)

        def wait_gathers(s):
            r1, r2, gs = slots[s]
            pltpu.make_async_copy(unary_hbm.at[pl.ds(0, L)], r1, gs).wait()
            pltpu.make_async_copy(unary_hbm.at[pl.ds(0, L)], r2, gs).wait()

        def wait_write():
            pltpu.make_async_copy(
                outb, out_t_hbm.at[:, pl.ds(0, L)], wsem).wait()

        iota = lax.iota(jnp.int32, 16)
        rots = [lax.rem(iota + d, jnp.int32(16)) for d in range(16)]

        def transpose_blocks(r1s, r2s):
            for rref, row0 in ((r1s, 0), (r2s, D)):
                @plsc.parallel_loop(0, 64)
                def blk(b):
                    f0 = (b % 8) * 16
                    e0 = (b // 8) * 16
                    erow = e0 + iota
                    fcol = jnp.full((16,), row0 + f0, jnp.int32)
                    for d in range(16):
                        v = plsc.load_gather(rref, [erow, f0 + rots[d]])
                        plsc.store_scatter(outb, [fcol + rots[d], erow], v)

        issue_gathers(0, 0)
        issue_gathers(1, 1)

        def pair(g, carry):
            for s in range(2):
                i = 2 * g + s

                @pl.when(i < cnt)
                def _():
                    col = (base_g + i) * L
                    wait_gathers(s)

                    @pl.when(i >= 1)
                    def _():
                        wait_write()

                    pltpu.async_copy(
                        bin_t_hbm.at[:, pl.ds(col, L)],
                        outb.at[pl.ds(2 * D, DB), :], bsem)
                    r1, r2, _gs = slots[s]
                    transpose_blocks(r1, r2)
                    pltpu.make_async_copy(
                        bin_t_hbm.at[:, pl.ds(0, L)],
                        outb.at[pl.ds(2 * D, DB), :], bsem).wait()
                    pltpu.async_copy(
                        outb, out_t_hbm.at[:, pl.ds(col, L)], wsem)

                    @pl.when(i + 2 < cnt)
                    def _():
                        issue_gathers(i + 2, s)

            return carry

        lax.fori_loop(0, (max_g + 1) // 2, pair, 0)
        wait_write()

    out_t = join(unary, binary_t, index1, index2)
    return out_t.T

# --- scband reference (transcript-rebuilt; emitter-appended) ---
"""Pipeline reference for scband-join-41437844472187 (READ-ONLY COPY).

The authoritative reference and input builder live on the scoring server;
editing this copy changes nothing except your own understanding.
"""

import jax, jax.numpy as jnp
import numpy as np

N_NODES = 10000
N_EDGES = 320000
D_FEAT = 128
D_EDGE = 16


def setup_inputs(seed: int = 0) -> dict:
    key = jax.random.key(seed)
    k1, k2, k3, k4 = jax.random.split(key, 4)
    unary = jax.random.normal(k1, (N_NODES, D_FEAT), dtype=jnp.float32)
    binary = jax.random.normal(k2, (N_EDGES, D_EDGE), dtype=jnp.float32)
    index1 = jax.random.randint(k3, (N_EDGES,), 0, N_NODES, dtype=jnp.int64 if jax.config.jax_enable_x64 else jnp.int32)
    index2 = jax.random.randint(k4, (N_EDGES,), 0, N_NODES, dtype=jnp.int64 if jax.config.jax_enable_x64 else jnp.int32)
    return {"unary": unary, "binary": binary, "index1": index1, "index2": index2}


def reference(unary, binary, index1, index2):
    # Join layer: gather unary rows for both objects of each pair and
    # concatenate with the binary predicate pre-activations along dim=1.
    if index1.ndim == 0 and index2.ndim == 0:
        index1 = jnp.reshape(index1, (1,))
        index2 = jnp.reshape(index2, (1,))
    a = jnp.take(unary, index1, axis=0)
    b = jnp.take(unary, index2, axis=0)
    return jnp.concatenate([a, b, binary], axis=1)

if __name__ == "__main__":
    import jax
    _d = setup_inputs()
    print(jax.jit(kernel)(*tuple(_d.values())))

</pallas_src>

<mosaic_0001>
#map = affine_map<(d0, d1) -> (0, 0)>
#map1 = affine_map<(d0, d1) -> (0)>
module attributes {stable_mosaic.version = 14 : i64} {
  func.func @join(%arg0: i32, %arg1: i32, %arg2: memref<10000x128xf32, #tpu.memory_space<hbm>>, %arg3: memref<16x320000xf32, #tpu.memory_space<hbm>>, %arg4: memref<320000xi32, #tpu.memory_space<hbm>>, %arg5: memref<320000xi32, #tpu.memory_space<hbm>>, %arg6: memref<272x320000xf32, #tpu.memory_space<hbm>>, %arg7: memref<10112xi32, #tpu.memory_space<vmem>>, %arg8: memref<10112xi32, #tpu.memory_space<vmem>>, %arg9: memref<128x128xf32, #tpu.memory_space<vmem>>, %arg10: memref<128x128xf32, #tpu.memory_space<vmem>>, %arg11: memref<128x128xf32, #tpu.memory_space<vmem>>, %arg12: memref<128x128xf32, #tpu.memory_space<vmem>>, %arg13: memref<272x128xf32, #tpu.memory_space<vmem>>, %arg14: memref<!tpu.dma_semaphore, #tpu.memory_space<semaphore_mem>>, %arg15: memref<!tpu.dma_semaphore, #tpu.memory_space<semaphore_mem>>, %arg16: memref<!tpu.dma_semaphore, #tpu.memory_space<semaphore_mem>>, %arg17: memref<!tpu.dma_semaphore, #tpu.memory_space<semaphore_mem>>) attributes {dimension_semantics = [#tpu.dimension_semantics<core_parallel>, #tpu.dimension_semantics<subcore_parallel>], iteration_bounds = array<i64: 2, 16>, scalar_prefetch = 0 : i64, scratch_operands = 11 : i64, tpu.core_type = #tpu.core_type<sc_vector_subcore>, window_params = [{transform_indices = #map}, {transform_indices = #map}, {transform_indices = #map1}, {transform_indices = #map1}, {transform_indices = #map}]} {
    %mul3A = arith.constant 2 : i32
    %mul3A_0 = arith.muli %arg1, %mul3A : i32
    %add3A = arith.addi %mul3A_0, %arg0 : i32
    %lt3A = arith.constant 4 : i32
    %lt3A_1 = arith.cmpi slt, %add3A, %lt3A : i32
    %jit3A = arith.constant 1 : i32
    %jit3A_2 = arith.constant 0 : i32
    %select_n3A = arith.select %lt3A_1, %jit3A, %jit3A_2 : i32
    %add3A_3 = arith.constant 78 : i32
    %add3A_4 = arith.addi %add3A_3, %select_n3A : i32
    %mul3A_5 = arith.constant 78 : i32
    %mul3A_6 = arith.muli %mul3A_5, %add3A : i32
    %min3A = arith.constant 4 : i32
    %min3A_7 = arith.minsi %add3A, %min3A : i32
    %add3A_8 = arith.addi %mul3A_6, %min3A_7 : i32
    %mul3A_9 = arith.constant 128 : i32
    %mul3A_10 = arith.muli %add3A_8, %mul3A_9 : i32
    "tpu.region"() ({
      %run_scoped3A = tpu.sem_alloc : memref<!tpu.dma_semaphore, #tpu.memory_space<semaphore_mem>>
      %dma_start3A_135 = tpu.memref_slice %arg4[%mul3A_10] : memref<320000xi32, #tpu.memory_space<hbm>> -> memref<10112xi32, #tpu.memory_space<hbm>>
      %dma_start3A_136 = tpu.memref_slice %arg4[%mul3A_10] : memref<320000xi32, #tpu.memory_space<hbm>> -> memref<10112xi32, #tpu.memory_space<hbm>>
      tpu.enqueue_dma source(%dma_start3A_136 : memref<10112xi32, #tpu.memory_space<hbm>>) target(%arg7 : memref<10112xi32, #tpu.memory_space<vmem>>) target_semaphore(%run_scoped3A : memref<!tpu.dma_semaphore, #tpu.memory_space<semaphore_mem>>)
      %dma_wait3A_137 = tpu.memref_slice %arg4[%mul3A_10] : memref<320000xi32, #tpu.memory_space<hbm>> -> memref<10112xi32, #tpu.memory_space<hbm>>
      %dma_wait3A_138 = tpu.memref_slice %arg4[%mul3A_10] : memref<320000xi32, #tpu.memory_space<hbm>> -> memref<10112xi32, #tpu.memory_space<hbm>>
      tpu.wait_dma2 semaphore(%run_scoped3A : memref<!tpu.dma_semaphore, #tpu.memory_space<semaphore_mem>>) src(%dma_wait3A_138 : memref<10112xi32, #tpu.memory_space<hbm>>) dst(%arg7 : memref<10112xi32, #tpu.memory_space<vmem>>)
      tpu.yield
    }) : () -> ()
    "tpu.region"() ({
      %run_scoped3A = tpu.sem_alloc : memref<!tpu.dma_semaphore, #tpu.memory_space<semaphore_mem>>
      %dma_start3A_135 = tpu.memref_slice %arg5[%mul3A_10] : memref<320000xi32, #tpu.memory_space<hbm>> -> memref<10112xi32, #tpu.memory_space<hbm>>
      %dma_start3A_136 = tpu.memref_slice %arg5[%mul3A_10] : memref<320000xi32, #tpu.memory_space<hbm>> -> memref<10112xi32, #tpu.memory_space<hbm>>
      tpu.enqueue_dma source(%dma_start3A_136 : memref<10112xi32, #tpu.memory_space<hbm>>) target(%arg8 : memref<10112xi32, #tpu.memory_space<vmem>>) target_semaphore(%run_scoped3A : memref<!tpu.dma_semaphore, #tpu.memory_space<semaphore_mem>>)
      %dma_wait3A_137 = tpu.memref_slice %arg5[%mul3A_10] : memref<320000xi32, #tpu.memory_space<hbm>> -> memref<10112xi32, #tpu.memory_space<hbm>>
      %dma_wait3A_138 = tpu.memref_slice %arg5[%mul3A_10] : memref<320000xi32, #tpu.memory_space<hbm>> -> memref<10112xi32, #tpu.memory_space<hbm>>
      tpu.wait_dma2 semaphore(%run_scoped3A : memref<!tpu.dma_semaphore, #tpu.memory_space<semaphore_mem>>) src(%dma_wait3A_138 : memref<10112xi32, #tpu.memory_space<hbm>>) dst(%arg8 : memref<10112xi32, #tpu.memory_space<vmem>>)
      tpu.yield
    }) : () -> ()
    %iota3A = tpu.iota {dimensions = array<i32: 0>} : vector<16xi32>
    %add3A_11 = arith.constant 0 : i32
    %add3A_12 = vector.broadcast %add3A_11 : i32 to vector<16xi32>
    %add3A_13 = arith.addi %iota3A, %add3A_12 : vector<16xi32>
    %rem3A = arith.constant 16 : i32
    %rem3A_14 = vector.broadcast %rem3A : i32 to vector<16xi32>
    %rem3A_15 = arith.remsi %add3A_13, %rem3A_14 : vector<16xi32>
    %add3A_16 = arith.constant 1 : i32
    %add3A_17 = vector.broadcast %add3A_16 : i32 to vector<16xi32>
    %add3A_18 = arith.addi %iota3A, %add3A_17 : vector<16xi32>
    %rem3A_19 = arith.constant 16 : i32
    %rem3A_20 = vector.broadcast %rem3A_19 : i32 to vector<16xi32>
    %rem3A_21 = arith.remsi %add3A_18, %rem3A_20 : vector<16xi32>
    %add3A_22 = arith.constant 2 : i32
    %add3A_23 = vector.broadcast %add3A_22 : i32 to vector<16xi32>
    %add3A_24 = arith.addi %iota3A, %add3A_23 : vector<16xi32>
    %rem3A_25 = arith.constant 16 : i32
    %rem3A_26 = vector.broadcast %rem3A_25 : i32 to vector<16xi32>
    %rem3A_27 = arith.remsi %add3A_24, %rem3A_26 : vector<16xi32>
    %add3A_28 = arith.constant 3 : i32
    %add3A_29 = vector.broadcast %add3A_28 : i32 to vector<16xi32>
    %add3A_30 = arith.addi %iota3A, %add3A_29 : vector<16xi32>
    %rem3A_31 = arith.constant 16 : i32
    %rem3A_32 = vector.broadcast %rem3A_31 : i32 to vector<16xi32>
    %rem3A_33 = arith.remsi %add3A_30, %rem3A_32 : vector<16xi32>
    %add3A_34 = arith.constant 4 : i32
    %add3A_35 = vector.broadcast %add3A_34 : i32 to vector<16xi32>
    %add3A_36 = arith.addi %iota3A, %add3A_35 : vector<16xi32>
    %rem3A_37 = arith.constant 16 : i32
    %rem3A_38 = vector.broadcast %rem3A_37 : i32 to vector<16xi32>
    %rem3A_39 = arith.remsi %add3A_36, %rem3A_38 : vector<16xi32>
    %add3A_40 = arith.constant 5 : i32
    %add3A_41 = vector.broadcast %add3A_40 : i32 to vector<16xi32>
    %add3A_42 = arith.addi %iota3A, %add3A_41 : vector<16xi32>
    %rem3A_43 = arith.constant 16 : i32
    %rem3A_44 = vector.broadcast %rem3A_43 : i32 to vector<16xi32>
    %rem3A_45 = arith.remsi %add3A_42, %rem3A_44 : vector<16xi32>
    %add3A_46 = arith.constant 6 : i32
    %add3A_47 = vector.broadcast %add3A_46 : i32 to vector<16xi32>
    %add3A_48 = arith.addi %iota3A, %add3A_47 : vector<16xi32>
    %rem3A_49 = arith.constant 16 : i32
    %rem3A_50 = vector.broadcast %rem3A_49 : i32 to vector<16xi32>
    %rem3A_51 = arith.remsi %add3A_48, %rem3A_50 : vector<16xi32>
    %add3A_52 = arith.constant 7 : i32
    %add3A_53 = vector.broadcast %add3A_52 : i32 to vector<16xi32>
    %add3A_54 = arith.addi %iota3A, %add3A_53 : vector<16xi32>
    %rem3A_55 = arith.constant 16 : i32
    %rem3A_56 = vector.broadcast %rem3A_55 : i32 to vector<16xi32>
    %rem3A_57 = arith.remsi %add3A_54, %rem3A_56 : vector<16xi32>
    %add3A_58 = arith.constant 8 : i32
    %add3A_59 = vector.broadcast %add3A_58 : i32 to vector<16xi32>
    %add3A_60 = arith.addi %iota3A, %add3A_59 : vector<16xi32>
    %rem3A_61 = arith.constant 16 : i32
    %rem3A_62 = vector.broadcast %rem3A_61 : i32 to vector<16xi32>
    %rem3A_63 = arith.remsi %add3A_60, %rem3A_62 : vector<16xi32>
    %add3A_64 = arith.constant 9 : i32
    %add3A_65 = vector.broadcast %add3A_64 : i32 to vector<16xi32>
    %add3A_66 = arith.addi %iota3A, %add3A_65 : vector<16xi32>
    %rem3A_67 = arith.constant 16 : i32
    %rem3A_68 = vector.broadcast %rem3A_67 : i32 to vector<16xi32>
    %rem3A_69 = arith.remsi %add3A_66, %rem3A_68 : vector<16xi32>
    %add3A_70 = arith.constant 10 : i32
    %add3A_71 = vector.broadcast %add3A_70 : i32 to vector<16xi32>
    %add3A_72 = arith.addi %iota3A, %add3A_71 : vector<16xi32>
    %rem3A_73 = arith.constant 16 : i32
    %rem3A_74 = vector.broadcast %rem3A_73 : i32 to vector<16xi32>
    %rem3A_75 = arith.remsi %add3A_72, %rem3A_74 : vector<16xi32>
    %add3A_76 = arith.constant 11 : i32
    %add3A_77 = vector.broadcast %add3A_76 : i32 to vector<16xi32>
    %add3A_78 = arith.addi %iota3A, %add3A_77 : vector<16xi32>
    %rem3A_79 = arith.constant 16 : i32
    %rem3A_80 = vector.broadcast %rem3A_79 : i32 to vector<16xi32>
    %rem3A_81 = arith.remsi %add3A_78, %rem3A_80 : vector<16xi32>
    %add3A_82 = arith.constant 12 : i32
    %add3A_83 = vector.broadcast %add3A_82 : i32 to vector<16xi32>
    %add3A_84 = arith.addi %iota3A, %add3A_83 : vector<16xi32>
    %rem3A_85 = arith.constant 16 : i32
    %rem3A_86 = vector.broadcast %rem3A_85 : i32 to vector<16xi32>
    %rem3A_87 = arith.remsi %add3A_84, %rem3A_86 : vector<16xi32>
    %add3A_88 = arith.constant 13 : i32
    %add3A_89 = vector.broadcast %add3A_88 : i32 to vector<16xi32>
    %add3A_90 = arith.addi %iota3A, %add3A_89 : vector<16xi32>
    %rem3A_91 = arith.constant 16 : i32
    %rem3A_92 = vector.broadcast %rem3A_91 : i32 to vector<16xi32>
    %rem3A_93 = arith.remsi %add3A_90, %rem3A_92 : vector<16xi32>
    %add3A_94 = arith.constant 14 : i32
    %add3A_95 = vector.broadcast %add3A_94 : i32 to vector<16xi32>
    %add3A_96 = arith.addi %iota3A, %add3A_95 : vector<16xi32>
    %rem3A_97 = arith.constant 16 : i32
    %rem3A_98 = vector.broadcast %rem3A_97 : i32 to vector<16xi32>
    %rem3A_99 = arith.remsi %add3A_96, %rem3A_98 : vector<16xi32>
    %add3A_100 = arith.constant 15 : i32
    %add3A_101 = vector.broadcast %add3A_100 : i32 to vector<16xi32>
    %add3A_102 = arith.addi %iota3A, %add3A_101 : vector<16xi32>
    %rem3A_103 = arith.constant 16 : i32
    %rem3A_104 = vector.broadcast %rem3A_103 : i32 to vector<16xi32>
    %rem3A_105 = arith.remsi %add3A_102, %rem3A_104 : vector<16xi32>
    %dma_start3A = arith.constant 0 : i32
    %dma_start3A_106 = tpu.memref_slice %arg7[%dma_start3A] : memref<10112xi32, #tpu.memory_space<vmem>> -> memref<128xi32, #tpu.memory_space<vmem>>
    %dma_start3A_107 = arith.constant 0 : i32
    %dma_start3A_108 = arith.constant 0 : i32
    %dma_start3A_109 = tpu.memref_slice %arg2[%dma_start3A_107, %dma_start3A_108] : memref<10000x128xf32, #tpu.memory_space<hbm>> -> memref<10000x128xf32, #tpu.memory_space<hbm>>
    tpu.enqueue_indirect_dma source(%dma_start3A_109 : memref<10000x128xf32, #tpu.memory_space<hbm>>) target(%arg9 : memref<128x128xf32, #tpu.memory_space<vmem>>) offsets(%dma_start3A_106 : memref<128xi32, #tpu.memory_space<vmem>>) semaphore(%arg14 : memref<!tpu.dma_semaphore, #tpu.memory_space<semaphore_mem>>)
    %dma_start3A_110 = arith.constant 0 : i32
    %dma_start3A_111 = tpu.memref_slice %arg8[%dma_start3A_110] : memref<10112xi32, #tpu.memory_space<vmem>> -> memref<128xi32, #tpu.memory_space<vmem>>
    %dma_start3A_112 = arith.constant 0 : i32
    %dma_start3A_113 = arith.constant 0 : i32
    %dma_start3A_114 = tpu.memref_slice %arg2[%dma_start3A_112, %dma_start3A_113] : memref<10000x128xf32, #tpu.memory_space<hbm>> -> memref<10000x128xf32, #tpu.memory_space<hbm>>
    tpu.enqueue_indirect_dma source(%dma_start3A_114 : memref<10000x128xf32, #tpu.memory_space<hbm>>) target(%arg10 : memref<128x128xf32, #tpu.memory_space<vmem>>) offsets(%dma_start3A_111 : memref<128xi32, #tpu.memory_space<vmem>>) semaphore(%arg14 : memref<!tpu.dma_semaphore, #tpu.memory_space<semaphore_mem>>)
    %dma_start3A_115 = arith.constant 128 : i32
    %dma_start3A_116 = tpu.memref_slice %arg7[%dma_start3A_115] : memref<10112xi32, #tpu.memory_space<vmem>> -> memref<128xi32, #tpu.memory_space<vmem>>
    %dma_start3A_117 = arith.constant 0 : i32
    %dma_start3A_118 = arith.constant 0 : i32
    %dma_start3A_119 = tpu.memref_slice %arg2[%dma_start3A_117, %dma_start3A_118] : memref<10000x128xf32, #tpu.memory_space<hbm>> -> memref<10000x128xf32, #tpu.memory_space<hbm>>
    tpu.enqueue_indirect_dma source(%dma_start3A_119 : memref<10000x128xf32, #tpu.memory_space<hbm>>) target(%arg11 : memref<128x128xf32, #tpu.memory_space<vmem>>) offsets(%dma_start3A_116 : memref<128xi32, #tpu.memory_space<vmem>>) semaphore(%arg15 : memref<!tpu.dma_semaphore, #tpu.memory_space<semaphore_mem>>)
    %dma_start3A_120 = arith.constant 128 : i32
    %dma_start3A_121 = tpu.memref_slice %arg8[%dma_start3A_120] : memref<10112xi32, #tpu.memory_space<vmem>> -> memref<128xi32, #tpu.memory_space<vmem>>
    %dma_start3A_122 = arith.constant 0 : i32
    %dma_start3A_123 = arith.constant 0 : i32
    %dma_start3A_124 = tpu.memref_slice %arg2[%dma_start3A_122, %dma_start3A_123] : memref<10000x128xf32, #tpu.memory_space<hbm>> -> memref<10000x128xf32, #tpu.memory_space<hbm>>
    tpu.enqueue_indirect_dma source(%dma_start3A_124 : memref<10000x128xf32, #tpu.memory_space<hbm>>) target(%arg12 : memref<128x128xf32, #tpu.memory_space<vmem>>) offsets(%dma_start3A_121 : memref<128xi32, #tpu.memory_space<vmem>>) semaphore(%arg15 : memref<!tpu.dma_semaphore, #tpu.memory_space<semaphore_mem>>)
    %scan3A = arith.constant 0 : i32
    %scan3A_125 = arith.constant 0 : i32
    %scan3A_126 = arith.constant 40 : i32
    %scan3A_127 = arith.addi %scan3A_125, %scan3A_126 : i32
    %scan3A_128 = arith.constant 1 : i32
    scf.for %scan3A_135 = %scan3A_125 to %scan3A_127 step %scan3A_128  : i32 {
      %mul3A_136 = arith.constant 2 : i32
      %mul3A_137 = arith.muli %mul3A_136, %scan3A_135 : i32
      %add3A_138 = arith.constant 0 : i32
      %add3A_139 = arith.addi %mul3A_137, %add3A_138 : i32
      %lt3A_140 = arith.cmpi slt, %add3A_139, %add3A_4 : i32
      %convert_element_type3A = arith.extui %lt3A_140 : i1 to i32
      %cond3A = arith.constant 0 : i32
      %cond3A_141 = arith.cmpi ne, %convert_element_type3A, %cond3A : i32
      scf.if %cond3A_141 {
        %add3A_150 = arith.addi %add3A_8, %add3A_139 : i32
        %mul3A_151 = arith.constant 128 : i32
        %mul3A_152 = arith.muli %add3A_150, %mul3A_151 : i32
        %dma_wait3A_153 = arith.constant 0 : i32
        %dma_wait3A_154 = arith.constant 0 : i32
        %dma_wait3A_155 = tpu.memref_slice %arg2[%dma_wait3A_153, %dma_wait3A_154] : memref<10000x128xf32, #tpu.memory_space<hbm>> -> memref<128x128xf32, #tpu.memory_space<hbm>>
        %dma_wait3A_156 = arith.constant 0 : i32
        %dma_wait3A_157 = arith.constant 0 : i32
        %dma_wait3A_158 = tpu.memref_slice %arg2[%dma_wait3A_156, %dma_wait3A_157] : memref<10000x128xf32, #tpu.memory_space<hbm>> -> memref<128x128xf32, #tpu.memory_space<hbm>>
        tpu.wait_dma2 semaphore(%arg14 : memref<!tpu.dma_semaphore, #tpu.memory_space<semaphore_mem>>) src(%dma_wait3A_158 : memref<128x128xf32, #tpu.memory_space<hbm>>) dst(%arg9 : memref<128x128xf32, #tpu.memory_space<vmem>>)
        %dma_wait3A_159 = arith.constant 0 : i32
        %dma_wait3A_160 = arith.constant 0 : i32
        %dma_wait3A_161 = tpu.memref_slice %arg2[%dma_wait3A_159, %dma_wait3A_160] : memref<10000x128xf32, #tpu.memory_space<hbm>> -> memref<128x128xf32, #tpu.memory_space<hbm>>
        %dma_wait3A_162 = arith.constant 0 : i32
        %dma_wait3A_163 = arith.constant 0 : i32
        %dma_wait3A_164 = tpu.memref_slice %arg2[%dma_wait3A_162, %dma_wait3A_163] : memref<10000x128xf32, #tpu.memory_space<hbm>> -> memref<128x128xf32, #tpu.memory_space<hbm>>
        tpu.wait_dma2 semaphore(%arg14 : memref<!tpu.dma_semaphore, #tpu.memory_space<semaphore_mem>>) src(%dma_wait3A_164 : memref<128x128xf32, #tpu.memory_space<hbm>>) dst(%arg10 : memref<128x128xf32, #tpu.memory_space<vmem>>)
        %ge3A = arith.constant 1 : i32
        %ge3A_165 = arith.cmpi sge, %add3A_139, %ge3A : i32
        %convert_element_type3A_166 = arith.extui %ge3A_165 : i1 to i32
        %cond3A_167 = arith.constant 0 : i32
        %cond3A_168 = arith.cmpi ne, %convert_element_type3A_166, %cond3A_167 : i32
        scf.if %cond3A_168 {
          %dma_wait3A_206 = arith.constant 0 : i32
          %dma_wait3A_207 = arith.constant 0 : i32
          %dma_wait3A_208 = tpu.memref_slice %arg6[%dma_wait3A_206, %dma_wait3A_207] : memref<272x320000xf32, #tpu.memory_space<hbm>> -> memref<272x128xf32, #tpu.memory_space<hbm>>
          %dma_wait3A_209 = arith.constant 0 : i32
          %dma_wait3A_210 = arith.constant 0 : i32
          %dma_wait3A_211 = tpu.memref_slice %arg6[%dma_wait3A_209, %dma_wait3A_210] : memref<272x320000xf32, #tpu.memory_space<hbm>> -> memref<272x128xf32, #tpu.memory_space<hbm>>
          tpu.wait_dma2 semaphore(%arg17 : memref<!tpu.dma_semaphore, #tpu.memory_space<semaphore_mem>>) src(%arg13 : memref<272x128xf32, #tpu.memory_space<vmem>>) dst(%dma_wait3A_211 : memref<272x128xf32, #tpu.memory_space<hbm>>)
        } else {
        }
        %dma_start3A_169 = arith.constant 256 : i32
        %dma_start3A_170 = arith.constant 0 : i32
        %dma_start3A_171 = tpu.memref_slice %arg13[%dma_start3A_169, %dma_start3A_170] : memref<272x128xf32, #tpu.memory_space<vmem>> -> memref<16x128xf32, #tpu.memory_space<vmem>>
        %dma_start3A_172 = arith.constant 0 : i32
        %dma_start3A_173 = tpu.memref_slice %arg3[%dma_start3A_172, %mul3A_152] : memref<16x320000xf32, #tpu.memory_space<hbm>> -> memref<16x128xf32, #tpu.memory_space<hbm>>
        %dma_start3A_174 = arith.constant 256 : i32
        %dma_start3A_175 = arith.constant 0 : i32
        %dma_start3A_176 = tpu.memref_slice %arg13[%dma_start3A_174, %dma_start3A_175] : memref<272x128xf32, #tpu.memory_space<vmem>> -> memref<16x128xf32, #tpu.memory_space<vmem>>
        %dma_start3A_177 = arith.constant 0 : i32
        %dma_start3A_178 = tpu.memref_slice %arg3[%dma_start3A_177, %mul3A_152] : memref<16x320000xf32, #tpu.memory_space<hbm>> -> memref<16x128xf32, #tpu.memory_space<hbm>>
        tpu.enqueue_dma source(%dma_start3A_178 : memref<16x128xf32, #tpu.memory_space<hbm>>) target(%dma_start3A_176 : memref<16x128xf32, #tpu.memory_space<vmem>>) target_semaphore(%arg16 : memref<!tpu.dma_semaphore, #tpu.memory_space<semaphore_mem>>)
        %parallel_loop3A = arith.constant 0 : i32
        %parallel_loop3A_179 = arith.constant 64 : i32
        %parallel_loop3A_180 = arith.constant 1 : i32
        scf.for %parallel_loop3A_206 = %parallel_loop3A to %parallel_loop3A_179 step %parallel_loop3A_180  : i32 {
          %parallel_loop3A_207 = arith.constant 8 : i32
          %parallel_loop3A_208 = arith.constant 0 : i32
          %parallel_loop3A_209 = arith.cmpi eq, %parallel_loop3A_207, %parallel_loop3A_208 : i32
          %parallel_loop3A_210 = arith.constant 1 : i32
          %parallel_loop3A_211 = arith.select %parallel_loop3A_209, %parallel_loop3A_210, %parallel_loop3A_207 : i32
          %parallel_loop3A_212 = arith.remsi %parallel_loop3A_206, %parallel_loop3A_211 : i32
          %parallel_loop3A_213 = arith.constant 0 : i32
          %parallel_loop3A_214 = arith.cmpi ne, %parallel_loop3A_212, %parallel_loop3A_213 : i32
          %parallel_loop3A_215 = arith.constant 0 : i32
          %parallel_loop3A_216 = arith.cmpi slt, %parallel_loop3A_212, %parallel_loop3A_215 : i32
          %parallel_loop3A_217 = arith.constant 0 : i32
          %parallel_loop3A_218 = arith.cmpi slt, %parallel_loop3A_211, %parallel_loop3A_217 : i32
          %parallel_loop3A_219 = arith.xori %parallel_loop3A_216, %parallel_loop3A_218 : i1
          %parallel_loop3A_220 = arith.andi %parallel_loop3A_219, %parallel_loop3A_214 : i1
          %parallel_loop3A_221 = arith.addi %parallel_loop3A_212, %parallel_loop3A_211 : i32
          %parallel_loop3A_222 = arith.select %parallel_loop3A_220, %parallel_loop3A_221, %parallel_loop3A_212 : i32
          %parallel_loop3A_223 = arith.constant 16 : i32
          %parallel_loop3A_224 = arith.muli %parallel_loop3A_222, %parallel_loop3A_223 : i32
          %parallel_loop3A_225 = arith.constant 8 : i32
          %parallel_loop3A_226 = arith.divsi %parallel_loop3A_206, %parallel_loop3A_225 : i32
          %parallel_loop3A_227 = arith.constant 0 : i32
          %parallel_loop3A_228 = arith.cmpi sgt, %parallel_loop3A_206, %parallel_loop3A_227 : i32
          %parallel_loop3A_229 = arith.extui %parallel_loop3A_228 : i1 to i32
          %parallel_loop3A_230 = arith.constant 0 : i32
          %parallel_loop3A_231 = arith.cmpi slt, %parallel_loop3A_206, %parallel_loop3A_230 : i32
          %parallel_loop3A_232 = arith.extui %parallel_loop3A_231 : i1 to i32
          %parallel_loop3A_233 = arith.subi %parallel_loop3A_229, %parallel_loop3A_232 : i32
          %parallel_loop3A_234 = arith.constant 0 : i32
          %parallel_loop3A_235 = arith.cmpi sgt, %parallel_loop3A_225, %parallel_loop3A_234 : i32
          %parallel_loop3A_236 = arith.extui %parallel_loop3A_235 : i1 to i32
          %parallel_loop3A_237 = arith.constant 0 : i32
          %parallel_loop3A_238 = arith.cmpi slt, %parallel_loop3A_225, %parallel_loop3A_237 : i32
          %parallel_loop3A_239 = arith.extui %parallel_loop3A_238 : i1 to i32
          %parallel_loop3A_240 = arith.subi %parallel_loop3A_236, %parallel_loop3A_239 : i32
          %parallel_loop3A_241 = arith.cmpi ne, %parallel_loop3A_233, %parallel_loop3A_240 : i32
          %parallel_loop3A_242 = arith.remsi %parallel_loop3A_206, %parallel_loop3A_225 : i32
          %parallel_loop3A_243 = arith.constant 0 : i32
          %parallel_loop3A_244 = arith.cmpi ne, %parallel_loop3A_242, %parallel_loop3A_243 : i32
          %parallel_loop3A_245 = arith.andi %parallel_loop3A_241, %parallel_loop3A_244 : i1
          %parallel_loop3A_246 = arith.constant 1 : i32
          %parallel_loop3A_247 = arith.subi %parallel_loop3A_226, %parallel_loop3A_246 : i32
          %parallel_loop3A_248 = arith.select %parallel_loop3A_245, %parallel_loop3A_247, %parallel_loop3A_226 : i32
          %parallel_loop3A_249 = arith.constant 16 : i32
          %parallel_loop3A_250 = arith.muli %parallel_loop3A_248, %parallel_loop3A_249 : i32
          %parallel_loop3A_251 = vector.broadcast %parallel_loop3A_250 : i32 to vector<16xi32>
          %parallel_loop3A_252 = arith.addi %parallel_loop3A_251, %iota3A : vector<16xi32>
          %parallel_loop3A_253 = arith.constant 0 : i32
          %parallel_loop3A_254 = arith.addi %parallel_loop3A_253, %parallel_loop3A_224 : i32
          %parallel_loop3A_255 = vector.broadcast %parallel_loop3A_254 : i32 to vector<16xi32>
          %parallel_loop3A_256 = vector.broadcast %parallel_loop3A_224 : i32 to vector<16xi32>
          %parallel_loop3A_257 = arith.addi %parallel_loop3A_256, %rem3A_15 : vector<16xi32>
          %parallel_loop3A_258 = tpu.vector_load_idx %arg9[%parallel_loop3A_252, %parallel_loop3A_257] : memref<128x128xf32, #tpu.memory_space<vmem>>[vector<16xi32>, vector<16xi32>], vector<16xf32>,
          %parallel_loop3A_259 = arith.addi %parallel_loop3A_255, %rem3A_15 : vector<16xi32>
          tpu.vector_store_idx %arg13[%parallel_loop3A_259, %parallel_loop3A_252], %parallel_loop3A_258 : memref<272x128xf32, #tpu.memory_space<vmem>>[vector<16xi32>, vector<16xi32>], vector<16xf32>,
          %parallel_loop3A_260 = vector.broadcast %parallel_loop3A_224 : i32 to vector<16xi32>
          %parallel_loop3A_261 = arith.addi %parallel_loop3A_260, %rem3A_21 : vector<16xi32>
          %parallel_loop3A_262 = tpu.vector_load_idx %arg9[%parallel_loop3A_252, %parallel_loop3A_261] : memref<128x128xf32, #tpu.memory_space<vmem>>[vector<16xi32>, vector<16xi32>], vector<16xf32>,
          %parallel_loop3A_263 = arith.addi %parallel_loop3A_255, %rem3A_21 : vector<16xi32>
          tpu.vector_store_idx %arg13[%parallel_loop3A_263, %parallel_loop3A_252], %parallel_loop3A_262 : memref<272x128xf32, #tpu.memory_space<vmem>>[vector<16xi32>, vector<16xi32>], vector<16xf32>,
          %parallel_loop3A_264 = vector.broadcast %parallel_loop3A_224 : i32 to vector<16xi32>
          %parallel_loop3A_265 = arith.addi %parallel_loop3A_264, %rem3A_27 : vector<16xi32>
          %parallel_loop3A_266 = tpu.vector_load_idx %arg9[%parallel_loop3A_252, %parallel_loop3A_265] : memref<128x128xf32, #tpu.memory_space<vmem>>[vector<16xi32>, vector<16xi32>], vector<16xf32>,
          %parallel_loop3A_267 = arith.addi %parallel_loop3A_255, %rem3A_27 : vector<16xi32>
          tpu.vector_store_idx %arg13[%parallel_loop3A_267, %parallel_loop3A_252], %parallel_loop3A_266 : memref<272x128xf32, #tpu.memory_space<vmem>>[vector<16xi32>, vector<16xi32>], vector<16xf32>,
          %parallel_loop3A_268 = vector.broadcast %parallel_loop3A_224 : i32 to vector<16xi32>
          %parallel_loop3A_269 = arith.addi %parallel_loop3A_268, %rem3A_33 : vector<16xi32>
          %parallel_loop3A_270 = tpu.vector_load_idx %arg9[%parallel_loop3A_252, %parallel_loop3A_269] : memref<128x128xf32, #tpu.memory_space<vmem>>[vector<16xi32>, vector<16xi32>], vector<16xf32>,
          %parallel_loop3A_271 = arith.addi %parallel_loop3A_255, %rem3A_33 : vector<16xi32>
          tpu.vector_store_idx %arg13[%parallel_loop3A_271, %parallel_loop3A_252], %parallel_loop3A_270 : memref<272x128xf32, #tpu.memory_space<vmem>>[vector<16xi32>, vector<16xi32>], vector<16xf32>,
          %parallel_loop3A_272 = vector.broadcast %parallel_loop3A_224 : i32 to vector<16xi32>
          %parallel_loop3A_273 = arith.addi %parallel_loop3A_272, %rem3A_39 : vector<16xi32>
          %parallel_loop3A_274 = tpu.vector_load_idx %arg9[%parallel_loop3A_252, %parallel_loop3A_273] : memref<128x128xf32, #tpu.memory_space<vmem>>[vector<16xi32>, vector<16xi32>], vector<16xf32>,
          %parallel_loop3A_275 = arith.addi %parallel_loop3A_255, %rem3A_39 : vector<16xi32>
          tpu.vector_store_idx %arg13[%parallel_loop3A_275, %parallel_loop3A_252], %parallel_loop3A_274 : memref<272x128xf32, #tpu.memory_space<vmem>>[vector<16xi32>, vector<16xi32>], vector<16xf32>,
          %parallel_loop3A_276 = vector.broadcast %parallel_loop3A_224 : i32 to vector<16xi32>
          %parallel_loop3A_277 = arith.addi %parallel_loop3A_276, %rem3A_45 : vector<16xi32>
          %parallel_loop3A_278 = tpu.vector_load_idx %arg9[%parallel_loop3A_252, %parallel_loop3A_277] : memref<128x128xf32, #tpu.memory_space<vmem>>[vector<16xi32>, vector<16xi32>], vector<16xf32>,
          %parallel_loop3A_279 = arith.addi %parallel_loop3A_255, %rem3A_45 : vector<16xi32>
          tpu.vector_store_idx %arg13[%parallel_loop3A_279, %parallel_loop3A_252], %parallel_loop3A_278 : memref<272x128xf32, #tpu.memory_space<vmem>>[vector<16xi32>, vector<16xi32>], vector<16xf32>,
          %parallel_loop3A_280 = vector.broadcast %parallel_loop3A_224 : i32 to vector<16xi32>
          %parallel_loop3A_281 = arith.addi %parallel_loop3A_280, %rem3A_51 : vector<16xi32>
          %parallel_loop3A_282 = tpu.vector_load_idx %arg9[%parallel_loop3A_252, %parallel_loop3A_281] : memref<128x128xf32, #tpu.memory_space<vmem>>[vector<16xi32>, vector<16xi32>], vector<16xf32>,
          %parallel_loop3A_283 = arith.addi %parallel_loop3A_255, %rem3A_51 : vector<16xi32>
          tpu.vector_store_idx %arg13[%parallel_loop3A_283, %parallel_loop3A_252], %parallel_loop3A_282 : memref<272x128xf32, #tpu.memory_space<vmem>>[vector<16xi32>, vector<16xi32>], vector<16xf32>,
          %parallel_loop3A_284 = vector.broadcast %parallel_loop3A_224 : i32 to vector<16xi32>
          %parallel_loop3A_285 = arith.addi %parallel_loop3A_284, %rem3A_57 : vector<16xi32>
          %parallel_loop3A_286 = tpu.vector_load_idx %arg9[%parallel_loop3A_252, %parallel_loop3A_285] : memref<128x128xf32, #tpu.memory_space<vmem>>[vector<16xi32>, vector<16xi32>], vector<16xf32>,
          %parallel_loop3A_287 = arith.addi %parallel_loop3A_255, %rem3A_57 : vector<16xi32>
          tpu.vector_store_idx %arg13[%parallel_loop3A_287, %parallel_loop3A_252], %parallel_loop3A_286 : memref<272x128xf32, #tpu.memory_space<vmem>>[vector<16xi32>, vector<16xi32>], vector<16xf32>,
          %parallel_loop3A_288 = vector.broadcast %parallel_loop3A_224 : i32 to vector<16xi32>
          %parallel_loop3A_289 = arith.addi %parallel_loop3A_288, %rem3A_63 : vector<16xi32>
          %parallel_loop3A_290 = tpu.vector_load_idx %arg9[%parallel_loop3A_252, %parallel_loop3A_289] : memref<128x128xf32, #tpu.memory_space<vmem>>[vector<16xi32>, vector<16xi32>], vector<16xf32>,
          %parallel_loop3A_291 = arith.addi %parallel_loop3A_255, %rem3A_63 : vector<16xi32>
          tpu.vector_store_idx %arg13[%parallel_loop3A_291, %parallel_loop3A_252], %parallel_loop3A_290 : memref<272x128xf32, #tpu.memory_space<vmem>>[vector<16xi32>, vector<16xi32>], vector<16xf32>,
          %parallel_loop3A_292 = vector.broadcast %parallel_loop3A_224 : i32 to vector<16xi32>
          %parallel_loop3A_293 = arith.addi %parallel_loop3A_292, %rem3A_69 : vector<16xi32>
          %parallel_loop3A_294 = tpu.vector_load_idx %arg9[%parallel_loop3A_252, %parallel_loop3A_293] : memref<128x128xf32, #tpu.memory_space<vmem>>[vector<16xi32>, vector<16xi32>], vector<16xf32>,
          %parallel_loop3A_295 = arith.addi %parallel_loop3A_255, %rem3A_69 : vector<16xi32>
          tpu.vector_store_idx %arg13[%parallel_loop3A_295, %parallel_loop3A_252], %parallel_loop3A_294 : memref<272x128xf32, #tpu.memory_space<vmem>>[vector<16xi32>, vector<16xi32>], vector<16xf32>,
          %parallel_loop3A_296 = vector.broadcast %parallel_loop3A_224 : i32 to vector<16xi32>
          %parallel_loop3A_297 = arith.addi %parallel_loop3A_296, %rem3A_75 : vector<16xi32>
          %parallel_loop3A_298 = tpu.vector_load_idx %arg9[%parallel_loop3A_252, %parallel_loop3A_297] : memref<128x128xf32, #tpu.memory_space<vmem>>[vector<16xi32>, vector<16xi32>], vector<16xf32>,
          %parallel_loop3A_299 = arith.addi %parallel_loop3A_255, %rem3A_75 : vector<16xi32>
          tpu.vector_store_idx %arg13[%parallel_loop3A_299, %parallel_loop3A_252], %parallel_loop3A_298 : memref<272x128xf32, #tpu.memory_space<vmem>>[vector<16xi32>, vector<16xi32>], vector<16xf32>,
          %parallel_loop3A_300 = vector.broadcast %parallel_loop3A_224 : i32 to vector<16xi32>
          %parallel_loop3A_301 = arith.addi %parallel_loop3A_300, %rem3A_81 : vector<16xi32>
          %parallel_loop3A_302 = tpu.vector_load_idx %arg9[%parallel_loop3A_252, %parallel_loop3A_301] : memref<128x128xf32, #tpu.memory_space<vmem>>[vector<16xi32>, vector<16xi32>], vector<16xf32>,
          %parallel_loop3A_303 = arith.addi %parallel_loop3A_255, %rem3A_81 : vector<16xi32>
          tpu.vector_store_idx %arg13[%parallel_loop3A_303, %parallel_loop3A_252], %parallel_loop3A_302 : memref<272x128xf32, #tpu.memory_space<vmem>>[vector<16xi32>, vector<16xi32>], vector<16xf32>,
          %parallel_loop3A_304 = vector.broadcast %parallel_loop3A_224 : i32 to vector<16xi32>
          %parallel_loop3A_305 = arith.addi %parallel_loop3A_304, %rem3A_87 : vector<16xi32>
          %parallel_loop3A_306 = tpu.vector_load_idx %arg9[%parallel_loop3A_252, %parallel_loop3A_305] : memref<128x128xf32, #tpu.memory_space<vmem>>[vector<16xi32>, vector<16xi32>], vector<16xf32>,
          %parallel_loop3A_307 = arith.addi %parallel_loop3A_255, %rem3A_87 : vector<16xi32>
          tpu.vector_store_idx %arg13[%parallel_loop3A_307, %parallel_loop3A_252], %parallel_loop3A_306 : memref<272x128xf32, #tpu.memory_space<vmem>>[vector<16xi32>, vector<16xi32>], vector<16xf32>,
          %parallel_loop3A_308 = vector.broadcast %parallel_loop3A_224 : i32 to vector<16xi32>
          %parallel_loop3A_309 = arith.addi %parallel_loop3A_308, %rem3A_93 : vector<16xi32>
          %parallel_loop3A_310 = tpu.vector_load_idx %arg9[%parallel_loop3A_252, %parallel_loop3A_309] : memref<128x128xf32, #tpu.memory_space<vmem>>[vector<16xi32>, vector<16xi32>], vector<16xf32>,
          %parallel_loop3A_311 = arith.addi %parallel_loop3A_255, %rem3A_93 : vector<16xi32>
          tpu.vector_store_idx %arg13[%parallel_loop3A_311, %parallel_loop3A_252], %parallel_loop3A_310 : memref<272x128xf32, #tpu.memory_space<vmem>>[vector<16xi32>, vector<16xi32>], vector<16xf32>,
          %parallel_loop3A_312 = vector.broadcast %parallel_loop3A_224 : i32 to vector<16xi32>
          %parallel_loop3A_313 = arith.addi %parallel_loop3A_312, %rem3A_99 : vector<16xi32>
          %parallel_loop3A_314 = tpu.vector_load_idx %arg9[%parallel_loop3A_252, %parallel_loop3A_313] : memref<128x128xf32, #tpu.memory_space<vmem>>[vector<16xi32>, vector<16xi32>], vector<16xf32>,
          %parallel_loop3A_315 = arith.addi %parallel_loop3A_255, %rem3A_99 : vector<16xi32>
          tpu.vector_store_idx %arg13[%parallel_loop3A_315, %parallel_loop3A_252], %parallel_loop3A_314 : memref<272x128xf32, #tpu.memory_space<vmem>>[vector<16xi32>, vector<16xi32>], vector<16xf32>,
          %parallel_loop3A_316 = vector.broadcast %parallel_loop3A_224 : i32 to vector<16xi32>
          %parallel_loop3A_317 = arith.addi %parallel_loop3A_316, %rem3A_105 : vector<16xi32>
          %parallel_loop3A_318 = tpu.vector_load_idx %arg9[%parallel_loop3A_252, %parallel_loop3A_317] : memref<128x128xf32, #tpu.memory_space<vmem>>[vector<16xi32>, vector<16xi32>], vector<16xf32>,
          %parallel_loop3A_319 = arith.addi %parallel_loop3A_255, %rem3A_105 : vector<16xi32>
          tpu.vector_store_idx %arg13[%parallel_loop3A_319, %parallel_loop3A_252], %parallel_loop3A_318 : memref<272x128xf32, #tpu.memory_space<vmem>>[vector<16xi32>, vector<16xi32>], vector<16xf32>,
        } {sc.loop_unroll_factor = 1 : i64, sc.parallel_access}
        %parallel_loop3A_181 = arith.constant 0 : i32
        %parallel_loop3A_182 = arith.constant 64 : i32
        %parallel_loop3A_183 = arith.constant 1 : i32
        scf.for %parallel_loop3A_206 = %parallel_loop3A_181 to %parallel_loop3A_182 step %parallel_loop3A_183  : i32 {
          %parallel_loop3A_207 = arith.constant 8 : i32
          %parallel_loop3A_208 = arith.constant 0 : i32
          %parallel_loop3A_209 = arith.cmpi eq, %parallel_loop3A_207, %parallel_loop3A_208 : i32
          %parallel_loop3A_210 = arith.constant 1 : i32
          %parallel_loop3A_211 = arith.select %parallel_loop3A_209, %parallel_loop3A_210, %parallel_loop3A_207 : i32
          %parallel_loop3A_212 = arith.remsi %parallel_loop3A_206, %parallel_loop3A_211 : i32
          %parallel_loop3A_213 = arith.constant 0 : i32
          %parallel_loop3A_214 = arith.cmpi ne, %parallel_loop3A_212, %parallel_loop3A_213 : i32
          %parallel_loop3A_215 = arith.constant 0 : i32
          %parallel_loop3A_216 = arith.cmpi slt, %parallel_loop3A_212, %parallel_loop3A_215 : i32
          %parallel_loop3A_217 = arith.constant 0 : i32
          %parallel_loop3A_218 = arith.cmpi slt, %parallel_loop3A_211, %parallel_loop3A_217 : i32
          %parallel_loop3A_219 = arith.xori %parallel_loop3A_216, %parallel_loop3A_218 : i1
          %parallel_loop3A_220 = arith.andi %parallel_loop3A_219, %parallel_loop3A_214 : i1
          %parallel_loop3A_221 = arith.addi %parallel_loop3A_212, %parallel_loop3A_211 : i32
          %parallel_loop3A_222 = arith.select %parallel_loop3A_220, %parallel_loop3A_221, %parallel_loop3A_212 : i32
          %parallel_loop3A_223 = arith.constant 16 : i32
          %parallel_loop3A_224 = arith.muli %parallel_loop3A_222, %parallel_loop3A_223 : i32
          %parallel_loop3A_225 = arith.constant 8 : i32
          %parallel_loop3A_226 = arith.divsi %parallel_loop3A_206, %parallel_loop3A_225 : i32
          %parallel_loop3A_227 = arith.constant 0 : i32
          %parallel_loop3A_228 = arith.cmpi sgt, %parallel_loop3A_206, %parallel_loop3A_227 : i32
          %parallel_loop3A_229 = arith.extui %parallel_loop3A_228 : i1 to i32
          %parallel_loop3A_230 = arith.constant 0 : i32
          %parallel_loop3A_231 = arith.cmpi slt, %parallel_loop3A_206, %parallel_loop3A_230 : i32
          %parallel_loop3A_232 = arith.extui %parallel_loop3A_231 : i1 to i32
          %parallel_loop3A_233 = arith.subi %parallel_loop3A_229, %parallel_loop3A_232 : i32
          %parallel_loop3A_234 = arith.constant 0 : i32
          %parallel_loop3A_235 = arith.cmpi sgt, %parallel_loop3A_225, %parallel_loop3A_234 : i32
          %parallel_loop3A_236 = arith.extui %parallel_loop3A_235 : i1 to i32
          %parallel_loop3A_237 = arith.constant 0 : i32
          %parallel_loop3A_238 = arith.cmpi slt, %parallel_loop3A_225, %parallel_loop3A_237 : i32
          %parallel_loop3A_239 = arith.extui %parallel_loop3A_238 : i1 to i32
          %parallel_loop3A_240 = arith.subi %parallel_loop3A_236, %parallel_loop3A_239 : i32
          %parallel_loop3A_241 = arith.cmpi ne, %parallel_loop3A_233, %parallel_loop3A_240 : i32
          %parallel_loop3A_242 = arith.remsi %parallel_loop3A_206, %parallel_loop3A_225 : i32
          %parallel_loop3A_243 = arith.constant 0 : i32
          %parallel_loop3A_244 = arith.cmpi ne, %parallel_loop3A_242, %parallel_loop3A_243 : i32
          %parallel_loop3A_245 = arith.andi %parallel_loop3A_241, %parallel_loop3A_244 : i1
          %parallel_loop3A_246 = arith.constant 1 : i32
          %parallel_loop3A_247 = arith.subi %parallel_loop3A_226, %parallel_loop3A_246 : i32
          %parallel_loop3A_248 = arith.select %parallel_loop3A_245, %parallel_loop3A_247, %parallel_loop3A_226 : i32
          %parallel_loop3A_249 = arith.constant 16 : i32
          %parallel_loop3A_250 = arith.muli %parallel_loop3A_248, %parallel_loop3A_249 : i32
          %parallel_loop3A_251 = vector.broadcast %parallel_loop3A_250 : i32 to vector<16xi32>
          %parallel_loop3A_252 = arith.addi %parallel_loop3A_251, %iota3A : vector<16xi32>
          %parallel_loop3A_253 = arith.constant 128 : i32
          %parallel_loop3A_254 = arith.addi %parallel_loop3A_253, %parallel_loop3A_224 : i32
          %parallel_loop3A_255 = vector.broadcast %parallel_loop3A_254 : i32 to vector<16xi32>
          %parallel_loop3A_256 = vector.broadcast %parallel_loop3A_224 : i32 to vector<16xi32>
          %parallel_loop3A_257 = arith.addi %parallel_loop3A_256, %rem3A_15 : vector<16xi32>
          %parallel_loop3A_258 = tpu.vector_load_idx %arg10[%parallel_loop3A_252, %parallel_loop3A_257] : memref<128x128xf32, #tpu.memory_space<vmem>>[vector<16xi32>, vector<16xi32>], vector<16xf32>,
          %parallel_loop3A_259 = arith.addi %parallel_loop3A_255, %rem3A_15 : vector<16xi32>
          tpu.vector_store_idx %arg13[%parallel_loop3A_259, %parallel_loop3A_252], %parallel_loop3A_258 : memref<272x128xf32, #tpu.memory_space<vmem>>[vector<16xi32>, vector<16xi32>], vector<16xf32>,
          %parallel_loop3A_260 = vector.broadcast %parallel_loop3A_224 : i32 to vector<16xi32>
          %parallel_loop3A_261 = arith.addi %parallel_loop3A_260, %rem3A_21 : vector<16xi32>
          %parallel_loop3A_262 = tpu.vector_load_idx %arg10[%parallel_loop3A_252, %parallel_loop3A_261] : memref<128x128xf32, #tpu.memory_space<vmem>>[vector<16xi32>, vector<16xi32>], vector<16xf32>,
          %parallel_loop3A_263 = arith.addi %parallel_loop3A_255, %rem3A_21 : vector<16xi32>
          tpu.vector_store_idx %arg13[%parallel_loop3A_263, %parallel_loop3A_252], %parallel_loop3A_262 : memref<272x128xf32, #tpu.memory_space<vmem>>[vector<16xi32>, vector<16xi32>], vector<16xf32>,
          %parallel_loop3A_264 = vector.broadcast %parallel_loop3A_224 : i32 to vector<16xi32>
          %parallel_loop3A_265 = arith.addi %parallel_loop3A_264, %rem3A_27 : vector<16xi32>
          %parallel_loop3A_266 = tpu.vector_load_idx %arg10[%parallel_loop3A_252, %parallel_loop3A_265] : memref<128x128xf32, #tpu.memory_space<vmem>>[vector<16xi32>, vector<16xi32>], vector<16xf32>,
          %parallel_loop3A_267 = arith.addi %parallel_loop3A_255, %rem3A_27 : vector<16xi32>
          tpu.vector_store_idx %arg13[%parallel_loop3A_267, %parallel_loop3A_252], %parallel_loop3A_266 : memref<272x128xf32, #tpu.memory_space<vmem>>[vector<16xi32>, vector<16xi32>], vector<16xf32>,
          %parallel_loop3A_268 = vector.broadcast %parallel_loop3A_224 : i32 to vector<16xi32>
          %parallel_loop3A_269 = arith.addi %parallel_loop3A_268, %rem3A_33 : vector<16xi32>
          %parallel_loop3A_270 = tpu.vector_load_idx %arg10[%parallel_loop3A_252, %parallel_loop3A_269] : memref<128x128xf32, #tpu.memory_space<vmem>>[vector<16xi32>, vector<16xi32>], vector<16xf32>,
          %parallel_loop3A_271 = arith.addi %parallel_loop3A_255, %rem3A_33 : vector<16xi32>
          tpu.vector_store_idx %arg13[%parallel_loop3A_271, %parallel_loop3A_252], %parallel_loop3A_270 : memref<272x128xf32, #tpu.memory_space<vmem>>[vector<16xi32>, vector<16xi32>], vector<16xf32>,
          %parallel_loop3A_272 = vector.broadcast %parallel_loop3A_224 : i32 to vector<16xi32>
          %parallel_loop3A_273 = arith.addi %parallel_loop3A_272, %rem3A_39 : vector<16xi32>
          %parallel_loop3A_274 = tpu.vector_load_idx %arg10[%parallel_loop3A_252, %parallel_loop3A_273] : memref<128x128xf32, #tpu.memory_space<vmem>>[vector<16xi32>, vector<16xi32>], vector<16xf32>,
          %parallel_loop3A_275 = arith.addi %parallel_loop3A_255, %rem3A_39 : vector<16xi32>
          tpu.vector_store_idx %arg13[%parallel_loop3A_275, %parallel_loop3A_252], %parallel_loop3A_274 : memref<272x128xf32, #tpu.memory_space<vmem>>[vector<16xi32>, vector<16xi32>], vector<16xf32>,
          %parallel_loop3A_276 = vector.broadcast %parallel_loop3A_224 : i32 to vector<16xi32>
          %parallel_loop3A_277 = arith.addi %parallel_loop3A_276, %rem3A_45 : vector<16xi32>
          %parallel_loop3A_278 = tpu.vector_load_idx %arg10[%parallel_loop3A_252, %parallel_loop3A_277] : memref<128x128xf32, #tpu.memory_space<vmem>>[vector<16xi32>, vector<16xi32>], vector<16xf32>,
          %parallel_loop3A_279 = arith.addi %parallel_loop3A_255, %rem3A_45 : vector<16xi32>
          tpu.vector_store_idx %arg13[%parallel_loop3A_279, %parallel_loop3A_252], %parallel_loop3A_278 : memref<272x128xf32, #tpu.memory_space<vmem>>[vector<16xi32>, vector<16xi32>], vector<16xf32>,
          %parallel_loop3A_280 = vector.broadcast %parallel_loop3A_224 : i32 to vector<16xi32>
          %parallel_loop3A_281 = arith.addi %parallel_loop3A_280, %rem3A_51 : vector<16xi32>
          %parallel_loop3A_282 = tpu.vector_load_idx %arg10[%parallel_loop3A_252, %parallel_loop3A_281] : memref<128x128xf32, #tpu.memory_space<vmem>>[vector<16xi32>, vector<16xi32>], vector<16xf32>,
          %parallel_loop3A_283 = arith.addi %parallel_loop3A_255, %rem3A_51 : vector<16xi32>
          tpu.vector_store_idx %arg13[%parallel_loop3A_283, %parallel_loop3A_252], %parallel_loop3A_282 : memref<272x128xf32, #tpu.memory_space<vmem>>[vector<16xi32>, vector<16xi32>], vector<16xf32>,
          %parallel_loop3A_284 = vector.broadcast %parallel_loop3A_224 : i32 to vector<16xi32>
          %parallel_loop3A_285 = arith.addi %parallel_loop3A_284, %rem3A_57 : vector<16xi32>
          %parallel_loop3A_286 = tpu.vector_load_idx %arg10[%parallel_loop3A_252, %parallel_loop3A_285] : memref<128x128xf32, #tpu.memory_space<vmem>>[vector<16xi32>, vector<16xi32>], vector<16xf32>,
          %parallel_loop3A_287 = arith.addi %parallel_loop3A_255, %rem3A_57 : vector<16xi32>
          tpu.vector_store_idx %arg13[%parallel_loop3A_287, %parallel_loop3A_252], %parallel_loop3A_286 : memref<272x128xf32, #tpu.memory_space<vmem>>[vector<16xi32>, vector<16xi32>], vector<16xf32>,
          %parallel_loop3A_288 = vector.broadcast %parallel_loop3A_224 : i32 to vector<16xi32>
          %parallel_loop3A_289 = arith.addi %parallel_loop3A_288, %rem3A_63 : vector<16xi32>
          %parallel_loop3A_290 = tpu.vector_load_idx %arg10[%parallel_loop3A_252, %parallel_loop3A_289] : memref<128x128xf32, #tpu.memory_space<vmem>>[vector<16xi32>, vector<16xi32>], vector<16xf32>,
          %parallel_loop3A_291 = arith.addi %parallel_loop3A_255, %rem3A_63 : vector<16xi32>
          tpu.vector_store_idx %arg13[%parallel_loop3A_291, %parallel_loop3A_252], %parallel_loop3A_290 : memref<272x128xf32, #tpu.memory_space<vmem>>[vector<16xi32>, vector<16xi32>], vector<16xf32>,
          %parallel_loop3A_292 = vector.broadcast %parallel_loop3A_224 : i32 to vector<16xi32>
          %parallel_loop3A_293 = arith.addi %parallel_loop3A_292, %rem3A_69 : vector<16xi32>
          %parallel_loop3A_294 = tpu.vector_load_idx %arg10[%parallel_loop3A_252, %parallel_loop3A_293] : memref<128x128xf32, #tpu.memory_space<vmem>>[vector<16xi32>, vector<16xi32>], vector<16xf32>,
          %parallel_loop3A_295 = arith.addi %parallel_loop3A_255, %rem3A_69 : vector<16xi32>
          tpu.vector_store_idx %arg13[%parallel_loop3A_295, %parallel_loop3A_252], %parallel_loop3A_294 : memref<272x128xf32, #tpu.memory_space<vmem>>[vector<16xi32>, vector<16xi32>], vector<16xf32>,
          %parallel_loop3A_296 = vector.broadcast %parallel_loop3A_224 : i32 to vector<16xi32>
          %parallel_loop3A_297 = arith.addi %parallel_loop3A_296, %rem3A_75 : vector<16xi32>
          %parallel_loop3A_298 = tpu.vector_load_idx %arg10[%parallel_loop3A_252, %parallel_loop3A_297] : memref<128x128xf32, #tpu.memory_space<vmem>>[vector<16xi32>, vector<16xi32>], vector<16xf32>,
          %parallel_loop3A_299 = arith.addi %parallel_loop3A_255, %rem3A_75 : vector<16xi32>
          tpu.vector_store_idx %arg13[%parallel_loop3A_299, %parallel_loop3A_252], %parallel_loop3A_298 : memref<272x128xf32, #tpu.memory_space<vmem>>[vector<16xi32>, vector<16xi32>], vector<16xf32>,
          %parallel_loop3A_300 = vector.broadcast %parallel_loop3A_224 : i32 to vector<16xi32>
          %parallel_loop3A_301 = arith.addi %parallel_loop3A_300, %rem3A_81 : vector<16xi32>
          %parallel_loop3A_302 = tpu.vector_load_idx %arg10[%parallel_loop3A_252, %parallel_loop3A_301] : memref<128x128xf32, #tpu.memory_space<vmem>>[vector<16xi32>, vector<16xi32>], vector<16xf32>,
          %parallel_loop3A_303 = arith.addi %parallel_loop3A_255, %rem3A_81 : vector<16xi32>
          tpu.vector_store_idx %arg13[%parallel_loop3A_303, %parallel_loop3A_252], %parallel_loop3A_302 : memref<272x128xf32, #tpu.memory_space<vmem>>[vector<16xi32>, vector<16xi32>], vector<16xf32>,
          %parallel_loop3A_304 = vector.broadcast %parallel_loop3A_224 : i32 to vector<16xi32>
          %parallel_loop3A_305 = arith.addi %parallel_loop3A_304, %rem3A_87 : vector<16xi32>
          %parallel_loop3A_306 = tpu.vector_load_idx %arg10[%parallel_loop3A_252, %parallel_loop3A_305] : memref<128x128xf32, #tpu.memory_space<vmem>>[vector<16xi32>, vector<16xi32>], vector<16xf32>,
          %parallel_loop3A_307 = arith.addi %parallel_loop3A_255, %rem3A_87 : vector<16xi32>
          tpu.vector_store_idx %arg13[%parallel_loop3A_307, %parallel_loop3A_252], %parallel_loop3A_306 : memref<272x128xf32, #tpu.memory_space<vmem>>[vector<16xi32>, vector<16xi32>], vector<16xf32>,
          %parallel_loop3A_308 = vector.broadcast %parallel_loop3A_224 : i32 to vector<16xi32>
          %parallel_loop3A_309 = arith.addi %parallel_loop3A_308, %rem3A_93 : vector<16xi32>
          %parallel_loop3A_310 = tpu.vector_load_idx %arg10[%parallel_loop3A_252, %parallel_loop3A_309] : memref<128x128xf32, #tpu.memory_space<vmem>>[vector<16xi32>, vector<16xi32>], vector<16xf32>,
          %parallel_loop3A_311 = arith.addi %parallel_loop3A_255, %rem3A_93 : vector<16xi32>
          tpu.vector_store_idx %arg13[%parallel_loop3A_311, %parallel_loop3A_252], %parallel_loop3A_310 : memref<272x128xf32, #tpu.memory_space<vmem>>[vector<16xi32>, vector<16xi32>], vector<16xf32>,
          %parallel_loop3A_312 = vector.broadcast %parallel_loop3A_224 : i32 to vector<16xi32>
          %parallel_loop3A_313 = arith.addi %parallel_loop3A_312, %rem3A_99 : vector<16xi32>
          %parallel_loop3A_314 = tpu.vector_load_idx %arg10[%parallel_loop3A_252, %parallel_loop3A_313] : memref<128x128xf32, #tpu.memory_space<vmem>>[vector<16xi32>, vector<16xi32>], vector<16xf32>,
          %parallel_loop3A_315 = arith.addi %parallel_loop3A_255, %rem3A_99 : vector<16xi32>
          tpu.vector_store_idx %arg13[%parallel_loop3A_315, %parallel_loop3A_252], %parallel_loop3A_314 : memref<272x128xf32, #tpu.memory_space<vmem>>[vector<16xi32>, vector<16xi32>], vector<16xf32>,
          %parallel_loop3A_316 = vector.broadcast %parallel_loop3A_224 : i32 to vector<16xi32>
          %parallel_loop3A_317 = arith.addi %parallel_loop3A_316, %rem3A_105 : vector<16xi32>
          %parallel_loop3A_318 = tpu.vector_load_idx %arg10[%parallel_loop3A_252, %parallel_loop3A_317] : memref<128x128xf32, #tpu.memory_space<vmem>>[vector<16xi32>, vector<16xi32>], vector<16xf32>,
          %parallel_loop3A_319 = arith.addi %parallel_loop3A_255, %rem3A_105 : vector<16xi32>
          tpu.vector_store_idx %arg13[%parallel_loop3A_319, %parallel_loop3A_252], %parallel_loop3A_318 : memref<272x128xf32, #tpu.memory_space<vmem>>[vector<16xi32>, vector<16xi32>], vector<16xf32>,
        } {sc.loop_unroll_factor = 1 : i64, sc.parallel_access}
        %dma_wait3A_184 = arith.constant 256 : i32
        %dma_wait3A_185 = arith.constant 0 : i32
        %dma_wait3A_186 = tpu.memref_slice %arg13[%dma_wait3A_184, %dma_wait3A_185] : memref<272x128xf32, #tpu.memory_space<vmem>> -> memref<16x128xf32, #tpu.memory_space<vmem>>
        %dma_wait3A_187 = arith.constant 0 : i32
        %dma_wait3A_188 = arith.constant 0 : i32
        %dma_wait3A_189 = tpu.memref_slice %arg3[%dma_wait3A_187, %dma_wait3A_188] : memref<16x320000xf32, #tpu.memory_space<hbm>> -> memref<16x128xf32, #tpu.memory_space<hbm>>
        %dma_wait3A_190 = arith.constant 256 : i32
        %dma_wait3A_191 = arith.constant 0 : i32
        %dma_wait3A_192 = tpu.memref_slice %arg13[%dma_wait3A_190, %dma_wait3A_191] : memref<272x128xf32, #tpu.memory_space<vmem>> -> memref<16x128xf32, #tpu.memory_space<vmem>>
        %dma_wait3A_193 = arith.constant 0 : i32
        %dma_wait3A_194 = arith.constant 0 : i32
        %dma_wait3A_195 = tpu.memref_slice %arg3[%dma_wait3A_193, %dma_wait3A_194] : memref<16x320000xf32, #tpu.memory_space<hbm>> -> memref<16x128xf32, #tpu.memory_space<hbm>>
        tpu.wait_dma2 semaphore(%arg16 : memref<!tpu.dma_semaphore, #tpu.memory_space<semaphore_mem>>) src(%dma_wait3A_195 : memref<16x128xf32, #tpu.memory_space<hbm>>) dst(%dma_wait3A_192 : memref<16x128xf32, #tpu.memory_space<vmem>>)
        %dma_start3A_196 = arith.constant 0 : i32
        %dma_start3A_197 = tpu.memref_slice %arg6[%dma_start3A_196, %mul3A_152] : memref<272x320000xf32, #tpu.memory_space<hbm>> -> memref<272x128xf32, #tpu.memory_space<hbm>>
        %dma_start3A_198 = arith.constant 0 : i32
        %dma_start3A_199 = tpu.memref_slice %arg6[%dma_start3A_198, %mul3A_152] : memref<272x320000xf32, #tpu.memory_space<hbm>> -> memref<272x128xf32, #tpu.memory_space<hbm>>
        tpu.enqueue_dma source(%arg13 : memref<272x128xf32, #tpu.memory_space<vmem>>) target(%dma_start3A_199 : memref<272x128xf32, #tpu.memory_space<hbm>>) target_semaphore(%arg17 : memref<!tpu.dma_semaphore, #tpu.memory_space<semaphore_mem>>)
        %add3A_200 = arith.constant 2 : i32
        %add3A_201 = arith.addi %add3A_139, %add3A_200 : i32
        %lt3A_202 = arith.cmpi slt, %add3A_201, %add3A_4 : i32
        %convert_element_type3A_203 = arith.extui %lt3A_202 : i1 to i32
        %cond3A_204 = arith.constant 0 : i32
        %cond3A_205 = arith.cmpi ne, %convert_element_type3A_203, %cond3A_204 : i32
        scf.if %cond3A_205 {
          %add3A_206 = arith.constant 2 : i32
          %add3A_207 = arith.addi %add3A_139, %add3A_206 : i32
          %mul3A_208 = arith.constant 128 : i32
          %mul3A_209 = arith.muli %add3A_207, %mul3A_208 : i32
          %dma_start3A_210 = tpu.memref_slice %arg7[%mul3A_209] : memref<10112xi32, #tpu.memory_space<vmem>> -> memref<128xi32, #tpu.memory_space<vmem>>
          %dma_start3A_211 = arith.constant 0 : i32
          %dma_start3A_212 = arith.constant 0 : i32
          %dma_start3A_213 = tpu.memref_slice %arg2[%dma_start3A_211, %dma_start3A_212] : memref<10000x128xf32, #tpu.memory_space<hbm>> -> memref<10000x128xf32, #tpu.memory_space<hbm>>
          tpu.enqueue_indirect_dma source(%dma_start3A_213 : memref<10000x128xf32, #tpu.memory_space<hbm>>) target(%arg9 : memref<128x128xf32, #tpu.memory_space<vmem>>) offsets(%dma_start3A_210 : memref<128xi32, #tpu.memory_space<vmem>>) semaphore(%arg14 : memref<!tpu.dma_semaphore, #tpu.memory_space<semaphore_mem>>)
          %mul3A_214 = arith.constant 128 : i32
          %mul3A_215 = arith.muli %add3A_207, %mul3A_214 : i32
          %dma_start3A_216 = tpu.memref_slice %arg8[%mul3A_215] : memref<10112xi32, #tpu.memory_space<vmem>> -> memref<128xi32, #tpu.memory_space<vmem>>
          %dma_start3A_217 = arith.constant 0 : i32
          %dma_start3A_218 = arith.constant 0 : i32
          %dma_start3A_219 = tpu.memref_slice %arg2[%dma_start3A_217, %dma_start3A_218] : memref<10000x128xf32, #tpu.memory_space<hbm>> -> memref<10000x128xf32, #tpu.memory_space<hbm>>
          tpu.enqueue_indirect_dma source(%dma_start3A_219 : memref<10000x128xf32, #tpu.memory_space<hbm>>) target(%arg10 : memref<128x128xf32, #tpu.memory_space<vmem>>) offsets(%dma_start3A_216 : memref<128xi32, #tpu.memory_space<vmem>>) semaphore(%arg14 : memref<!tpu.dma_semaphore, #tpu.memory_space<semaphore_mem>>)
        } else {
        }
      } else {
      }
      %mul3A_142 = arith.constant 2 : i32
      %mul3A_143 = arith.muli %mul3A_142, %scan3A_135 : i32
      %add3A_144 = arith.constant 1 : i32
      %add3A_145 = arith.addi %mul3A_143, %add3A_144 : i32
      %lt3A_146 = arith.cmpi slt, %add3A_145, %add3A_4 : i32
      %convert_element_type3A_147 = arith.extui %lt3A_146 : i1 to i32
      %cond3A_148 = arith.constant 0 : i32
      %cond3A_149 = arith.cmpi ne, %convert_element_type3A_147, %cond3A_148 : i32
      scf.if %cond3A_149 {
        %add3A_150 = arith.addi %add3A_8, %add3A_145 : i32
        %mul3A_151 = arith.constant 128 : i32
        %mul3A_152 = arith.muli %add3A_150, %mul3A_151 : i32
        %dma_wait3A_153 = arith.constant 0 : i32
        %dma_wait3A_154 = arith.constant 0 : i32
        %dma_wait3A_155 = tpu.memref_slice %arg2[%dma_wait3A_153, %dma_wait3A_154] : memref<10000x128xf32, #tpu.memory_space<hbm>> -> memref<128x128xf32, #tpu.memory_space<hbm>>
        %dma_wait3A_156 = arith.constant 0 : i32
        %dma_wait3A_157 = arith.constant 0 : i32
        %dma_wait3A_158 = tpu.memref_slice %arg2[%dma_wait3A_156, %dma_wait3A_157] : memref<10000x128xf32, #tpu.memory_space<hbm>> -> memref<128x128xf32, #tpu.memory_space<hbm>>
        tpu.wait_dma2 semaphore(%arg15 : memref<!tpu.dma_semaphore, #tpu.memory_space<semaphore_mem>>) src(%dma_wait3A_158 : memref<128x128xf32, #tpu.memory_space<hbm>>) dst(%arg11 : memref<128x128xf32, #tpu.memory_space<vmem>>)
        %dma_wait3A_159 = arith.constant 0 : i32
        %dma_wait3A_160 = arith.constant 0 : i32
        %dma_wait3A_161 = tpu.memref_slice %arg2[%dma_wait3A_159, %dma_wait3A_160] : memref<10000x128xf32, #tpu.memory_space<hbm>> -> memref<128x128xf32, #tpu.memory_space<hbm>>
        %dma_wait3A_162 = arith.constant 0 : i32
        %dma_wait3A_163 = arith.constant 0 : i32
        %dma_wait3A_164 = tpu.memref_slice %arg2[%dma_wait3A_162, %dma_wait3A_163] : memref<10000x128xf32, #tpu.memory_space<hbm>> -> memref<128x128xf32, #tpu.memory_space<hbm>>
        tpu.wait_dma2 semaphore(%arg15 : memref<!tpu.dma_semaphore, #tpu.memory_space<semaphore_mem>>) src(%dma_wait3A_164 : memref<128x128xf32, #tpu.memory_space<hbm>>) dst(%arg12 : memref<128x128xf32, #tpu.memory_space<vmem>>)
        %ge3A = arith.constant 1 : i32
        %ge3A_165 = arith.cmpi sge, %add3A_145, %ge3A : i32
        %convert_element_type3A_166 = arith.extui %ge3A_165 : i1 to i32
        %cond3A_167 = arith.constant 0 : i32
        %cond3A_168 = arith.cmpi ne, %convert_element_type3A_166, %cond3A_167 : i32
        scf.if %cond3A_168 {
          %dma_wait3A_206 = arith.constant 0 : i32
          %dma_wait3A_207 = arith.constant 0 : i32
          %dma_wait3A_208 = tpu.memref_slice %arg6[%dma_wait3A_206, %dma_wait3A_207] : memref<272x320000xf32, #tpu.memory_space<hbm>> -> memref<272x128xf32, #tpu.memory_space<hbm>>
          %dma_wait3A_209 = arith.constant 0 : i32
          %dma_wait3A_210 = arith.constant 0 : i32
          %dma_wait3A_211 = tpu.memref_slice %arg6[%dma_wait3A_209, %dma_wait3A_210] : memref<272x320000xf32, #tpu.memory_space<hbm>> -> memref<272x128xf32, #tpu.memory_space<hbm>>
          tpu.wait_dma2 semaphore(%arg17 : memref<!tpu.dma_semaphore, #tpu.memory_space<semaphore_mem>>) src(%arg13 : memref<272x128xf32, #tpu.memory_space<vmem>>) dst(%dma_wait3A_211 : memref<272x128xf32, #tpu.memory_space<hbm>>)
        } else {
        }
        %dma_start3A_169 = arith.constant 256 : i32
        %dma_start3A_170 = arith.constant 0 : i32
        %dma_start3A_171 = tpu.memref_slice %arg13[%dma_start3A_169, %dma_start3A_170] : memref<272x128xf32, #tpu.memory_space<vmem>> -> memref<16x128xf32, #tpu.memory_space<vmem>>
        %dma_start3A_172 = arith.constant 0 : i32
        %dma_start3A_173 = tpu.memref_slice %arg3[%dma_start3A_172, %mul3A_152] : memref<16x320000xf32, #tpu.memory_space<hbm>> -> memref<16x128xf32, #tpu.memory_space<hbm>>
        %dma_start3A_174 = arith.constant 256 : i32
        %dma_start3A_175 = arith.constant 0 : i32
        %dma_start3A_176 = tpu.memref_slice %arg13[%dma_start3A_174, %dma_start3A_175] : memref<272x128xf32, #tpu.memory_space<vmem>> -> memref<16x128xf32, #tpu.memory_space<vmem>>
        %dma_start3A_177 = arith.constant 0 : i32
        %dma_start3A_178 = tpu.memref_slice %arg3[%dma_start3A_177, %mul3A_152] : memref<16x320000xf32, #tpu.memory_space<hbm>> -> memref<16x128xf32, #tpu.memory_space<hbm>>
        tpu.enqueue_dma source(%dma_start3A_178 : memref<16x128xf32, #tpu.memory_space<hbm>>) target(%dma_start3A_176 : memref<16x128xf32, #tpu.memory_space<vmem>>) target_semaphore(%arg16 : memref<!tpu.dma_semaphore, #tpu.memory_space<semaphore_mem>>)
        %parallel_loop3A = arith.constant 0 : i32
        %parallel_loop3A_179 = arith.constant 64 : i32
        %parallel_loop3A_180 = arith.constant 1 : i32
        scf.for %parallel_loop3A_206 = %parallel_loop3A to %parallel_loop3A_179 step %parallel_loop3A_180  : i32 {
          %parallel_loop3A_207 = arith.constant 8 : i32
          %parallel_loop3A_208 = arith.constant 0 : i32
          %parallel_loop3A_209 = arith.cmpi eq, %parallel_loop3A_207, %parallel_loop3A_208 : i32
          %parallel_loop3A_210 = arith.constant 1 : i32
          %parallel_loop3A_211 = arith.select %parallel_loop3A_209, %parallel_loop3A_210, %parallel_loop3A_207 : i32
          %parallel_loop3A_212 = arith.remsi %parallel_loop3A_206, %parallel_loop3A_211 : i32
          %parallel_loop3A_213 = arith.constant 0 : i32
          %parallel_loop3A_214 = arith.cmpi ne, %parallel_loop3A_212, %parallel_loop3A_213 : i32
          %parallel_loop3A_215 = arith.constant 0 : i32
          %parallel_loop3A_216 = arith.cmpi slt, %parallel_loop3A_212, %parallel_loop3A_215 : i32
          %parallel_loop3A_217 = arith.constant 0 : i32
          %parallel_loop3A_218 = arith.cmpi slt, %parallel_loop3A_211, %parallel_loop3A_217 : i32
          %parallel_loop3A_219 = arith.xori %parallel_loop3A_216, %parallel_loop3A_218 : i1
          %parallel_loop3A_220 = arith.andi %parallel_loop3A_219, %parallel_loop3A_214 : i1
          %parallel_loop3A_221 = arith.addi %parallel_loop3A_212, %parallel_loop3A_211 : i32
          %parallel_loop3A_222 = arith.select %parallel_loop3A_220, %parallel_loop3A_221, %parallel_loop3A_212 : i32
          %parallel_loop3A_223 = arith.constant 16 : i32
          %parallel_loop3A_224 = arith.muli %parallel_loop3A_222, %parallel_loop3A_223 : i32
          %parallel_loop3A_225 = arith.constant 8 : i32
          %parallel_loop3A_226 = arith.divsi %parallel_loop3A_206, %parallel_loop3A_225 : i32
          %parallel_loop3A_227 = arith.constant 0 : i32
          %parallel_loop3A_228 = arith.cmpi sgt, %parallel_loop3A_206, %parallel_loop3A_227 : i32
          %parallel_loop3A_229 = arith.extui %parallel_loop3A_228 : i1 to i32
          %parallel_loop3A_230 = arith.constant 0 : i32
          %parallel_loop3A_231 = arith.cmpi slt, %parallel_loop3A_206, %parallel_loop3A_230 : i32
          %parallel_loop3A_232 = arith.extui %parallel_loop3A_231 : i1 to i32
          %parallel_loop3A_233 = arith.subi %parallel_loop3A_229, %parallel_loop3A_232 : i32
          %parallel_loop3A_234 = arith.constant 0 : i32
          %parallel_loop3A_235 = arith.cmpi sgt, %parallel_loop3A_225, %parallel_loop3A_234 : i32
          %parallel_loop3A_236 = arith.extui %parallel_loop3A_235 : i1 to i32
          %parallel_loop3A_237 = arith.constant 0 : i32
          %parallel_loop3A_238 = arith.cmpi slt, %parallel_loop3A_225, %parallel_loop3A_237 : i32
          %parallel_loop3A_239 = arith.extui %parallel_loop3A_238 : i1 to i32
          %parallel_loop3A_240 = arith.subi %parallel_loop3A_236, %parallel_loop3A_239 : i32
          %parallel_loop3A_241 = arith.cmpi ne, %parallel_loop3A_233, %parallel_loop3A_240 : i32
          %parallel_loop3A_242 = arith.remsi %parallel_loop3A_206, %parallel_loop3A_225 : i32
          %parallel_loop3A_243 = arith.constant 0 : i32
          %parallel_loop3A_244 = arith.cmpi ne, %parallel_loop3A_242, %parallel_loop3A_243 : i32
          %parallel_loop3A_245 = arith.andi %parallel_loop3A_241, %parallel_loop3A_244 : i1
          %parallel_loop3A_246 = arith.constant 1 : i32
          %parallel_loop3A_247 = arith.subi %parallel_loop3A_226, %parallel_loop3A_246 : i32
          %parallel_loop3A_248 = arith.select %parallel_loop3A_245, %parallel_loop3A_247, %parallel_loop3A_226 : i32
          %parallel_loop3A_249 = arith.constant 16 : i32
          %parallel_loop3A_250 = arith.muli %parallel_loop3A_248, %parallel_loop3A_249 : i32
          %parallel_loop3A_251 = vector.broadcast %parallel_loop3A_250 : i32 to vector<16xi32>
          %parallel_loop3A_252 = arith.addi %parallel_loop3A_251, %iota3A : vector<16xi32>
          %parallel_loop3A_253 = arith.constant 0 : i32
          %parallel_loop3A_254 = arith.addi %parallel_loop3A_253, %parallel_loop3A_224 : i32
          %parallel_loop3A_255 = vector.broadcast %parallel_loop3A_254 : i32 to vector<16xi32>
          %parallel_loop3A_256 = vector.broadcast %parallel_loop3A_224 : i32 to vector<16xi32>
          %parallel_loop3A_257 = arith.addi %parallel_loop3A_256, %rem3A_15 : vector<16xi32>
          %parallel_loop3A_258 = tpu.vector_load_idx %arg11[%parallel_loop3A_252, %parallel_loop3A_257] : memref<128x128xf32, #tpu.memory_space<vmem>>[vector<16xi32>, vector<16xi32>], vector<16xf32>,
          %parallel_loop3A_259 = arith.addi %parallel_loop3A_255, %rem3A_15 : vector<16xi32>
          tpu.vector_store_idx %arg13[%parallel_loop3A_259, %parallel_loop3A_252], %parallel_loop3A_258 : memref<272x128xf32, #tpu.memory_space<vmem>>[vector<16xi32>, vector<16xi32>], vector<16xf32>,
          %parallel_loop3A_260 = vector.broadcast %parallel_loop3A_224 : i32 to vector<16xi32>
          %parallel_loop3A_261 = arith.addi %parallel_loop3A_260, %rem3A_21 : vector<16xi32>
          %parallel_loop3A_262 = tpu.vector_load_idx %arg11[%parallel_loop3A_252, %parallel_loop3A_261] : memref<128x128xf32, #tpu.memory_space<vmem>>[vector<16xi32>, vector<16xi32>], vector<16xf32>,
          %parallel_loop3A_263 = arith.addi %parallel_loop3A_255, %rem3A_21 : vector<16xi32>
          tpu.vector_store_idx %arg13[%parallel_loop3A_263, %parallel_loop3A_252], %parallel_loop3A_262 : memref<272x128xf32, #tpu.memory_space<vmem>>[vector<16xi32>, vector<16xi32>], vector<16xf32>,
          %parallel_loop3A_264 = vector.broadcast %parallel_loop3A_224 : i32 to vector<16xi32>
          %parallel_loop3A_265 = arith.addi %parallel_loop3A_264, %rem3A_27 : vector<16xi32>
          %parallel_loop3A_266 = tpu.vector_load_idx %arg11[%parallel_loop3A_252, %parallel_loop3A_265] : memref<128x128xf32, #tpu.memory_space<vmem>>[vector<16xi32>, vector<16xi32>], vector<16xf32>,
          %parallel_loop3A_267 = arith.addi %parallel_loop3A_255, %rem3A_27 : vector<16xi32>
          tpu.vector_store_idx %arg13[%parallel_loop3A_267, %parallel_loop3A_252], %parallel_loop3A_266 : memref<272x128xf32, #tpu.memory_space<vmem>>[vector<16xi32>, vector<16xi32>], vector<16xf32>,
          %parallel_loop3A_268 = vector.broadcast %parallel_loop3A_224 : i32 to vector<16xi32>
          %parallel_loop3A_269 = arith.addi %parallel_loop3A_268, %rem3A_33 : vector<16xi32>
          %parallel_loop3A_270 = tpu.vector_load_idx %arg11[%parallel_loop3A_252, %parallel_loop3A_269] : memref<128x128xf32, #tpu.memory_space<vmem>>[vector<16xi32>, vector<16xi32>], vector<16xf32>,
          %parallel_loop3A_271 = arith.addi %parallel_loop3A_255, %rem3A_33 : vector<16xi32>
          tpu.vector_store_idx %arg13[%parallel_loop3A_271, %parallel_loop3A_252], %parallel_loop3A_270 : memref<272x128xf32, #tpu.memory_space<vmem>>[vector<16xi32>, vector<16xi32>], vector<16xf32>,
          %parallel_loop3A_272 = vector.broadcast %parallel_loop3A_224 : i32 to vector<16xi32>
          %parallel_loop3A_273 = arith.addi %parallel_loop3A_272, %rem3A_39 : vector<16xi32>
          %parallel_loop3A_274 = tpu.vector_load_idx %arg11[%parallel_loop3A_252, %parallel_loop3A_273] : memref<128x128xf32, #tpu.memory_space<vmem>>[vector<16xi32>, vector<16xi32>], vector<16xf32>,
          %parallel_loop3A_275 = arith.addi %parallel_loop3A_255, %rem3A_39 : vector<16xi32>
          tpu.vector_store_idx %arg13[%parallel_loop3A_275, %parallel_loop3A_252], %parallel_loop3A_274 : memref<272x128xf32, #tpu.memory_space<vmem>>[vector<16xi32>, vector<16xi32>], vector<16xf32>,
          %parallel_loop3A_276 = vector.broadcast %parallel_loop3A_224 : i32 to vector<16xi32>
          %parallel_loop3A_277 = arith.addi %parallel_loop3A_276, %rem3A_45 : vector<16xi32>
          %parallel_loop3A_278 = tpu.vector_load_idx %arg11[%parallel_loop3A_252, %parallel_loop3A_277] : memref<128x128xf32, #tpu.memory_space<vmem>>[vector<16xi32>, vector<16xi32>], vector<16xf32>,
          %parallel_loop3A_279 = arith.addi %parallel_loop3A_255, %rem3A_45 : vector<16xi32>
          tpu.vector_store_idx %arg13[%parallel_loop3A_279, %parallel_loop3A_252], %parallel_loop3A_278 : memref<272x128xf32, #tpu.memory_space<vmem>>[vector<16xi32>, vector<16xi32>], vector<16xf32>,
          %parallel_loop3A_280 = vector.broadcast %parallel_loop3A_224 : i32 to vector<16xi32>
          %parallel_loop3A_281 = arith.addi %parallel_loop3A_280, %rem3A_51 : vector<16xi32>
          %parallel_loop3A_282 = tpu.vector_load_idx %arg11[%parallel_loop3A_252, %parallel_loop3A_281] : memref<128x128xf32, #tpu.memory_space<vmem>>[vector<16xi32>, vector<16xi32>], vector<16xf32>,
          %parallel_loop3A_283 = arith.addi %parallel_loop3A_255, %rem3A_51 : vector<16xi32>
          tpu.vector_store_idx %arg13[%parallel_loop3A_283, %parallel_loop3A_252], %parallel_loop3A_282 : memref<272x128xf32, #tpu.memory_space<vmem>>[vector<16xi32>, vector<16xi32>], vector<16xf32>,
          %parallel_loop3A_284 = vector.broadcast %parallel_loop3A_224 : i32 to vector<16xi32>
          %parallel_loop3A_285 = arith.addi %parallel_loop3A_284, %rem3A_57 : vector<16xi32>
          %parallel_loop3A_286 = tpu.vector_load_idx %arg11[%parallel_loop3A_252, %parallel_loop3A_285] : memref<128x128xf32, #tpu.memory_space<vmem>>[vector<16xi32>, vector<16xi32>], vector<16xf32>,
          %parallel_loop3A_287 = arith.addi %parallel_loop3A_255, %rem3A_57 : vector<16xi32>
          tpu.vector_store_idx %arg13[%parallel_loop3A_287, %parallel_loop3A_252], %parallel_loop3A_286 : memref<272x128xf32, #tpu.memory_space<vmem>>[vector<16xi32>, vector<16xi32>], vector<16xf32>,
          %parallel_loop3A_288 = vector.broadcast %parallel_loop3A_224 : i32 to vector<16xi32>
          %parallel_loop3A_289 = arith.addi %parallel_loop3A_288, %rem3A_63 : vector<16xi32>
          %parallel_loop3A_290 = tpu.vector_load_idx %arg11[%parallel_loop3A_252, %parallel_loop3A_289] : memref<128x128xf32, #tpu.memory_space<vmem>>[vector<16xi32>, vector<16xi32>], vector<16xf32>,
          %parallel_loop3A_291 = arith.addi %parallel_loop3A_255, %rem3A_63 : vector<16xi32>
          tpu.vector_store_idx %arg13[%parallel_loop3A_291, %parallel_loop3A_252], %parallel_loop3A_290 : memref<272x128xf32, #tpu.memory_space<vmem>>[vector<16xi32>, vector<16xi32>], vector<16xf32>,
          %parallel_loop3A_292 = vector.broadcast %parallel_loop3A_224 : i32 to vector<16xi32>
          %parallel_loop3A_293 = arith.addi %parallel_loop3A_292, %rem3A_69 : vector<16xi32>
          %parallel_loop3A_294 = tpu.vector_load_idx %arg11[%parallel_loop3A_252, %parallel_loop3A_293] : memref<128x128xf32, #tpu.memory_space<vmem>>[vector<16xi32>, vector<16xi32>], vector<16xf32>,
          %parallel_loop3A_295 = arith.addi %parallel_loop3A_255, %rem3A_69 : vector<16xi32>
          tpu.vector_store_idx %arg13[%parallel_loop3A_295, %parallel_loop3A_252], %parallel_loop3A_294 : memref<272x128xf32, #tpu.memory_space<vmem>>[vector<16xi32>, vector<16xi32>], vector<16xf32>,
          %parallel_loop3A_296 = vector.broadcast %parallel_loop3A_224 : i32 to vector<16xi32>
          %parallel_loop3A_297 = arith.addi %parallel_loop3A_296, %rem3A_75 : vector<16xi32>
          %parallel_loop3A_298 = tpu.vector_load_idx %arg11[%parallel_loop3A_252, %parallel_loop3A_297] : memref<128x128xf32, #tpu.memory_space<vmem>>[vector<16xi32>, vector<16xi32>], vector<16xf32>,
          %parallel_loop3A_299 = arith.addi %parallel_loop3A_255, %rem3A_75 : vector<16xi32>
          tpu.vector_store_idx %arg13[%parallel_loop3A_299, %parallel_loop3A_252], %parallel_loop3A_298 : memref<272x128xf32, #tpu.memory_space<vmem>>[vector<16xi32>, vector<16xi32>], vector<16xf32>,
          %parallel_loop3A_300 = vector.broadcast %parallel_loop3A_224 : i32 to vector<16xi32>
          %parallel_loop3A_301 = arith.addi %parallel_loop3A_300, %rem3A_81 : vector<16xi32>
          %parallel_loop3A_302 = tpu.vector_load_idx %arg11[%parallel_loop3A_252, %parallel_loop3A_301] : memref<128x128xf32, #tpu.memory_space<vmem>>[vector<16xi32>, vector<16xi32>], vector<16xf32>,
          %parallel_loop3A_303 = arith.addi %parallel_loop3A_255, %rem3A_81 : vector<16xi32>
          tpu.vector_store_idx %arg13[%parallel_loop3A_303, %parallel_loop3A_252], %parallel_loop3A_302 : memref<272x128xf32, #tpu.memory_space<vmem>>[vector<16xi32>, vector<16xi32>], vector<16xf32>,
          %parallel_loop3A_304 = vector.broadcast %parallel_loop3A_224 : i32 to vector<16xi32>
          %parallel_loop3A_305 = arith.addi %parallel_loop3A_304, %rem3A_87 : vector<16xi32>
          %parallel_loop3A_306 = tpu.vector_load_idx %arg11[%parallel_loop3A_252, %parallel_loop3A_305] : memref<128x128xf32, #tpu.memory_space<vmem>>[vector<16xi32>, vector<16xi32>], vector<16xf32>,
          %parallel_loop3A_307 = arith.addi %parallel_loop3A_255, %rem3A_87 : vector<16xi32>
          tpu.vector_store_idx %arg13[%parallel_loop3A_307, %parallel_loop3A_252], %parallel_loop3A_306 : memref<272x128xf32, #tpu.memory_space<vmem>>[vector<16xi32>, vector<16xi32>], vector<16xf32>,
          %parallel_loop3A_308 = vector.broadcast %parallel_loop3A_224 : i32 to vector<16xi32>
          %parallel_loop3A_309 = arith.addi %parallel_loop3A_308, %rem3A_93 : vector<16xi32>
          %parallel_loop3A_310 = tpu.vector_load_idx %arg11[%parallel_loop3A_252, %parallel_loop3A_309] : memref<128x128xf32, #tpu.memory_space<vmem>>[vector<16xi32>, vector<16xi32>], vector<16xf32>,
          %parallel_loop3A_311 = arith.addi %parallel_loop3A_255, %rem3A_93 : vector<16xi32>
          tpu.vector_store_idx %arg13[%parallel_loop3A_311, %parallel_loop3A_252], %parallel_loop3A_310 : memref<272x128xf32, #tpu.memory_space<vmem>>[vector<16xi32>, vector<16xi32>], vector<16xf32>,
          %parallel_loop3A_312 = vector.broadcast %parallel_loop3A_224 : i32 to vector<16xi32>
          %parallel_loop3A_313 = arith.addi %parallel_loop3A_312, %rem3A_99 : vector<16xi32>
          %parallel_loop3A_314 = tpu.vector_load_idx %arg11[%parallel_loop3A_252, %parallel_loop3A_313] : memref<128x128xf32, #tpu.memory_space<vmem>>[vector<16xi32>, vector<16xi32>], vector<16xf32>,
          %parallel_loop3A_315 = arith.addi %parallel_loop3A_255, %rem3A_99 : vector<16xi32>
          tpu.vector_store_idx %arg13[%parallel_loop3A_315, %parallel_loop3A_252], %parallel_loop3A_314 : memref<272x128xf32, #tpu.memory_space<vmem>>[vector<16xi32>, vector<16xi32>], vector<16xf32>,
          %parallel_loop3A_316 = vector.broadcast %parallel_loop3A_224 : i32 to vector<16xi32>
          %parallel_loop3A_317 = arith.addi %parallel_loop3A_316, %rem3A_105 : vector<16xi32>
          %parallel_loop3A_318 = tpu.vector_load_idx %arg11[%parallel_loop3A_252, %parallel_loop3A_317] : memref<128x128xf32, #tpu.memory_space<vmem>>[vector<16xi32>, vector<16xi32>], vector<16xf32>,
          %parallel_loop3A_319 = arith.addi %parallel_loop3A_255, %rem3A_105 : vector<16xi32>
          tpu.vector_store_idx %arg13[%parallel_loop3A_319, %parallel_loop3A_252], %parallel_loop3A_318 : memref<272x128xf32, #tpu.memory_space<vmem>>[vector<16xi32>, vector<16xi32>], vector<16xf32>,
        } {sc.loop_unroll_factor = 1 : i64, sc.parallel_access}
        %parallel_loop3A_181 = arith.constant 0 : i32
        %parallel_loop3A_182 = arith.constant 64 : i32
        %parallel_loop3A_183 = arith.constant 1 : i32
        scf.for %parallel_loop3A_206 = %parallel_loop3A_181 to %parallel_loop3A_182 step %parallel_loop3A_183  : i32 {
          %parallel_loop3A_207 = arith.constant 8 : i32
          %parallel_loop3A_208 = arith.constant 0 : i32
          %parallel_loop3A_209 = arith.cmpi eq, %parallel_loop3A_207, %parallel_loop3A_208 : i32
          %parallel_loop3A_210 = arith.constant 1 : i32
          %parallel_loop3A_211 = arith.select %parallel_loop3A_209, %parallel_loop3A_210, %parallel_loop3A_207 : i32
          %parallel_loop3A_212 = arith.remsi %parallel_loop3A_206, %parallel_loop3A_211 : i32
          %parallel_loop3A_213 = arith.constant 0 : i32
          %parallel_loop3A_214 = arith.cmpi ne, %parallel_loop3A_212, %parallel_loop3A_213 : i32
          %parallel_loop3A_215 = arith.constant 0 : i32
          %parallel_loop3A_216 = arith.cmpi slt, %parallel_loop3A_212, %parallel_loop3A_215 : i32
          %parallel_loop3A_217 = arith.constant 0 : i32
          %parallel_loop3A_218 = arith.cmpi slt, %parallel_loop3A_211, %parallel_loop3A_217 : i32
          %parallel_loop3A_219 = arith.xori %parallel_loop3A_216, %parallel_loop3A_218 : i1
          %parallel_loop3A_220 = arith.andi %parallel_loop3A_219, %parallel_loop3A_214 : i1
          %parallel_loop3A_221 = arith.addi %parallel_loop3A_212, %parallel_loop3A_211 : i32
          %parallel_loop3A_222 = arith.select %parallel_loop3A_220, %parallel_loop3A_221, %parallel_loop3A_212 : i32
          %parallel_loop3A_223 = arith.constant 16 : i32
          %parallel_loop3A_224 = arith.muli %parallel_loop3A_222, %parallel_loop3A_223 : i32
          %parallel_loop3A_225 = arith.constant 8 : i32
          %parallel_loop3A_226 = arith.divsi %parallel_loop3A_206, %parallel_loop3A_225 : i32
          %parallel_loop3A_227 = arith.constant 0 : i32
          %parallel_loop3A_228 = arith.cmpi sgt, %parallel_loop3A_206, %parallel_loop3A_227 : i32
          %parallel_loop3A_229 = arith.extui %parallel_loop3A_228 : i1 to i32
          %parallel_loop3A_230 = arith.constant 0 : i32
          %parallel_loop3A_231 = arith.cmpi slt, %parallel_loop3A_206, %parallel_loop3A_230 : i32
          %parallel_loop3A_232 = arith.extui %parallel_loop3A_231 : i1 to i32
          %parallel_loop3A_233 = arith.subi %parallel_loop3A_229, %parallel_loop3A_232 : i32
          %parallel_loop3A_234 = arith.constant 0 : i32
          %parallel_loop3A_235 = arith.cmpi sgt, %parallel_loop3A_225, %parallel_loop3A_234 : i32
          %parallel_loop3A_236 = arith.extui %parallel_loop3A_235 : i1 to i32
          %parallel_loop3A_237 = arith.constant 0 : i32
          %parallel_loop3A_238 = arith.cmpi slt, %parallel_loop3A_225, %parallel_loop3A_237 : i32
          %parallel_loop3A_239 = arith.extui %parallel_loop3A_238 : i1 to i32
          %parallel_loop3A_240 = arith.subi %parallel_loop3A_236, %parallel_loop3A_239 : i32
          %parallel_loop3A_241 = arith.cmpi ne, %parallel_loop3A_233, %parallel_loop3A_240 : i32
          %parallel_loop3A_242 = arith.remsi %parallel_loop3A_206, %parallel_loop3A_225 : i32
          %parallel_loop3A_243 = arith.constant 0 : i32
          %parallel_loop3A_244 = arith.cmpi ne, %parallel_loop3A_242, %parallel_loop3A_243 : i32
          %parallel_loop3A_245 = arith.andi %parallel_loop3A_241, %parallel_loop3A_244 : i1
          %parallel_loop3A_246 = arith.constant 1 : i32
          %parallel_loop3A_247 = arith.subi %parallel_loop3A_226, %parallel_loop3A_246 : i32
          %parallel_loop3A_248 = arith.select %parallel_loop3A_245, %parallel_loop3A_247, %parallel_loop3A_226 : i32
          %parallel_loop3A_249 = arith.constant 16 : i32
          %parallel_loop3A_250 = arith.muli %parallel_loop3A_248, %parallel_loop3A_249 : i32
          %parallel_loop3A_251 = vector.broadcast %parallel_loop3A_250 : i32 to vector<16xi32>
          %parallel_loop3A_252 = arith.addi %parallel_loop3A_251, %iota3A : vector<16xi32>
          %parallel_loop3A_253 = arith.constant 128 : i32
          %parallel_loop3A_254 = arith.addi %parallel_loop3A_253, %parallel_loop3A_224 : i32
          %parallel_loop3A_255 = vector.broadcast %parallel_loop3A_254 : i32 to vector<16xi32>
          %parallel_loop3A_256 = vector.broadcast %parallel_loop3A_224 : i32 to vector<16xi32>
          %parallel_loop3A_257 = arith.addi %parallel_loop3A_256, %rem3A_15 : vector<16xi32>
          %parallel_loop3A_258 = tpu.vector_load_idx %arg12[%parallel_loop3A_252, %parallel_loop3A_257] : memref<128x128xf32, #tpu.memory_space<vmem>>[vector<16xi32>, vector<16xi32>], vector<16xf32>,
          %parallel_loop3A_259 = arith.addi %parallel_loop3A_255, %rem3A_15 : vector<16xi32>
          tpu.vector_store_idx %arg13[%parallel_loop3A_259, %parallel_loop3A_252], %parallel_loop3A_258 : memref<272x128xf32, #tpu.memory_space<vmem>>[vector<16xi32>, vector<16xi32>], vector<16xf32>,
          %parallel_loop3A_260 = vector.broadcast %parallel_loop3A_224 : i32 to vector<16xi32>
          %parallel_loop3A_261 = arith.addi %parallel_loop3A_260, %rem3A_21 : vector<16xi32>
          %parallel_loop3A_262 = tpu.vector_load_idx %arg12[%parallel_loop3A_252, %parallel_loop3A_261] : memref<128x128xf32, #tpu.memory_space<vmem>>[vector<16xi32>, vector<16xi32>], vector<16xf32>,
          %parallel_loop3A_263 = arith.addi %parallel_loop3A_255, %rem3A_21 : vector<16xi32>
          tpu.vector_store_idx %arg13[%parallel_loop3A_263, %parallel_loop3A_252], %parallel_loop3A_262 : memref<272x128xf32, #tpu.memory_space<vmem>>[vector<16xi32>, vector<16xi32>], vector<16xf32>,
          %parallel_loop3A_264 = vector.broadcast %parallel_loop3A_224 : i32 to vector<16xi32>
          %parallel_loop3A_265 = arith.addi %parallel_loop3A_264, %rem3A_27 : vector<16xi32>
          %parallel_loop3A_266 = tpu.vector_load_idx %arg12[%parallel_loop3A_252, %parallel_loop3A_265] : memref<128x128xf32, #tpu.memory_space<vmem>>[vector<16xi32>, vector<16xi32>], vector<16xf32>,
          %parallel_loop3A_267 = arith.addi %parallel_loop3A_255, %rem3A_27 : vector<16xi32>
          tpu.vector_store_idx %arg13[%parallel_loop3A_267, %parallel_loop3A_252], %parallel_loop3A_266 : memref<272x128xf32, #tpu.memory_space<vmem>>[vector<16xi32>, vector<16xi32>], vector<16xf32>,
          %parallel_loop3A_268 = vector.broadcast %parallel_loop3A_224 : i32 to vector<16xi32>
          %parallel_loop3A_269 = arith.addi %parallel_loop3A_268, %rem3A_33 : vector<16xi32>
          %parallel_loop3A_270 = tpu.vector_load_idx %arg12[%parallel_loop3A_252, %parallel_loop3A_269] : memref<128x128xf32, #tpu.memory_space<vmem>>[vector<16xi32>, vector<16xi32>], vector<16xf32>,
          %parallel_loop3A_271 = arith.addi %parallel_loop3A_255, %rem3A_33 : vector<16xi32>
          tpu.vector_store_idx %arg13[%parallel_loop3A_271, %parallel_loop3A_252], %parallel_loop3A_270 : memref<272x128xf32, #tpu.memory_space<vmem>>[vector<16xi32>, vector<16xi32>], vector<16xf32>,
          %parallel_loop3A_272 = vector.broadcast %parallel_loop3A_224 : i32 to vector<16xi32>
          %parallel_loop3A_273 = arith.addi %parallel_loop3A_272, %rem3A_39 : vector<16xi32>
          %parallel_loop3A_274 = tpu.vector_load_idx %arg12[%parallel_loop3A_252, %parallel_loop3A_273] : memref<128x128xf32, #tpu.memory_space<vmem>>[vector<16xi32>, vector<16xi32>], vector<16xf32>,
          %parallel_loop3A_275 = arith.addi %parallel_loop3A_255, %rem3A_39 : vector<16xi32>
          tpu.vector_store_idx %arg13[%parallel_loop3A_275, %parallel_loop3A_252], %parallel_loop3A_274 : memref<272x128xf32, #tpu.memory_space<vmem>>[vector<16xi32>, vector<16xi32>], vector<16xf32>,
          %parallel_loop3A_276 = vector.broadcast %parallel_loop3A_224 : i32 to vector<16xi32>
          %parallel_loop3A_277 = arith.addi %parallel_loop3A_276, %rem3A_45 : vector<16xi32>
          %parallel_loop3A_278 = tpu.vector_load_idx %arg12[%parallel_loop3A_252, %parallel_loop3A_277] : memref<128x128xf32, #tpu.memory_space<vmem>>[vector<16xi32>, vector<16xi32>], vector<16xf32>,
          %parallel_loop3A_279 = arith.addi %parallel_loop3A_255, %rem3A_45 : vector<16xi32>
          tpu.vector_store_idx %arg13[%parallel_loop3A_279, %parallel_loop3A_252], %parallel_loop3A_278 : memref<272x128xf32, #tpu.memory_space<vmem>>[vector<16xi32>, vector<16xi32>], vector<16xf32>,
          %parallel_loop3A_280 = vector.broadcast %parallel_loop3A_224 : i32 to vector<16xi32>
          %parallel_loop3A_281 = arith.addi %parallel_loop3A_280, %rem3A_51 : vector<16xi32>
          %parallel_loop3A_282 = tpu.vector_load_idx %arg12[%parallel_loop3A_252, %parallel_loop3A_281] : memref<128x128xf32, #tpu.memory_space<vmem>>[vector<16xi32>, vector<16xi32>], vector<16xf32>,
          %parallel_loop3A_283 = arith.addi %parallel_loop3A_255, %rem3A_51 : vector<16xi32>
          tpu.vector_store_idx %arg13[%parallel_loop3A_283, %parallel_loop3A_252], %parallel_loop3A_282 : memref<272x128xf32, #tpu.memory_space<vmem>>[vector<16xi32>, vector<16xi32>], vector<16xf32>,
          %parallel_loop3A_284 = vector.broadcast %parallel_loop3A_224 : i32 to vector<16xi32>
          %parallel_loop3A_285 = arith.addi %parallel_loop3A_284, %rem3A_57 : vector<16xi32>
          %parallel_loop3A_286 = tpu.vector_load_idx %arg12[%parallel_loop3A_252, %parallel_loop3A_285] : memref<128x128xf32, #tpu.memory_space<vmem>>[vector<16xi32>, vector<16xi32>], vector<16xf32>,
          %parallel_loop3A_287 = arith.addi %parallel_loop3A_255, %rem3A_57 : vector<16xi32>
          tpu.vector_store_idx %arg13[%parallel_loop3A_287, %parallel_loop3A_252], %parallel_loop3A_286 : memref<272x128xf32, #tpu.memory_space<vmem>>[vector<16xi32>, vector<16xi32>], vector<16xf32>,
          %parallel_loop3A_288 = vector.broadcast %parallel_loop3A_224 : i32 to vector<16xi32>
          %parallel_loop3A_289 = arith.addi %parallel_loop3A_288, %rem3A_63 : vector<16xi32>
          %parallel_loop3A_290 = tpu.vector_load_idx %arg12[%parallel_loop3A_252, %parallel_loop3A_289] : memref<128x128xf32, #tpu.memory_space<vmem>>[vector<16xi32>, vector<16xi32>], vector<16xf32>,
          %parallel_loop3A_291 = arith.addi %parallel_loop3A_255, %rem3A_63 : vector<16xi32>
          tpu.vector_store_idx %arg13[%parallel_loop3A_291, %parallel_loop3A_252], %parallel_loop3A_290 : memref<272x128xf32, #tpu.memory_space<vmem>>[vector<16xi32>, vector<16xi32>], vector<16xf32>,
          %parallel_loop3A_292 = vector.broadcast %parallel_loop3A_224 : i32 to vector<16xi32>
          %parallel_loop3A_293 = arith.addi %parallel_loop3A_292, %rem3A_69 : vector<16xi32>
          %parallel_loop3A_294 = tpu.vector_load_idx %arg12[%parallel_loop3A_252, %parallel_loop3A_293] : memref<128x128xf32, #tpu.memory_space<vmem>>[vector<16xi32>, vector<16xi32>], vector<16xf32>,
          %parallel_loop3A_295 = arith.addi %parallel_loop3A_255, %rem3A_69 : vector<16xi32>
          tpu.vector_store_idx %arg13[%parallel_loop3A_295, %parallel_loop3A_252], %parallel_loop3A_294 : memref<272x128xf32, #tpu.memory_space<vmem>>[vector<16xi32>, vector<16xi32>], vector<16xf32>,
          %parallel_loop3A_296 = vector.broadcast %parallel_loop3A_224 : i32 to vector<16xi32>
          %parallel_loop3A_297 = arith.addi %parallel_loop3A_296, %rem3A_75 : vector<16xi32>
          %parallel_loop3A_298 = tpu.vector_load_idx %arg12[%parallel_loop3A_252, %parallel_loop3A_297] : memref<128x128xf32, #tpu.memory_space<vmem>>[vector<16xi32>, vector<16xi32>], vector<16xf32>,
          %parallel_loop3A_299 = arith.addi %parallel_loop3A_255, %rem3A_75 : vector<16xi32>
          tpu.vector_store_idx %arg13[%parallel_loop3A_299, %parallel_loop3A_252], %parallel_loop3A_298 : memref<272x128xf32, #tpu.memory_space<vmem>>[vector<16xi32>, vector<16xi32>], vector<16xf32>,
          %parallel_loop3A_300 = vector.broadcast %parallel_loop3A_224 : i32 to vector<16xi32>
          %parallel_loop3A_301 = arith.addi %parallel_loop3A_300, %rem3A_81 : vector<16xi32>
          %parallel_loop3A_302 = tpu.vector_load_idx %arg12[%parallel_loop3A_252, %parallel_loop3A_301] : memref<128x128xf32, #tpu.memory_space<vmem>>[vector<16xi32>, vector<16xi32>], vector<16xf32>,
          %parallel_loop3A_303 = arith.addi %parallel_loop3A_255, %rem3A_81 : vector<16xi32>
          tpu.vector_store_idx %arg13[%parallel_loop3A_303, %parallel_loop3A_252], %parallel_loop3A_302 : memref<272x128xf32, #tpu.memory_space<vmem>>[vector<16xi32>, vector<16xi32>], vector<16xf32>,
          %parallel_loop3A_304 = vector.broadcast %parallel_loop3A_224 : i32 to vector<16xi32>
          %parallel_loop3A_305 = arith.addi %parallel_loop3A_304, %rem3A_87 : vector<16xi32>
          %parallel_loop3A_306 = tpu.vector_load_idx %arg12[%parallel_loop3A_252, %parallel_loop3A_305] : memref<128x128xf32, #tpu.memory_space<vmem>>[vector<16xi32>, vector<16xi32>], vector<16xf32>,
          %parallel_loop3A_307 = arith.addi %parallel_loop3A_255, %rem3A_87 : vector<16xi32>
          tpu.vector_store_idx %arg13[%parallel_loop3A_307, %parallel_loop3A_252], %parallel_loop3A_306 : memref<272x128xf32, #tpu.memory_space<vmem>>[vector<16xi32>, vector<16xi32>], vector<16xf32>,
          %parallel_loop3A_308 = vector.broadcast %parallel_loop3A_224 : i32 to vector<16xi32>
          %parallel_loop3A_309 = arith.addi %parallel_loop3A_308, %rem3A_93 : vector<16xi32>
          %parallel_loop3A_310 = tpu.vector_load_idx %arg12[%parallel_loop3A_252, %parallel_loop3A_309] : memref<128x128xf32, #tpu.memory_space<vmem>>[vector<16xi32>, vector<16xi32>], vector<16xf32>,
          %parallel_loop3A_311 = arith.addi %parallel_loop3A_255, %rem3A_93 : vector<16xi32>
          tpu.vector_store_idx %arg13[%parallel_loop3A_311, %parallel_loop3A_252], %parallel_loop3A_310 : memref<272x128xf32, #tpu.memory_space<vmem>>[vector<16xi32>, vector<16xi32>], vector<16xf32>,
          %parallel_loop3A_312 = vector.broadcast %parallel_loop3A_224 : i32 to vector<16xi32>
          %parallel_loop3A_313 = arith.addi %parallel_loop3A_312, %rem3A_99 : vector<16xi32>
          %parallel_loop3A_314 = tpu.vector_load_idx %arg12[%parallel_loop3A_252, %parallel_loop3A_313] : memref<128x128xf32, #tpu.memory_space<vmem>>[vector<16xi32>, vector<16xi32>], vector<16xf32>,
          %parallel_loop3A_315 = arith.addi %parallel_loop3A_255, %rem3A_99 : vector<16xi32>
          tpu.vector_store_idx %arg13[%parallel_loop3A_315, %parallel_loop3A_252], %parallel_loop3A_314 : memref<272x128xf32, #tpu.memory_space<vmem>>[vector<16xi32>, vector<16xi32>], vector<16xf32>,
          %parallel_loop3A_316 = vector.broadcast %parallel_loop3A_224 : i32 to vector<16xi32>
          %parallel_loop3A_317 = arith.addi %parallel_loop3A_316, %rem3A_105 : vector<16xi32>
          %parallel_loop3A_318 = tpu.vector_load_idx %arg12[%parallel_loop3A_252, %parallel_loop3A_317] : memref<128x128xf32, #tpu.memory_space<vmem>>[vector<16xi32>, vector<16xi32>], vector<16xf32>,
          %parallel_loop3A_319 = arith.addi %parallel_loop3A_255, %rem3A_105 : vector<16xi32>
          tpu.vector_store_idx %arg13[%parallel_loop3A_319, %parallel_loop3A_252], %parallel_loop3A_318 : memref<272x128xf32, #tpu.memory_space<vmem>>[vector<16xi32>, vector<16xi32>], vector<16xf32>,
        } {sc.loop_unroll_factor = 1 : i64, sc.parallel_access}
        %dma_wait3A_184 = arith.constant 256 : i32
        %dma_wait3A_185 = arith.constant 0 : i32
        %dma_wait3A_186 = tpu.memref_slice %arg13[%dma_wait3A_184, %dma_wait3A_185] : memref<272x128xf32, #tpu.memory_space<vmem>> -> memref<16x128xf32, #tpu.memory_space<vmem>>
        %dma_wait3A_187 = arith.constant 0 : i32
        %dma_wait3A_188 = arith.constant 0 : i32
        %dma_wait3A_189 = tpu.memref_slice %arg3[%dma_wait3A_187, %dma_wait3A_188] : memref<16x320000xf32, #tpu.memory_space<hbm>> -> memref<16x128xf32, #tpu.memory_space<hbm>>
        %dma_wait3A_190 = arith.constant 256 : i32
        %dma_wait3A_191 = arith.constant 0 : i32
        %dma_wait3A_192 = tpu.memref_slice %arg13[%dma_wait3A_190, %dma_wait3A_191] : memref<272x128xf32, #tpu.memory_space<vmem>> -> memref<16x128xf32, #tpu.memory_space<vmem>>
        %dma_wait3A_193 = arith.constant 0 : i32
        %dma_wait3A_194 = arith.constant 0 : i32
        %dma_wait3A_195 = tpu.memref_slice %arg3[%dma_wait3A_193, %dma_wait3A_194] : memref<16x320000xf32, #tpu.memory_space<hbm>> -> memref<16x128xf32, #tpu.memory_space<hbm>>
        tpu.wait_dma2 semaphore(%arg16 : memref<!tpu.dma_semaphore, #tpu.memory_space<semaphore_mem>>) src(%dma_wait3A_195 : memref<16x128xf32, #tpu.memory_space<hbm>>) dst(%dma_wait3A_192 : memref<16x128xf32, #tpu.memory_space<vmem>>)
        %dma_start3A_196 = arith.constant 0 : i32
        %dma_start3A_197 = tpu.memref_slice %arg6[%dma_start3A_196, %mul3A_152] : memref<272x320000xf32, #tpu.memory_space<hbm>> -> memref<272x128xf32, #tpu.memory_space<hbm>>
        %dma_start3A_198 = arith.constant 0 : i32
        %dma_start3A_199 = tpu.memref_slice %arg6[%dma_start3A_198, %mul3A_152] : memref<272x320000xf32, #tpu.memory_space<hbm>> -> memref<272x128xf32, #tpu.memory_space<hbm>>
        tpu.enqueue_dma source(%arg13 : memref<272x128xf32, #tpu.memory_space<vmem>>) target(%dma_start3A_199 : memref<272x128xf32, #tpu.memory_space<hbm>>) target_semaphore(%arg17 : memref<!tpu.dma_semaphore, #tpu.memory_space<semaphore_mem>>)
        %add3A_200 = arith.constant 2 : i32
        %add3A_201 = arith.addi %add3A_145, %add3A_200 : i32
        %lt3A_202 = arith.cmpi slt, %add3A_201, %add3A_4 : i32
        %convert_element_type3A_203 = arith.extui %lt3A_202 : i1 to i32
        %cond3A_204 = arith.constant 0 : i32
        %cond3A_205 = arith.cmpi ne, %convert_element_type3A_203, %cond3A_204 : i32
        scf.if %cond3A_205 {
          %add3A_206 = arith.constant 2 : i32
          %add3A_207 = arith.addi %add3A_145, %add3A_206 : i32
          %mul3A_208 = arith.constant 128 : i32
          %mul3A_209 = arith.muli %add3A_207, %mul3A_208 : i32
          %dma_start3A_210 = tpu.memref_slice %arg7[%mul3A_209] : memref<10112xi32, #tpu.memory_space<vmem>> -> memref<128xi32, #tpu.memory_space<vmem>>
          %dma_start3A_211 = arith.constant 0 : i32
          %dma_start3A_212 = arith.constant 0 : i32
          %dma_start3A_213 = tpu.memref_slice %arg2[%dma_start3A_211, %dma_start3A_212] : memref<10000x128xf32, #tpu.memory_space<hbm>> -> memref<10000x128xf32, #tpu.memory_space<hbm>>
          tpu.enqueue_indirect_dma source(%dma_start3A_213 : memref<10000x128xf32, #tpu.memory_space<hbm>>) target(%arg11 : memref<128x128xf32, #tpu.memory_space<vmem>>) offsets(%dma_start3A_210 : memref<128xi32, #tpu.memory_space<vmem>>) semaphore(%arg15 : memref<!tpu.dma_semaphore, #tpu.memory_space<semaphore_mem>>)
          %mul3A_214 = arith.constant 128 : i32
          %mul3A_215 = arith.muli %add3A_207, %mul3A_214 : i32
          %dma_start3A_216 = tpu.memref_slice %arg8[%mul3A_215] : memref<10112xi32, #tpu.memory_space<vmem>> -> memref<128xi32, #tpu.memory_space<vmem>>
          %dma_start3A_217 = arith.constant 0 : i32
          %dma_start3A_218 = arith.constant 0 : i32
          %dma_start3A_219 = tpu.memref_slice %arg2[%dma_start3A_217, %dma_start3A_218] : memref<10000x128xf32, #tpu.memory_space<hbm>> -> memref<10000x128xf32, #tpu.memory_space<hbm>>
          tpu.enqueue_indirect_dma source(%dma_start3A_219 : memref<10000x128xf32, #tpu.memory_space<hbm>>) target(%arg12 : memref<128x128xf32, #tpu.memory_space<vmem>>) offsets(%dma_start3A_216 : memref<128xi32, #tpu.memory_space<vmem>>) semaphore(%arg15 : memref<!tpu.dma_semaphore, #tpu.memory_space<semaphore_mem>>)
        } else {
        }
      } else {
      }
    }
    %scan3A_129 = arith.constant 40 : i32
    %dma_wait3A = arith.constant 0 : i32
    %dma_wait3A_130 = arith.constant 0 : i32
    %dma_wait3A_131 = tpu.memref_slice %arg6[%dma_wait3A, %dma_wait3A_130] : memref<272x320000xf32, #tpu.memory_space<hbm>> -> memref<272x128xf32, #tpu.memory_space<hbm>>
    %dma_wait3A_132 = arith.constant 0 : i32
    %dma_wait3A_133 = arith.constant 0 : i32
    %dma_wait3A_134 = tpu.memref_slice %arg6[%dma_wait3A_132, %dma_wait3A_133] : memref<272x320000xf32, #tpu.memory_space<hbm>> -> memref<272x128xf32, #tpu.memory_space<hbm>>
    tpu.wait_dma2 semaphore(%arg17 : memref<!tpu.dma_semaphore, #tpu.memory_space<semaphore_mem>>) src(%arg13 : memref<272x128xf32, #tpu.memory_space<vmem>>) dst(%dma_wait3A_134 : memref<272x128xf32, #tpu.memory_space<hbm>>)
    return
  }
}

</mosaic_0001>

<sc_bundles>
// kernel: kernel.3.cloned.1.call-start
scs
__scs_entry_jumppad:
0x0: {  	(pc) =	sbr.rel $0x88, $3  }
0x1: {  	(tag) =	ssettag $0x0;
	lr =	simm.s32 $0x1  }
0x2: {  	[smem:$0x3F9D] =	sst lr;
	_ =	strace $0xD0000000  }
0x3: {  	_ = 	snop  }
0x4: {  	_ = 	snop  }
0x5: {  	_ = 	snop  }
0x6: {  	_ = 	snop  }
0x7: {  	_ = 	snop  }
__scs_overlays_trampoline_lowered:
0x8: {  	[smem:$0x3FAC] =	sst s0  }
0x9: {  	[smem:$0x3FAD] =	sst s1  }
0xa: {  	[smem:$0x3FAE] =	sst s2  }
0xb: {  	[smem:$0x3FAF] =	sst s3  }
0xc: {  	[smem:$0x3FB0] =	sst s4  }
0xd: {  	[smem:$0x3FB1] =	sst s5  }
0xe: {  	[smem:$0x3FB2] =	sst s6  }
0xf: {  	[smem:$0x3FB3] =	sst s7  }
0x10: {  	[smem:$0x3FB4] =	sst s8  }
0x11: {  	[smem:$0x3FB5] =	sst s9;
	s0 =	simm.s32 @!p0 $0x0  }
0x12: {  	s1 =	sld [smem:$0x3F9B];
	s0 =	simm.s32 @p0 $0x1  }
0x13: {  	[smem:$0x3FB6] =	sst s0;
	s0 =	simm.s32 @!p1 $0x0  }
0x14: {  	s2 =	sld [smem:$0x3F9A];
	s0 =	simm.s32 @p1 $0x1  }
0x15: {  	[smem:$0x3FB7] =	sst s0;
	s0 =	simm.s32 @!p2 $0x0  }
0x16: {  	s3 =	sld [smem:$0x3FDB];
	s0 =	simm.s32 @p2 $0x1  }
0x17: {  	s4 =	simm.s32 $0x1BF5;
	[smem:$0x3FB9] =	sst s0  }
0x18: {  	s0 =	sld [smem:$0x3F9C];
	_ =	swait.ge [sflag:s4], $0x0  }
0x19: {  	s7 =	sld [smem:$0x3F9D]  }
0x1a: {  	s8 =	sadd.s32 $0xFFFFE003, lr  }
0x1b: {  	s9 =	sadd.s32 $0xFFFFFEF7, lr;
	s5 =	simm.s32 $0xFFFFFFFF;
	p2 =	slt.u32 s8, $0xFFFFF086  }
0x1c: {  	p1 =	slt.u32 s9, $0xF7A;
	s5 =	simm.s32 @!p2 $0x0  }
0x1d: {  	s5 =	simm.s32 @p1 $0x1;
	p0 =	seq.s32 s7, s2  }
0x1e: {  	s7 =	smul.u32 @!p0 $0xF7A, s2;
	p2 =	seq.s32 @!p0 s5, $0x0  }
0x1f: {  	s9 =	smul.u32 $0xF7A, s1;
	s8 =	simm.s32 @!p0 $0x1BF5;
	p2 =	por !p2, p0  }
0x20: {  	[sflag:s8] =	ssyncset.s32 @!p0 $0xFFFFF086;
	s6 =	sadd.s32 @!p0 s3, s7;
	s7 =	simm.s32 @!p0 $0x108  }
0x21: {  	s3 =	sadd.s32 s3, s9;
	s6 =	sadd.s32 @!p0 $0x88, s6;
	s7 =	simm.s32 @p2 $0x1082  }
0x22: {  	[simem:s7], [sflag:s8] =	dma.local @!p0 [hbm:s6], $0xF7A  }
0x23: {  	s9 =	sor.u32 $0xD0000000, s2;
	s6 =	simm.s32 $0x108;
	_ =	swait.ge @!p0 [sflag:s8], $0x0  }
0x24: {  	s3 =	sadd.s32 $0x88, s3;
	s6 =	simm.s32 @!p1 $0x1082;
	[sflag:s4] =	ssyncset.s32 $0xFFFFF086  }
0x25: {  	[simem:s6], [sflag:s4] =	dma.local [hbm:s3], $0xF7A  }
0x26: {  	[smem:$0x3F9D] =	sst s1;
	(tag) =	ssettag s2;
	_ =	strace s9  }
0x27: {  	s1 =	sld [smem:$0x3FAD]  }
0x28: {  	s2 =	sld [smem:$0x3FAE]  }
0x29: {  	s4 =	sld [smem:$0x3FB0]  }
0x2a: {  	p0 =	seq.s32 s5, $0x0;
	s5 =	sld [smem:$0x3FB1]  }
0x2b: {  	s6 =	sld [smem:$0x3FB2]  }
0x2c: {  	s7 =	sld [smem:$0x3FB3]  }
0x2d: {  	s3 =	simm.s32 $0x108;
	s8 =	sld [smem:$0x3FB4]  }
0x2e: {  	s3 =	simm.s32 @!p0 $0x1082;
	s9 =	sld [smem:$0x3FB5]  }
0x2f: {  	lr =	sadd.s32 s0, s3;
	s0 =	sld [smem:$0x3FAC]  }
0x30: {  	s3 =	sld [smem:$0x3FAF]  }
0x31: {  	[smem:$0x3FB8] =	sst s10  }
0x32: {  	s10 =	sld [smem:$0x3FB6];
	_ =	sdelay $0x3  }
0x33: {  	p0 =	seq.s32 s10, $0x1;
	s10 =	sld [smem:$0x3FB8];
	_ =	sdelay $0x3  }
0x34: {  	[smem:$0x3FB8] =	sst s10  }
0x35: {  	s10 =	sld [smem:$0x3FB7];
	_ =	sdelay $0x3  }
0x36: {  	p1 =	seq.s32 s10, $0x1;
	s10 =	sld [smem:$0x3FB8];
	_ =	sdelay $0x3  }
0x37: {  	[smem:$0x3FB8] =	sst s10  }
0x38: {  	s10 =	sld [smem:$0x3FB9]  }
0x39: {  	_ = 	snop;
	(pc) =	sbr.ind lr, $3  }
0x3a: {  	_ = 	snop  }
0x3b: {  	_ = 	snop  }
0x3c: {  	p2 =	seq.s32 s10, $0x1;
	s10 =	sld [smem:$0x3FB8]  }
0x3d: {  	_ =	shalt  }
0x3e: {  	_ =	shalt  }
0x3f: {  	_ =	shalt  }
0x40: {  	_ =	shalt  }
0x41: {  	_ =	shalt  }
0x42: {  	_ =	shalt  }
0x43: {  	_ =	shalt  }
0x44: {  	_ =	shalt  }
0x45: {  	_ =	shalt  }
0x46: {  	_ =	shalt  }
0x47: {  	_ =	shalt  }
0x48: {  	_ =	shalt  }
0x49: {  	_ =	shalt  }
0x4a: {  	_ =	shalt  }
0x4b: {  	_ =	shalt  }
0x4c: {  	_ =	shalt  }
0x4d: {  	_ =	shalt  }
0x4e: {  	_ =	shalt  }
0x4f: {  	_ =	shalt  }
0x50: {  	_ =	shalt  }
0x51: {  	_ =	shalt  }
0x52: {  	_ =	shalt  }
0x53: {  	_ =	shalt  }
0x54: {  	_ =	shalt  }
0x55: {  	_ =	shalt  }
0x56: {  	_ =	shalt  }
0x57: {  	_ =	shalt  }
0x58: {  	_ =	shalt  }
0x59: {  	_ =	shalt  }
0x5a: {  	_ =	shalt  }
0x5b: {  	_ =	shalt  }
0x5c: {  	_ =	shalt  }
0x5d: {  	_ =	shalt  }
0x5e: {  	_ =	shalt  }
0x5f: {  	_ =	shalt  }
0x60: {  	_ =	shalt  }
0x61: {  	_ =	shalt  }
0x62: {  	_ =	shalt  }
0x63: {  	_ =	shalt  }
0x64: {  	_ =	shalt  }
0x65: {  	_ =	shalt  }
0x66: {  	_ =	shalt  }
0x67: {  	_ =	shalt  }
0x68: {  	_ =	shalt  }
0x69: {  	_ =	shalt  }
0x6a: {  	_ =	shalt  }
0x6b: {  	_ =	shalt  }
0x6c: {  	_ =	shalt  }
0x6d: {  	_ =	shalt  }
0x6e: {  	_ =	shalt  }
0x6f: {  	_ =	shalt  }
0x70: {  	_ =	shalt  }
0x71: {  	_ =	shalt  }
0x72: {  	_ =	shalt  }
0x73: {  	_ =	shalt  }
0x74: {  	_ =	shalt  }
0x75: {  	_ =	shalt  }
0x76: {  	_ =	shalt  }
0x77: {  	_ =	shalt  }
0x78: {  	_ =	shalt  }
0x79: {  	_ =	shalt  }
0x7a: {  	_ =	shalt  }
0x7b: {  	_ =	shalt  }
0x7c: {  	_ =	shalt  }
0x7d: {  	_ =	shalt  }
0x7e: {  	_ =	shalt  }
0x7f: {  	_ =	shalt  }
0x80: {  	_ =	shalt  }
0x81: {  	_ =	shalt  }
0x82: {  	_ =	shalt  }
0x83: {  	_ =	shalt  }
0x84: {  	_ =	shalt  }
0x85: {  	_ =	shalt  }
0x86: {  	_ =	shalt  }
0x87: {  	_ =	shalt  }
.Lfunc_end0:
.L_simem_size_0:
called_computation_lowered:
.L_overlay_start_0:
0x88: {  	s2 =	sld [smem:$0x3FD9]  }
0x89: {  	s3 =	sld [smem:$0x3FFE];
	_ =	sdelay $0x1  }
0x8a: {  	s1 =	srdreg.scid  }
0x8b: {  	s0 =	sand.u32 $0x1, s1  }
0x8c: {  	s18 =	sshll.u32 s0, $0xA;
	s2 =	sadd.s32 s3, s2  }
0x8d: {  	s2 =	sadd.s32 s2, s18  }
0x8e: {  	[smem:$0x3FC4] =	sst s2  }
0x8f: {  	_ = 	snop  }
0x90: {  	s2 =	sld [smem:$0x3FC9]  }
0x91: {  	s19 =	sld [smem:$0x3FC8]  }
0x92: {  	s4 =	sld [smem:$0x3FC7]  }
0x93: {  	s5 =	sld [smem:$0x3FC6]  }
0x94: {  	s6 =	sld [smem:$0x3FD0];
	(tm) =	ssettm $0x1  }
0x95: {  	s7 =	sld [smem:$0x3FFB];
	_ =	sdelay $0x3  }
0x96: {  	_ =	strace s7  }
0x97: {  	s7 =	sld [smem:$0x3FFC];
	_ =	sdelay $0x3  }
0x98: {  	_ =	strace s7  }
0x99: {  	s7 =	sld [smem:$0x3FFD];
	_ =	sdelay $0x3  }
0x9a: {  	_ =	strace s7  }
0x9b: {  	_ =	strace $0x8FFFFFFF  }
0x9c: {  	s20 =	sld [smem:$0x3FDB];
	_ =	sdelay $0x1  }
0x9d: {  	s8 =	simm.s32 $_scs_section_size  }
0x9e: {  	s9 =	simm.s32 $_size__tile_overlayer_lowered;
	s10 =	simm.s32 $_tile_overlayer_lowered  }
0x9f: {  	s23 =	simm.s32 $0x1BFF;
	s22 =	sshll.u32 s10, $0x1;
	s7 =	sadd.s32 s8, s20  }
0xa0: {  	s11 =	simm.s32 $0x0;
	s21 =	sshll.u32 s9, $0x1;
	s9 =	sadd.s32 s22, s7  }
0xa1: {  	[timem:s11], [sflag:s23] =	dma.local [hbm:s9], s21  }
0xa2: {  	_ =	swait.ge [sflag:s23], s21  }
0xa3: {  	s8 =	ssub.s32 $0x0, s21;
	[sflag:s23] =	ssyncset.done $0x0  }
0xa4: {  	[sflag:s23] =	ssyncadd.s32 s8;
	_ =	sdelay $0x1  }
0xa5: {  	s24 =	simm.s32 $0x1B8B  }
0xa6: {  	_ =	swait.ge [sflag:s24], $0x1  }
0xa7: {  	[sflag:s24] =	ssyncset.done $0x0  }
0xa8: {  	s25 =	simm.s32 $0x1B8E;
	[sflag:s24] =	ssyncadd.s32 $0xFFFFFFFF  }
0xa9: {  	s26 =	simm.s32 $execute0_lowered;
	[smem:$0x3FD2] =	sst s25  }
0xaa: {  	s8 =	sshll.u32 s26, $0x1;
	_ =	strace $0x80000046;
	[dreg:$0x1] =	wrdreg $0xFFFFFFFF  }
0xab: {  	s28 =	simm.s32 $_size_execute0_lowered;
	s7 =	sadd.s32 s7, s8;
	[dreg:$0x0] =	wrdreg $0x0  }
0xac: {  	s8 =	sshll.u32 s28, $0x1;
	[dreg:$0x2] =	wrdreg s7  }
0xad: {  	[dreg:$0x3] =	wrdreg s8  }
0xae: {  	[dreg:$0x4] =	wrdreg $0xC0  }
0xaf: {  	_ =	task [dreg:s11], $0x5FFFF  }
0xb0: {  	[dreg:$0x1] =	wrdreg $0xFFFFFFFF  }
0xb1: {  	[dreg:$0x0] =	wrdreg $0x60  }
0xb2: {  	[dreg:$0x2] =	wrdreg s2  }
0xb3: {  	[dreg:$0x3] =	wrdreg s19  }
0xb4: {  	[dreg:$0x4] =	wrdreg s4  }
0xb5: {  	[dreg:$0x5] =	wrdreg s5  }
0xb6: {  	[dreg:$0x6] =	wrdreg s6  }
0xb7: {  	[dreg:$0x7] =	wrdreg $0x9  }
0xb8: {  	_ =	task.clear_ibuf [dreg:s11], $0x8FFFF;
	_ =	strace $0x90000046  }
0xb9: {  	s29 =	simm.s32 $0x9;
	_ =	strace $0x80000048  }
0xba: {  	_ =	swait.ge [sflag:s29], $0x1  }
0xbb: {  	[sflag:s29] =	ssyncadd.s32 $0xFFFFFFFF  }
0xbc: {  	_ =	strace $0x90000048  }
0xbd: {  	_ =	sfence  }
0xbe: {  	s30 =	sld [smem:$0x0];
	_ =	sdelay $0x2  }
0xbf: {  	s31 =	sshll.u32 s1, $0xD;
	s1 =	sshrl.u32 s1, $0x2  }
0xc0: {  	s3 =	sand.u32 $0x4000, s31;
	s1 =	sadd.s32 s1, s30  }
0xc1: {  	s0 =	sor.u32 s3, s0;
	s1 =	sshll.u32 s1, $0x11  }
0xc2: {  	s0 =	sor.u32 s1, s0  }
0xc3: {  	s0 =	sadd.s32 $0x8F2B, s0  }
0xc4: {  	[sflag:s0] =	ssyncadd.remote.s32 $0x1  }
0xc5: {  	_ =	sfence.sel $0xFFFF  }
0xc6: {  	[dreg:$0x0] =	wrdreg $0xFFFFFFFF;
	(pc) =	sbr.abs _section_cstart, $3  }
0xc7: {  	[dreg:$0x1] =	wrdreg $0xFFFFFFFF  }
0xc8: {  	_ =	task.clear_ibuf [dreg:s11], $0x2FFFF;
	_ =	strace $0x9FFFFFFF  }
0xc9: {  	(tm) =	ssettm $0x7FFFFFFF  }
tec
execute0_lowered:
.L_overlay_start_1:
0x0: {  	(tag) =	ssettag $0x1  }
0x1: {  	v0 =	vimm.s32 $0xFEDCBA9;
	v1 =	vimm.s32 $0x87654321  }
0x2: {  	v2 =	vimm.s32 $0x10FEDCBA;
	v3 =	vimm.s32 $0x98765432;
	v4 =	vimm.s32 $0x210FEDCB  }
0x3: {  	v5 =	vimm.s32 $0xA9876543;
	v8 =	vimm.s32 $0x3210FEDC;
	v9 =	vimm.s32 $0xBA987654  }
0x4: {  	v15 =	vimm.s32 $0x543210FE;
	v57 =	vimm.s32 $0x6543210F;
	v19 =	vimm.s32 $0xEDCBA987  }
0x5: {  	v20 =	vimm.s32 $0xFEDCBA98;
	vm14 =	vcmask $0x300;
	vm13 =	vcmask $0x704  }
0x6: {  	vm12 =	vcmask $0xB08;
	vm11 =	vcmask $0xF0C;
	vm10 =	vcmask $0x1310  }
0x7: {  	vm9 =	vcmask $0x1714;
	vm8 =	vcmask $0x1B18;
	vm6 =	vcmask $0x1F1C  }
0x8: {  	v58 =	vimm.s32 $0x600;
	vm0 =	vcmask $0x2320;
	vm1 =	vcmask $0x2724  }
0x9: {  	vm2 =	vcmask $0x2B28;
	vm3 =	vcmask $0x2F2C;
	vm4 =	vcmask $0x3330  }
0xa: {  	vm5 =	vcmask $0x3734;
	vm7 =	vcmask $0x3B38;
	v59 =	vimm.s32 $0x580  }
0xb: {  	v60 =	vimm.s32 $0x500;
	v61 =	vimm.s32 $0x480;
	v62 =	vimm.s32 $0x400  }
0xc: {  	v63 =	vimm.s32 $0x380;
	v25 =	vimm.s32 $0x280;
	v26 =	vimm.s32 $0x200  }
0xd: {  	v27 =	vimm.s32 $0x180;
	v28 =	vimm.s32 $0x100;
	v29 =	vimm.s32 $0x80  }
0xe: {  	v30 =	vimm.s32 $0x0;
	v0 =	vunpack.c.l.s4.s8 v0;
	v1 =	vunpack.c.l.s4.s8 v1  }
0xf: {  	v2 =	vunpack.c.l.s4.s8 v2;
	v3 =	vunpack.c.l.s4.s8 v3;
	v4 =	vunpack.c.l.s4.s8 v4  }
0x10: {  	v5 =	vunpack.c.l.s4.s8 v5;
	v8 =	vunpack.c.l.s4.s8 v8;
	v15 =	vunpack.c.l.s4.s8 v15  }
0x11: {  	v19 =	vunpack.c.l.s4.s8 v19;
	v20 =	vunpack.c.l.s4.s8 v20;
	v25 =	vsel vm14, $0x300, v25  }
0x12: {  	v26 =	vsel vm14, $0x280, v26;
	v27 =	vsel vm14, $0x200, v27;
	v28 =	vsel vm14, $0x180, v28  }
0x13: {  	v29 =	vsel vm14, $0x100, v29;
	v30 =	vsel vm14, $0x80, v30;
	v25 =	vsel vm13, $0x380, v25  }
0x14: {  	v26 =	vsel vm13, $0x300, v26;
	v27 =	vsel vm13, $0x280, v27;
	v28 =	vsel vm13, $0x200, v28  }
0x15: {  	v29 =	vsel vm13, $0x180, v29;
	v30 =	vsel vm13, $0x100, v30;
	v6 =	vunpack.c.0.s8.s32 v0  }
0x16: {  	v7 =	vunpack.c.0.s8.s32 v1;
	v0 =	vlaneseq.u32;
	v10 =	vunpack.c.0.s8.s32 v2  }
0x17: {  	v11 =	vunpack.c.0.s8.s32 v3;
	v2 =	vunpack.c.l.s4.s8 v9;
	v9 =	vunpack.c.0.s8.s32 v4  }
0x18: {  	v12 =	vunpack.c.0.s8.s32 v5;
	v13 =	vunpack.c.0.s8.s32 v8;
	v3 =	vimm.s32 $0xCBA98765  }
0x19: {  	v15 =	vunpack.c.0.s8.s32 v15;
	v19 =	vunpack.c.0.s8.s32 v19;
	v20 =	vunpack.c.0.s8.s32 v20  }
0x1a: {  	v25 =	vsel vm12, $0x400, v25;
	v26 =	vsel vm12, $0x380, v26;
	v27 =	vsel vm12, $0x300, v27  }
0x1b: {  	v28 =	vsel vm12, $0x280, v28;
	v29 =	vsel vm12, $0x200, v29;
	v30 =	vsel vm12, $0x180, v30  }
0x1c: {  	v3 =	vunpack.c.l.s4.s8 v3;
	v25 =	vsel vm11, $0x480, v25;
	v26 =	vsel vm11, $0x400, v26  }
0x1d: {  	v27 =	vsel vm11, $0x380, v27;
	v28 =	vsel vm11, $0x300, v28;
	v29 =	vsel vm11, $0x280, v29  }
0x1e: {  	v30 =	vsel vm11, $0x200, v30;
	v1 =	vcombine.low v7, v6;
	v14 =	vunpack.c.0.s8.s32 v2  }
0x1f: {  	v2 =	vimm.s32 $0x43210FED;
	v4 =	vcombine.low v11, v10;
	v18 =	vcombine.low v12, v9  }
0x20: {  	v24 =	vcombine.low v6, v7;
	v20 =	vand.u32 $0xF, v20;
	v10 =	vcombine.low v10, v11  }
0x21: {  	v11 =	vcombine.low v9, v12;
	v25 =	vsel vm10, $0x500, v25;
	v26 =	vsel vm10, $0x480, v26  }
0x22: {  	v27 =	vsel vm10, $0x400, v27;
	v28 =	vsel vm10, $0x380, v28;
	v29 =	vsel vm10, $0x300, v29  }
0x23: {  	v30 =	vsel vm10, $0x280, v30;
	v2 =	vunpack.c.l.s4.s8 v2;
	v17 =	vunpack.c.0.s8.s32 v3  }
0x24: {  	v25 =	vsel vm9, $0x580, v25;
	v26 =	vsel vm9, $0x500, v26;
	v27 =	vsel vm9, $0x480, v27  }
0x25: {  	v28 =	vsel vm9, $0x400, v28;
	v29 =	vsel vm9, $0x380, v29;
	v30 =	vsel vm9, $0x300, v30  }
0x26: {  	v8 =	vcombine.low v14, v13;
	v5 =	vand.u32 $0xF, v4;
	v3 =	vand.u32 $0xF, v18  }
0x27: {  	v18 =	vunpack.c.l.s4.s8 v57;
	v9 =	vand.u32 $0xF, v10;
	v10 =	vand.u32 $0xF, v11  }
0x28: {  	v12 =	vcombine.low v13, v14;
	v13 =	vimm.s32 $0x700;
	v25 =	vsel vm8, $0x600, v25  }
0x29: {  	v26 =	vsel vm8, $0x580, v26;
	v27 =	vsel vm8, $0x500, v27;
	v28 =	vsel vm8, $0x480, v28  }
0x2a: {  	v29 =	vsel vm8, $0x400, v29;
	v30 =	vsel vm8, $0x380, v30;
	v16 =	vunpack.c.0.s8.s32 v2  }
0x2b: {  	v13 =	vsel vm14, $0x780, v13;
	v25 =	vsel vm6, $0x680, v25;
	v26 =	vsel vm6, $0x600, v26  }
0x2c: {  	v27 =	vsel vm6, $0x580, v27;
	v28 =	vsel vm6, $0x500, v28;
	v29 =	vsel vm6, $0x480, v29  }
0x2d: {  	v30 =	vsel vm6, $0x400, v30;
	v31 =	vand.u32 $0xF, v8;
	v8 =	vimm.s32 $0xDCBA9876  }
0x2e: {  	v18 =	vunpack.c.0.s8.s32 v18;
	v11 =	vand.u32 $0xF, v12;
	v25 =	vsel vm0, $0x700, v25  }
0x2f: {  	v26 =	vsel vm0, $0x680, v26;
	v27 =	vsel vm0, $0x600, v27;
	v28 =	vsel vm0, $0x580, v28  }
0x30: {  	v29 =	vsel vm0, $0x500, v29;
	v30 =	vsel vm0, $0x480, v30;
	v2 =	vcombine.low v17, v16  }
0x31: {  	v8 =	vunpack.c.l.s4.s8 v8;
	v14 =	vcombine.low v16, v17;
	v16 =	vsel vm13, $0x0, v13  }
0x32: {  	v25 =	vsel vm1, $0x780, v25;
	v26 =	vsel vm1, $0x700, v26;
	v27 =	vsel vm1, $0x680, v27  }
0x33: {  	v28 =	vsel vm1, $0x600, v28;
	v29 =	vsel vm1, $0x580, v29;
	v30 =	vsel vm1, $0x500, v30  }
0x34: {  	v23 =	vcombine.low v19, v18;
	v25 =	vsel vm2, $0x0, v25;
	v26 =	vsel vm2, $0x780, v26  }
0x35: {  	v27 =	vsel vm2, $0x700, v27;
	v28 =	vsel vm2, $0x680, v28;
	v29 =	vsel vm2, $0x600, v29  }
0x36: {  	v30 =	vsel vm2, $0x580, v30;
	v21 =	vunpack.c.0.s8.s32 v8;
	v8 =	vimm.s32 $0x76543210  }
0x37: {  	v4 =	vand.u32 $0xF, v2;
	v12 =	vand.u32 $0xF, v14;
	v14 =	vsel vm12, $0x80, v16  }
0x38: {  	v16 =	vcombine.low v18, v19;
	v18 =	vsel vm14, $0x680, v58;
	v19 =	vsel vm14, $0x600, v59  }
0x39: {  	v25 =	vsel vm3, $0x80, v25;
	v26 =	vsel vm3, $0x0, v26;
	v27 =	vsel vm3, $0x780, v27  }
0x3a: {  	v28 =	vsel vm3, $0x700, v28;
	v29 =	vsel vm3, $0x680, v29;
	v30 =	vsel vm3, $0x600, v30  }
0x3b: {  	v8 =	vunpack.c.l.s4.s8 v8;
	v6 =	vand.u32 $0xF, v23;
	v14 =	vsel vm11, $0x100, v14  }
0x3c: {  	v18 =	vsel vm13, $0x700, v18;
	v19 =	vsel vm13, $0x680, v19;
	v23 =	vsel vm14, $0x400, v63  }
0x3d: {  	v22 =	vcombine.low v21, v15;
	v15 =	vcombine.low v15, v21;
	v17 =	vsel vm10, $0x180, v14  }
0x3e: {  	v14 =	vand.u32 $0xF, v16;
	v18 =	vsel vm12, $0x780, v18;
	v21 =	vsel vm14, $0x500, v61  }
0x3f: {  	v19 =	vsel vm12, $0x700, v19;
	v23 =	vsel vm13, $0x480, v23;
	v8 =	vunpack.c.0.s8.s32 v8  }
0x40: {  	v17 =	vsel vm9, $0x200, v17;
	v18 =	vsel vm11, $0x0, v18;
	v21 =	vsel vm13, $0x580, v21  }
0x41: {  	v19 =	vsel vm11, $0x780, v19;
	v23 =	vsel vm12, $0x500, v23;
	v2 =	vand.u32 $0xF, v22  }
0x42: {  	v16 =	vsel vm8, $0x280, v17;
	v17 =	vimm.s32 $0x680;
	v18 =	vsel vm10, $0x80, v18  }
0x43: {  	v21 =	vsel vm12, $0x600, v21;
	v19 =	vsel vm10, $0x0, v19;
	v22 =	vsel vm14, $0x480, v62  }
0x44: {  	v23 =	vsel vm11, $0x580, v23;
	v7 =	vcombine.low v20, v8;
	v8 =	vand.u32 $0xF, v24  }
0x45: {  	v16 =	vsel vm6, $0x300, v16;
	v17 =	vsel vm14, $0x700, v17;
	v18 =	vsel vm9, $0x100, v18  }
0x46: {  	v20 =	vsel vm14, $0x580, v60;
	v21 =	vsel vm11, $0x680, v21;
	v19 =	vsel vm9, $0x80, v19  }
0x47: {  	v24 =	vimm.s32 $0x300;
	v22 =	vsel vm13, $0x500, v22;
	v23 =	vsel vm10, $0x600, v23  }
0x48: {  	v16 =	vsel vm0, $0x380, v16;
	v17 =	vsel vm13, $0x780, v17;
	v18 =	vsel vm8, $0x180, v18  }
0x49: {  	v20 =	vsel vm13, $0x600, v20;
	v21 =	vsel vm10, $0x700, v21;
	v19 =	vsel vm8, $0x100, v19  }
0x4a: {  	v24 =	vsel vm14, $0x380, v24;
	v22 =	vsel vm12, $0x580, v22;
	v23 =	vsel vm9, $0x680, v23  }
0x4b: {  	v17 =	vsel vm12, $0x0, v17;
	v16 =	vsel vm1, $0x400, v16;
	v18 =	vsel vm6, $0x200, v18  }
0x4c: {  	v20 =	vsel vm12, $0x680, v20;
	v21 =	vsel vm9, $0x780, v21;
	v19 =	vsel vm6, $0x180, v19  }
0x4d: {  	v24 =	vsel vm13, $0x400, v24;
	v22 =	vsel vm11, $0x600, v22;
	v23 =	vsel vm8, $0x700, v23  }
0x4e: {  	v17 =	vsel vm11, $0x80, v17;
	v16 =	vsel vm2, $0x480, v16;
	v18 =	vsel vm0, $0x280, v18  }
0x4f: {  	v20 =	vsel vm11, $0x700, v20;
	v21 =	vsel vm8, $0x0, v21;
	v19 =	vsel vm0, $0x200, v19  }
0x50: {  	v24 =	vsel vm12, $0x480, v24;
	v22 =	vsel vm10, $0x680, v22;
	v23 =	vsel vm6, $0x780, v23  }
0x51: {  	v17 =	vsel vm10, $0x100, v17;
	v16 =	vsel vm3, $0x500, v16;
	v18 =	vsel vm1, $0x300, v18  }
0x52: {  	v20 =	vsel vm10, $0x780, v20;
	v21 =	vsel vm6, $0x80, v21;
	v19 =	vsel vm1, $0x280, v19  }
0x53: {  	v24 =	vsel vm11, $0x500, v24;
	v22 =	vsel vm9, $0x700, v22;
	v23 =	vsel vm0, $0x0, v23  }
0x54: {  	v17 =	vsel vm9, $0x180, v17;
	v16 =	vsel vm4, $0x580, v16;
	v18 =	vsel vm2, $0x380, v18  }
0x55: {  	v20 =	vsel vm9, $0x0, v20;
	v21 =	vsel vm0, $0x100, v21;
	v19 =	vsel vm2, $0x300, v19  }
0x56: {  	v24 =	vsel vm10, $0x580, v24;
	v22 =	vsel vm8, $0x780, v22;
	v23 =	vsel vm1, $0x80, v23  }
0x57: {  	v17 =	vsel vm8, $0x200, v17;
	v16 =	vsel vm5, $0x600, v16;
	v18 =	vsel vm3, $0x400, v18  }
0x58: {  	v20 =	vsel vm8, $0x80, v20;
	v21 =	vsel vm1, $0x180, v21;
	v19 =	vsel vm3, $0x380, v19  }
0x59: {  	v24 =	vsel vm9, $0x600, v24;
	v22 =	vsel vm6, $0x0, v22;
	v23 =	vsel vm2, $0x100, v23  }
0x5a: {  	v17 =	vsel vm6, $0x280, v17;
	v18 =	vsel vm4, $0x480, v18;
	v16 =	vsel vm7, $0x680, v16  }
0x5b: {  	v20 =	vsel vm6, $0x100, v20;
	v21 =	vsel vm2, $0x200, v21;
	v19 =	vsel vm4, $0x400, v19  }
0x5c: {  	v24 =	vsel vm8, $0x680, v24;
	v22 =	vsel vm0, $0x80, v22;
	v23 =	vsel vm3, $0x180, v23  }
0x5d: {  	v17 =	vsel vm0, $0x300, v17;
	v18 =	vsel vm5, $0x500, v18;
	v20 =	vsel vm0, $0x180, v20  }
0x5e: {  	v21 =	vsel vm3, $0x280, v21;
	v19 =	vsel vm5, $0x480, v19;
	v17 =	vsel vm1, $0x380, v17  }
0x5f: {  	v24 =	vsel vm6, $0x700, v24;
	v22 =	vsel vm1, $0x100, v22;
	v17 =	vsel vm2, $0x400, v17  }
0x60: {  	v23 =	vsel vm4, $0x200, v23;
	v20 =	vsel vm1, $0x200, v20;
	v17 =	vsel vm3, $0x480, v17  }
0x61: {  	v21 =	vsel vm4, $0x300, v21;
	v24 =	vsel vm0, $0x780, v24;
	v17 =	vsel vm4, $0x500, v17  }
0x62: {  	v22 =	vsel vm2, $0x180, v22;
	v20 =	vsel vm2, $0x280, v20;
	v17 =	vsel vm5, $0x580, v17  }
0x63: {  	[tilespmem:$0x1FF00] =	vst v16;
	v21 =	vsel vm5, $0x380, v21;
	v20 =	vsel vm3, $0x300, v20;
	v16 =	vsel vm7, $0x600, v17  }
0x64: {  	s0 =	rddreg [dreg:$0x0];
	v24 =	vsel vm1, $0x0, v24;
	v20 =	vsel vm4, $0x380, v20;
	[tilespmem:$0x1FF10] =	vst v16;
	v16 =	vsel vm7, $0x580, v18  }
0x65: {  	s1 =	rddreg [dreg:$0x2];
	v22 =	vsel vm3, $0x200, v22;
	v20 =	vsel vm5, $0x400, v20;
	[tilespmem:$0x1FF20] =	vst v16;
	v16 =	vsel vm7, $0x500, v19  }
0x66: {  	s2 =	rddreg [dreg:$0x3];
	s3 =	srdreg.scid;
	v24 =	vsel vm2, $0x80, v24;
	v22 =	vsel vm4, $0x280, v22;
	[tilespmem:$0x1FF30] =	vst v16;
	v16 =	vsel vm7, $0x480, v20  }
0x67: {  	s7 =	stileid.u32;
	s14 =	simm.s32 $0x4F00;
	s15 =	simm.s32 $0x8F00;
	v24 =	vsel vm3, $0x100, v24;
	v22 =	vsel vm5, $0x300, v22;
	[tilespmem:$0x1FF40] =	vst v16;
	v16 =	vsel vm7, $0x400, v21  }
0x68: {  	s6 =	simm.s32 $0x0;
	s16 =	simm.s32 $0xCF00;
	s18 =	simm.s32 $0x10F00;
	v23 =	vsel vm5, $0x280, v23;
	v24 =	vsel vm4, $0x180, v24;
	[tilespmem:$0x1FF50] =	vst v16;
	v16 =	vsel vm7, $0x380, v22  }
0x69: {  	s19 =	simm.s32 $0x1;
	s3 =	sand.u32 $0x1, s3;
	s4 =	sshll.u32 s7, $0x1;
	v25 =	vsel vm4, $0x100, v25;
	v24 =	vsel vm5, $0x200, v24;
	[tilespmem:$0x1FF60] =	vst v16;
	v16 =	vsel vm7, $0x300, v23  }
0x6a: {  	s20 =	simm.s32 $0x400;
	s21 =	simm.s32 $0x271000;
	s4 =	sor.u32 s3, s4;
	v26 =	vsel vm4, $0x80, v26;
	v25 =	vsel vm5, $0x180, v25;
	[tilespmem:$0x1FF70] =	vst v16;
	v16 =	vsel vm7, $0x280, v24  }
0x6b: {  	s23 =	simm.s32 $0x14F00;
	s24 =	simm.s32 $0x3;
	s5 =	smul.u32 $0x4E, s4;
	v27 =	vsel vm4, $0x0, v27;
	v26 =	vsel vm5, $0x100, v26;
	[tilespmem:$0x1FF80] =	vst v16;
	v16 =	vsel vm7, $0x200, v25  }
0x6c: {  	s25 =	simm.s32 $0x2;
	s26 =	simm.s32 $0x4;
	s4 =	smin.u32 s4, $0x4;
	v28 =	vsel vm4, $0x780, v28;
	v27 =	vsel vm5, $0x80, v27;
	[tilespmem:$0x1FF90] =	vst v16;
	v16 =	vsel vm7, $0x180, v26  }
0x6d: {  	[smem:$0x7FF] =	sst s6;
	p0 =	slt.u32 s7, $0x2;
	s6 =	sadd.s32 s4, s5;
	v30 =	vsel vm4, $0x680, v30;
	v28 =	vsel vm5, $0x0, v28;
	[tilespmem:$0x1FFA0] =	vst v16;
	v16 =	vsel vm7, $0x100, v27  }
.Ltmp0:
0x6e: {  	s3 =	ssub.s32 $0x2, s3;
	s4 =	sshll.u32 s6, $0x4;
	v29 =	vsel vm4, $0x700, v29;
	v30 =	vsel vm5, $0x700, v30;
	[tilespmem:$0x1FFB0] =	vst v16;
	v16 =	vsel vm7, $0x80, v28;
	(pc) =	sbr.rel .LBB2_1-.Ltmp0, $4  }
0x6f: {  	s29 =	sshrl.u32 s3, $0x1;
	s1 =	sadd.s32 s1, s4;
	v29 =	vsel vm5, $0x780, v29;
	v26 =	vmov v2;
	v2 =	vmul.u32 $0x80, v0;
	_ =	strace $0x80000047;
	[tilespmem:$0x1FFC0] =	vst v16  }
0x70: {  	s3 =	ssub.s32 s3, s29;
	v1 =	vand.u32 $0xF, v1;
	s30 =	sadd.s32 s2, s4;
	[dreg:$0x6] =	wrdreg s1;
	[tilespmem:$0x1FFE0] =	vst v14  }
0x71: {  	s7 =	simm.s32 $0x4F;
	s31 =	smax.u32 s3, $0x1;
	v15 =	vand.u32 $0xF, v15;
	v24 =	vsel vm7, $0x780, v30;
	v30 =	vmovc v14;
	v25 =	vmovc v4;
	[dreg:$0x7] =	wrdreg s30;
	v16 =	vsel vm7, $0x0, v29;
	[tilespmem:$0x1FFF0] =	vst v2  }
0x72: {  	s7 =	simm.s32 @!p0 $0x4E;
	s2 =	simm.s32 $0x0;
	v27 =	vmovc v6;
	v28 =	vmovc v7;
	v7 =	vmov v8;
	v8 =	vmov v12;
	[dreg:$0x8] =	wrdreg s31;
	v29 =	vmov v10;
	[tilespmem:$0x1FFD0] =	vst v16  }
.LBB2_15:
0x73: {  	_ =	swait.ge [sflag:s26], $0x8800  }
0x74: {  	s2 =	rddreg [dreg:$0x9]  }
0x75: {  	s1 =	rddreg [dreg:$0x8];
	s2 =	sadd.s32 $0x1, s2  }
0x76: {  	p0 =	sne.s32 s2, s1  }
.Ltmp1:
0x77: {  	_ = 	snop;
	(pc) =	sbr.rel @!p0 .LBB2_16-.Ltmp1, $3  }
0x78: {  	_ =	sdelay $0x1  }
0x79: {  	[sflag:s26] =	ssyncset.done $0x0  }
0x7a: {  	[sflag:s26] =	ssyncadd.s32 $0xFFFF7800  }
.LBB2_1:
0x7b: {  	[dreg:$0x9] =	wrdreg s2  }
0x7c: {  	s1 =	simm.s32 $0x0;
	s22 =	rddreg [dreg:$0x6];
	s3 =	simm.s32 $0x5  }
0x7d: {  	[tilespmem:s1], [sflag:$0x5] =	stream.linear.gather [hbm4b:s22+s1], $0x2780, $0x38;
	[tilespmem:$0x1D700] =	vst v63  }
0x7e: {  	_ =	swait.ge [sflag:s3], $0x2780  }
0x7f: {  	[sflag:s3] =	ssyncset.done $0x0  }
0x80: {  	s4 =	simm.s32 $0x2780;
	s28 =	rddreg [dreg:$0x7];
	[sflag:s3] =	ssyncadd.s32 $0xFFFFD880  }
0x81: {  	[tilespmem:s4], [sflag:$0x5] =	stream.linear.gather [hbm4b:s28+s1], $0x2780, $0x38;
	[tilespmem:$0x1D700] =	vst v63  }
0x82: {  	_ =	swait.ge [sflag:s3], $0x2780  }
0x83: {  	[sflag:s3] =	ssyncset.done $0x0  }
0x84: {  	s30 =	simm.s32 $0x80;
	[sflag:s3] =	ssyncadd.s32 $0xFFFFD880  }
0x85: {  	[tilespmem:s14], [sflag:$0x1] =	stream.indirect.gather [hbm4b:s0+s30], $0x80, s1, s30, $0xb8;
	[tilespmem:$0x1D700] =	vst v63  }
0x86: {  	_ = 	snop  }
0x87: {  	[tilespmem:s15], [sflag:$0x1] =	stream.indirect.gather [hbm4b:s0+s30], $0x80, s4, s30, $0xb8;
	[tilespmem:$0x1D700] =	vst v63  }
.Ltmp2:
0x88: {  	_ = 	snop;
	(pc) =	sbr.rel .LBB2_2-.Ltmp2, $4  }
0x89: {  	_ = 	snop  }
0x8a: {  	[tilespmem:s16], [sflag:$0x2] =	stream.indirect.gather [hbm4b:s0+s30], $0x80, s30, s30, $0xb8;
	[tilespmem:$0x1D700] =	vst v63  }
0x8b: {  	s31 =	simm.s32 $0x2800;
	s29 =	simm.s32 $0x0  }
0x8c: {  	[tilespmem:s18], [sflag:$0x2] =	stream.indirect.gather [hbm4b:s0+s30], $0x80, s31, s30, $0xb8;
	[tilespmem:$0x1D700] =	vst v63  }
.LBB2_14:
0x8d: {  	s29 =	sadd.s32 $0x1, s29  }
0x8e: {  	p0 =	sne.s32 s29, $0x28  }
.Ltmp3:
0x8f: {  	_ = 	snop;
	(pc) =	sbr.rel @!p0 .LBB2_15-.Ltmp3, $1  }
0x90: {  	_ =	sdelay $0x3  }
.LBB2_2:
0x91: {  	s30 =	sshll.u32 s29, $0x1  }
0x92: {  	p0 =	sge.u32 s30, s7  }
.Ltmp4:
0x93: {  	_ = 	snop;
	(pc) =	sbr.rel @p0 .LBB2_8-.Ltmp4, $1  }
0x94: {  	_ =	sdelay $0x3  }
0x95: {  	_ =	swait.ge [sflag:s19], $0x4000  }
0x96: {  	[sflag:s19] =	ssyncset.done $0x0  }
0x97: {  	[sflag:s19] =	ssyncadd.s32 $0xFFFFC000  }
0x98: {  	s1 =	simm.s32 $0x0;
	_ =	swait.ge [sflag:s19], $0x4000  }
0x99: {  	p0 =	seq.s32 s29, $0x0;
	s2 =	sand.u32 $0x70, s1;
	[sflag:s19] =	ssyncset.done $0x0  }
0x9a: {  	v4 =	vmov v2;
	s3 =	simm.s32 @!p0 $0x4;
	v2 =	vor.u32 s2, v0;
	[sflag:s19] =	ssyncadd.s32 $0xFFFFC000  }
0x9b: {  	v6 =	vshll.u32 v2, $0x7;
	_ =	swait.ge @!p0 [sflag:s3], $0x8800  }
0x9c: {  	s22 =	sadd.s32 s6, s30;
	v32 =	vor.u32 v2, v6;
	[sflag:s3] =	ssyncset.done @!p0 $0x0  }
0x9d: {  	s1 =	sshll.u32 s22, $0x7;
	[sflag:s3] =	ssyncadd.s32 @!p0 $0xFFFF7800  }
0x9e: {  	s31 =	sand.u32 $0x1FFFFF80, s1;
	s4 =	rddreg [dreg:$0x1]  }
0x9f: {  	s5 =	simm.s32 $0x1CF00;
	s1 =	sadd.s32 s4, s31  }
0xa0: {  	[tilespmem:s5], [sflag:$0x3] =	stream.strided.gather [hbm4b:s1+s20], $0x800, s21, s20, $0x38;
	[tilespmem:$0x1D700] =	vst v63  }
0xa1: {  	v33 =	vor.u32 s2, v1;
	v34 =	vor.u32 v2, v6;
	v32 =	vld.idx.msk [tilespmem:v32+s14+$0x0], $0xffff  }
0xa2: {  	v35 =	vor.u32 v33, v6;
	_ =	sdelay $0x3  }
0xa3: {  	v18 =	vshll.u32 v33, $0x7;
	[tilespmem:v34+s23+$0x0] =	vst.idx.msk $0xffff, v32  }
0xa4: {  	v20 =	vor.u32 s2, v5;
	v32 =	vor.u32 v2, v18;
	v19 =	vld.idx.msk [tilespmem:v35+s14+$0x0], $0xffff  }
0xa5: {  	v21 =	vor.u32 v20, v6;
	_ =	sdelay $0x2  }
0xa6: {  	s8 =	simm.s32 $0x2  }
0xa7: {  	s9 =	simm.s32 $0x10;
	v22 =	vshll.u32 v20, $0x7;
	s1 =	sand.u32 $0x70, s8;
	[tilespmem:v32+s23+$0x0] =	vst.idx.msk $0xffff, v19  }
0xa8: {  	s28 =	sand.u32 $0x70, s9;
	v44 =	vor.u32 s2, v3;
	v33 =	vor.u32 v2, v22;
	v32 =	vor.u32 s1, v0;
	v23 =	vld.idx.msk [tilespmem:v21+s14+$0x0], $0xffff  }
0xa9: {  	v38 =	vor.u32 s28, v0;
	v39 =	vor.u32 v44, v6;
	v12 =	vshll.u32 v32, $0x7  }
0xaa: {  	v40 =	vor.u32 v38, v12;
	_ =	sdelay $0x2  }
0xab: {  	v45 =	vshll.u32 v44, $0x7;
	[tilespmem:v33+s23+$0x0] =	vst.idx.msk $0xffff, v23  }
0xac: {  	v46 =	vor.u32 s2, v31;
	v38 =	vshll.u32 v38, $0x7;
	v33 =	vor.u32 v2, v45;
	v34 =	vld.idx.msk [tilespmem:v39+s14+$0x0], $0xffff  }
0xad: {  	v41 =	vor.u32 s28, v1;
	v47 =	vor.u32 v46, v6;
	v38 =	vor.u32 v32, v38;
	v40 =	vld.idx.msk [tilespmem:v40+s14+$0x0], $0xffff  }
0xae: {  	v42 =	vor.u32 v41, v12;
	_ =	sdelay $0x2  }
0xaf: {  	v48 =	vshll.u32 v46, $0x7;
	[tilespmem:v33+s23+$0x0] =	vst.idx.msk $0xffff, v34  }
0xb0: {  	v49 =	vor.u32 s2, v25;
	v51 =	vshll.u32 v41, $0x7;
	[tilespmem:v38+s23+$0x0] =	vst.idx.msk $0xffff, v40;
	v33 =	vor.u32 v2, v48;
	v50 =	vld.idx.msk [tilespmem:v47+s14+$0x0], $0xffff  }
0xb1: {  	v53 =	vor.u32 s28, v5;
	v52 =	vor.u32 v49, v6;
	v38 =	vor.u32 v32, v51;
	v40 =	vld.idx.msk [tilespmem:v42+s14+$0x0], $0xffff  }
0xb2: {  	v54 =	vor.u32 v53, v12;
	_ =	sdelay $0x2  }
0xb3: {  	s10 =	simm.s32 $0x4;
	v56 =	vor.u32 s2, v26;
	v55 =	vshll.u32 v49, $0x7;
	[tilespmem:v33+s23+$0x0] =	vst.idx.msk $0xffff, v50  }
0xb4: {  	s11 =	simm.s32 $0x20;
	v60 =	vor.u32 s28, v3;
	v58 =	vshll.u32 v53, $0x7;
	v57 =	vor.u32 v2, v55;
	s1 =	sand.u32 $0x70, s10;
	[tilespmem:v38+s23+$0x0] =	vst.idx.msk $0xffff, v40;
	v35 =	vld.idx.msk [tilespmem:v52+s14+$0x0], $0xffff  }
0xb5: {  	s11 =	sand.u32 $0x70, s11;
	v59 =	vor.u32 v56, v6;
	v41 =	vor.u32 v32, v58;
	v33 =	vor.u32 s1, v0;
	v40 =	vld.idx.msk [tilespmem:v54+s14+$0x0], $0xffff  }
0xb6: {  	v44 =	vor.u32 s11, v0;
	v43 =	vor.u32 v60, v12;
	v13 =	vshll.u32 v33, $0x7  }
0xb7: {  	v45 =	vor.u32 v44, v13;
	_ =	sdelay $0x1  }
0xb8: {  	v61 =	vor.u32 s2, v27;
	v34 =	vshll.u32 v56, $0x7;
	[tilespmem:v57+s23+$0x0] =	vst.idx.msk $0xffff, v35  }
0xb9: {  	v63 =	vor.u32 s28, v31;
	v62 =	vshll.u32 v60, $0x7;
	v34 =	vor.u32 v2, v34;
	[tilespmem:v41+s23+$0x0] =	vst.idx.msk $0xffff, v40;
	v35 =	vld.idx.msk [tilespmem:v59+s14+$0x0], $0xffff  }
0xba: {  	v18 =	vor.u32 v61, v6;
	v39 =	vor.u32 v32, v62;
	v44 =	vshll.u32 v44, $0x7;
	v40 =	vld.idx.msk [tilespmem:v43+s14+$0x0], $0xffff  }
0xbb: {  	v46 =	vor.u32 s11, v1;
	v19 =	vor.u32 v63, v12;
	v44 =	vor.u32 v33, v44;
	v45 =	vld.idx.msk [tilespmem:v45+s14+$0x0], $0xffff  }
0xbc: {  	v47 =	vor.u32 v46, v13;
	_ =	sdelay $0x1  }
0xbd: {  	v20 =	vshll.u32 v61, $0x7;
	v22 =	vshll.u32 v63, $0x7;
	v21 =	vor.u32 s2, v28;
	[tilespmem:v34+s23+$0x0] =	vst.idx.msk $0xffff, v35  }
0xbe: {  	v49 =	vor.u32 v21, v6;
	[tilespmem:v39+s23+$0x0] =	vst.idx.msk $0xffff, v40;
	v34 =	vor.u32 v2, v20;
	v35 =	vld.idx.msk [tilespmem:v18+s14+$0x0], $0xffff  }
0xbf: {  	v23 =	vor.u32 s28, v25;
	v51 =	vshll.u32 v46, $0x7;
	v39 =	vor.u32 v32, v22;
	[tilespmem:v44+s23+$0x0] =	vst.idx.msk $0xffff, v45;
	v48 =	vld.idx.msk [tilespmem:v19+s14+$0x0], $0xffff  }
0xc0: {  	v50 =	vor.u32 v23, v12;
	v52 =	vor.u32 s11, v5;
	v44 =	vor.u32 v33, v51;
	v45 =	vld.idx.msk [tilespmem:v47+s14+$0x0], $0xffff  }
0xc1: {  	v53 =	vor.u32 v52, v13  }
0xc2: {  	v55 =	vor.u32 s2, v7  }
0xc3: {  	v58 =	vor.u32 v55, v6;
	v54 =	vshll.u32 v21, $0x7;
	[tilespmem:v34+s23+$0x0] =	vst.idx.msk $0xffff, v35  }
0xc4: {  	s12 =	simm.s32 $0x6;
	v63 =	vor.u32 s11, v3;
	v56 =	vshll.u32 v23, $0x7;
	v38 =	vor.u32 v2, v54;
	[tilespmem:v39+s23+$0x0] =	vst.idx.msk $0xffff, v48;
	v35 =	vld.idx.msk [tilespmem:v49+s14+$0x0], $0xffff  }
0xc5: {  	s13 =	simm.s32 $0x30;
	s1 =	sand.u32 $0x70, s12;
	v61 =	vshll.u32 v52, $0x7;
	v57 =	vor.u32 s28, v26;
	v59 =	vor.u32 v32, v56;
	[tilespmem:v44+s23+$0x0] =	vst.idx.msk $0xffff, v45;
	v41 =	vld.idx.msk [tilespmem:v50+s14+$0x0], $0xffff  }
0xc6: {  	s5 =	sand.u32 $0x70, s13;
	v60 =	vor.u32 v57, v12;
	v34 =	vor.u32 s1, v0;
	v45 =	vor.u32 v33, v61;
	v62 =	vld.idx.msk [tilespmem:v53+s14+$0x0], $0xffff  }
0xc7: {  	v48 =	vor.u32 s5, v0;
	v49 =	vor.u32 v63, v13;
	v14 =	vshll.u32 v34, $0x7  }
0xc8: {  	v21 =	vor.u32 s2, v9;
	v54 =	vor.u32 s28, v27;
	v19 =	vor.u32 v48, v14  }
0xc9: {  	v23 =	vor.u32 v21, v6;
	v56 =	vor.u32 v54, v12;
	v18 =	vshll.u32 v55, $0x7;
	[tilespmem:v38+s23+$0x0] =	vst.idx.msk $0xffff, v35  }
0xca: {  	v40 =	vshll.u32 v57, $0x7;
	[tilespmem:v59+s23+$0x0] =	vst.idx.msk $0xffff, v41;
	v35 =	vor.u32 v2, v18;
	v20 =	vld.idx.msk [tilespmem:v58+s14+$0x0], $0xffff  }
0xcb: {  	v40 =	vor.u32 v32, v40;
	v55 =	vshll.u32 v63, $0x7;
	[tilespmem:v45+s23+$0x0] =	vst.idx.msk $0xffff, v62;
	v22 =	vld.idx.msk [tilespmem:v60+s14+$0x0], $0xffff  }
0xcc: {  	v48 =	vshll.u32 v48, $0x7;
	v45 =	vor.u32 v33, v55;
	v57 =	vld.idx.msk [tilespmem:v49+s14+$0x0], $0xffff;
	v58 =	vor.u32 s11, v31  }
0xcd: {  	v51 =	vor.u32 s5, v1;
	v59 =	vor.u32 v34, v48;
	v38 =	vld.idx.msk [tilespmem:v19+s14+$0x0], $0xffff;
	v50 =	vor.u32 v58, v13  }
0xce: {  	v63 =	vshll.u32 v54, $0x7;
	v61 =	vor.u32 v51, v14;
	v62 =	vor.u32 s2, v29  }
0xcf: {  	v42 =	vor.u32 v32, v63;
	v60 =	vshll.u32 v21, $0x7;
	v19 =	vor.u32 v62, v6;
	[tilespmem:v35+s23+$0x0] =	vst.idx.msk $0xffff, v20  }
0xd0: {  	v39 =	vor.u32 v2, v60;
	v21 =	vshll.u32 v58, $0x7;
	[tilespmem:v40+s23+$0x0] =	vst.idx.msk $0xffff, v22;
	v43 =	vld.idx.msk [tilespmem:v23+s14+$0x0], $0xffff  }
0xd1: {  	v53 =	vor.u32 s5, v3;
	v20 =	vor.u32 s28, v28;
	[tilespmem:v45+s23+$0x0] =	vst.idx.msk $0xffff, v57;
	v45 =	vor.u32 v33, v21;
	v18 =	vld.idx.msk [tilespmem:v56+s14+$0x0], $0xffff  }
0xd2: {  	s17 =	simm.s32 $0x8;
	v55 =	vshll.u32 v51, $0x7;
	[tilespmem:v59+s23+$0x0] =	vst.idx.msk $0xffff, v38;
	v22 =	vor.u32 v20, v12;
	v23 =	vor.u32 s11, v25;
	v50 =	vld.idx.msk [tilespmem:v50+s14+$0x0], $0xffff  }
0xd3: {  	s1 =	sand.u32 $0x70, s17;
	v51 =	vor.u32 s5, v5;
	v41 =	vld.idx.msk [tilespmem:v61+s14+$0x0], $0xffff;
	v56 =	vor.u32 v34, v55;
	v54 =	vor.u32 v23, v13  }
0xd4: {  	v57 =	vshll.u32 v62, $0x7;
	v59 =	vor.u32 v51, v14;
	v35 =	vor.u32 s1, v0  }
0xd5: {  	v21 =	vor.u32 s11, v26;
	v60 =	vor.u32 v2, v57;
	v61 =	vor.u32 s2, v11;
	[tilespmem:v39+s23+$0x0] =	vst.idx.msk $0xffff, v43  }
0xd6: {  	v63 =	vshll.u32 v20, $0x7;
	v20 =	vor.u32 s28, v7;
	v57 =	vor.u32 s2, v8;
	[tilespmem:v42+s23+$0x0] =	vst.idx.msk $0xffff, v18;
	v58 =	vld.idx.msk [tilespmem:v19+s14+$0x0], $0xffff  }
0xd7: {  	s3 =	simm.s32 $0x40;
	v10 =	vshll.u32 v35, $0x7;
	v49 =	vshll.u32 v23, $0x7;
	[tilespmem:v45+s23+$0x0] =	vst.idx.msk $0xffff, v50;
	v62 =	vld.idx.msk [tilespmem:v22+s14+$0x0], $0xffff;
	v19 =	vor.u32 v32, v63  }
0xd8: {  	s13 =	sand.u32 $0x70, s3;
	v18 =	vor.u32 v61, v6;
	[tilespmem:v56+s23+$0x0] =	vst.idx.msk $0xffff, v41;
	v38 =	vld.idx.msk [tilespmem:v54+s14+$0x0], $0xffff;
	v22 =	vor.u32 v33, v49  }
0xd9: {  	v52 =	vor.u32 v20, v12;
	v56 =	vshll.u32 v51, $0x7;
	v43 =	vld.idx.msk [tilespmem:v59+s14+$0x0], $0xffff;
	v59 =	vor.u32 s13, v0  }
0xda: {  	v23 =	vor.u32 v21, v13;
	v49 =	vor.u32 v34, v56;
	v42 =	vshll.u32 v59, $0x7  }
0xdb: {  	v54 =	vor.u32 s28, v9;
	v63 =	vor.u32 v59, v10;
	v42 =	vor.u32 v35, v42;
	[tilespmem:v60+s23+$0x0] =	vst.idx.msk $0xffff, v58  }
0xdc: {  	v58 =	vshll.u32 v61, $0x7;
	v60 =	vor.u32 v53, v14;
	[tilespmem:v19+s23+$0x0] =	vst.idx.msk $0xffff, v62;
	v61 =	vshll.u32 v20, $0x7  }
0xdd: {  	v62 =	vor.u32 v57, v6;
	[tilespmem:v22+s23+$0x0] =	vst.idx.msk $0xffff, v38;
	v48 =	vld.idx.msk [tilespmem:v18+s14+$0x0], $0xffff;
	v40 =	vor.u32 v2, v58  }
0xde: {  	v19 =	vshll.u32 v21, $0x7;
	v20 =	vor.u32 v54, v12;
	v46 =	vld.idx.msk [tilespmem:v52+s14+$0x0], $0xffff;
	v18 =	vor.u32 v32, v61  }
0xdf: {  	[tilespmem:v49+s23+$0x0] =	vst.idx.msk $0xffff, v43;
	v21 =	vor.u32 s11, v27;
	v49 =	vor.u32 s2, v15;
	v22 =	vshll.u32 v53, $0x7  }
0xe0: {  	v53 =	vor.u32 s5, v31;
	v54 =	vshll.u32 v54, $0x7;
	v41 =	vld.idx.msk [tilespmem:v23+s14+$0x0], $0xffff;
	v39 =	vor.u32 v33, v19  }
0xe1: {  	v43 =	vor.u32 s2, v30;
	v55 =	vor.u32 v21, v13;
	v23 =	vor.u32 v34, v22;
	v52 =	vld.idx.msk [tilespmem:v63+s14+$0x0], $0xffff  }
0xe2: {  	v61 =	vshll.u32 v57, $0x7;
	v56 =	vor.u32 v49, v6;
	v19 =	vor.u32 s28, v29;
	v44 =	vld.idx.msk [tilespmem:v60+s14+$0x0], $0xffff;
	[tilespmem:v40+s23+$0x0] =	vst.idx.msk $0xffff, v48  }
0xe3: {  	v50 =	vor.u32 v2, v61;
	v60 =	vor.u32 v53, v14;
	[tilespmem:v18+s23+$0x0] =	vst.idx.msk $0xffff, v46;
	v47 =	vld.idx.msk [tilespmem:v62+s14+$0x0], $0xffff  }
0xe4: {  	v22 =	vor.u32 s11, v28;
	v18 =	vor.u32 v32, v54;
	v62 =	vor.u32 s13, v1;
	v45 =	vld.idx.msk [tilespmem:v20+s14+$0x0], $0xffff  }
0xe5: {  	v57 =	vor.u32 v22, v13;
	v53 =	vshll.u32 v53, $0x7;
	[tilespmem:v39+s23+$0x0] =	vst.idx.msk $0xffff, v41;
	v63 =	vor.u32 v62, v10  }
0xe6: {  	v40 =	vor.u32 s5, v25;
	[tilespmem:v42+s23+$0x0] =	vst.idx.msk $0xffff, v52;
	v20 =	vshll.u32 v21, $0x7;
	v21 =	vor.u32 v19, v12  }
0xe7: {  	v61 =	vor.u32 v34, v53;
	v55 =	vld.idx.msk [tilespmem:v55+s14+$0x0], $0xffff;
	v39 =	vor.u32 v33, v20;
	[tilespmem:v23+s23+$0x0] =	vst.idx.msk $0xffff, v44  }
0xe8: {  	v53 =	vor.u32 s13, v5;
	v62 =	vshll.u32 v62, $0x7;
	v48 =	vld.idx.msk [tilespmem:v60+s14+$0x0], $0xffff;
	v60 =	vshll.u32 v49, $0x7;
	[tilespmem:v50+s23+$0x0] =	vst.idx.msk $0xffff, v47  }
0xe9: {  	v23 =	vor.u32 v40, v14;
	v47 =	vor.u32 v2, v60;
	[tilespmem:v18+s23+$0x0] =	vst.idx.msk $0xffff, v45;
	v52 =	vld.idx.msk [tilespmem:v56+s14+$0x0], $0xffff  }
0xea: {  	v45 =	vor.u32 v35, v62;
	v18 =	vor.u32 v43, v6;
	v38 =	vld.idx.msk [tilespmem:v63+s14+$0x0], $0xffff;
	v63 =	vshll.u32 v19, $0x7  }
0xeb: {  	v37 =	vor.u32 s28, v11;
	v20 =	vor.u32 v53, v10;
	v19 =	vld.idx.msk [tilespmem:v21+s14+$0x0], $0xffff;
	v46 =	vor.u32 v32, v63  }
0xec: {  	s22 =	simm.s32 $0xA;
	[tilespmem:v39+s23+$0x0] =	vst.idx.msk $0xffff, v55;
	v21 =	vshll.u32 v22, $0x7;
	v22 =	vor.u32 v37, v12  }
0xed: {  	s8 =	sand.u32 $0x70, s22;
	v58 =	vor.u32 s11, v7;
	v54 =	vor.u32 s28, v8;
	v57 =	vld.idx.msk [tilespmem:v57+s14+$0x0], $0xffff;
	[tilespmem:v61+s23+$0x0] =	vst.idx.msk $0xffff, v48  }
0xee: {  	v42 =	vmov v34;
	v49 =	vor.u32 s8, v0;
	v60 =	vor.u32 v58, v13;
	v62 =	vld.idx.msk [tilespmem:v23+s14+$0x0], $0xffff;
	[tilespmem:v47+s23+$0x0] =	vst.idx.msk $0xffff, v52  }
0xef: {  	v50 =	vshll.u32 v53, $0x7;
	v39 =	vor.u32 s13, v3;
	v59 =	vor.u32 v33, v21;
	[tilespmem:v45+s23+$0x0] =	vst.idx.msk $0xffff, v38;
	v51 =	vld.idx.msk [tilespmem:v18+s14+$0x0], $0xffff  }
0xf0: {  	v44 =	vmovc v35;
	v61 =	vor.u32 s5, v26;
	v23 =	vshll.u32 v40, $0x7;
	v47 =	vshll.u32 v43, $0x7;
	v40 =	vld.idx.msk [tilespmem:v20+s14+$0x0], $0xffff;
	[tilespmem:v46+s23+$0x0] =	vst.idx.msk $0xffff, v19  }
0xf1: {  	s4 =	simm.s32 $0x50;
	v56 =	vshll.u32 v37, $0x7;
	v63 =	vor.u32 v61, v14;
	v41 =	vor.u32 v34, v23;
	v55 =	vld.idx.msk [tilespmem:v22+s14+$0x0], $0xffff;
	[tilespmem:$0x1FED0] =	vst v10  }
0xf2: {  	s22 =	simm.s32 $0xC;
	s9 =	smov.u32 s5;
	s10 =	smov.u32 s13;
	v48 =	vmovc v12;
	v38 =	vor.u32 v35, v50;
	v45 =	vmov v32;
	v52 =	vor.u32 v2, v47;
	[tilespmem:$0x1FEE0] =	vst v13  }
0xf3: {  	s12 =	smov.u32 s11;
	s17 =	smov.u32 s28;
	s1 =	sand.u32 $0x70, s4;
	v43 =	vmovc v33;
	v50 =	vmovc v13;
	v46 =	vmov v10;
	v10 =	vmov v12;
	[tilespmem:$0x1FEF0] =	vst v14;
	v47 =	vmov v14  }
.LBB2_4:
0xf4: {  	p0 =	sne.s32 s22, $0x7E;
	v37 =	vor.u32 s1, v0;
	v53 =	vor.u32 v39, v46;
	[tilespmem:v59+s23+$0x0] =	vst.idx.msk $0xffff, v57;
	v56 =	vor.u32 v45, v56  }
0xf5: {  	v36 =	vshll.u32 v49, $0x7;
	v58 =	vshll.u32 v58, $0x7;
	v59 =	vor.u32 v54, v48;
	v16 =	vmovc v42;
	v42 =	vmovc v44;
	v57 =	vld.idx.msk [tilespmem:v60+s14+$0x0], $0xffff  }
0xf6: {  	v60 =	vor.u32 v37, v36;
	[tilespmem:v41+s23+$0x0] =	vst.idx.msk $0xffff, v62;
	v41 =	vor.u32 v43, v58;
	v58 =	vor.u32 s12, v9  }
0xf7: {  	v61 =	vshll.u32 v61, $0x7;
	v44 =	vmov v49;
	v62 =	vld.idx.msk [tilespmem:v63+s14+$0x0], $0xffff;
	v63 =	vor.u32 v58, v50;
	[tilespmem:v52+s23+$0x0] =	vst.idx.msk $0xffff, v51  }
0xf8: {  	v49 =	vor.u32 s17, v15;
	[tilespmem:v38+s23+$0x0] =	vst.idx.msk $0xffff, v40;
	v38 =	vor.u32 v16, v61;
	v40 =	vor.u32 s9, v27  }
0xf9: {  	v39 =	vshll.u32 v39, $0x7;
	v52 =	vor.u32 s10, v31;
	v51 =	vld.idx.msk [tilespmem:v53+s14+$0x0], $0xffff;
	v53 =	vor.u32 v40, v47;
	[tilespmem:v56+s23+$0x0] =	vst.idx.msk $0xffff, v55  }
0xfa: {  	v54 =	vshll.u32 v54, $0x7;
	v39 =	vor.u32 v42, v39;
	v55 =	vor.u32 v52, v46;
	v56 =	vld.idx.msk [tilespmem:v59+s14+$0x0], $0xffff  }
0xfb: {  	v37 =	vshll.u32 v37, $0x7;
	v59 =	vld.idx.msk [tilespmem:v60+s14+$0x0], $0xffff;
	v60 =	vor.u32 s1, v1;
	[tilespmem:v41+s23+$0x0] =	vst.idx.msk $0xffff, v57;
	v41 =	vor.u32 v45, v54  }
0xfc: {  	v37 =	vor.u32 v44, v37;
	v57 =	vshll.u32 v58, $0x7;
	v58 =	vor.u32 v49, v48;
	v54 =	vld.idx.msk [tilespmem:v63+s14+$0x0], $0xffff  }
0xfd: {  	v61 =	vor.u32 v60, v36;
	[tilespmem:v38+s23+$0x0] =	vst.idx.msk $0xffff, v62;
	v38 =	vor.u32 v43, v57;
	v57 =	vor.u32 s12, v29  }
0xfe: {  	v40 =	vshll.u32 v40, $0x7;
	v63 =	vor.u32 s17, v30;
	s17 =	smov.u32 s12;
	s12 =	smov.u32 s9;
	s9 =	smov.u32 s10;
	v53 =	vld.idx.msk [tilespmem:v53+s14+$0x0], $0xffff;
	v62 =	vor.u32 v57, v50  }
0xff: {  	v40 =	vor.u32 v16, v40;
	s10 =	smov.u32 s1;
	[tilespmem:v39+s23+$0x0] =	vst.idx.msk $0xffff, v51;
	v39 =	vor.u32 s9, v25;
	v51 =	vor.u32 s12, v28  }
0x100: {  	v52 =	vshll.u32 v52, $0x7;
	v55 =	vld.idx.msk [tilespmem:v55+s14+$0x0], $0xffff;
	v17 =	vor.u32 v51, v47;
	[tilespmem:v41+s23+$0x0] =	vst.idx.msk $0xffff, v56;
	v41 =	vshll.u32 v49, $0x7  }
0x101: {  	[tilespmem:v37+s23+$0x0] =	vst.idx.msk $0xffff, v59;
	v37 =	vor.u32 v42, v52;
	v52 =	vor.u32 v39, v46;
	v56 =	vld.idx.msk [tilespmem:v58+s14+$0x0], $0xffff  }
0x102: {  	v19 =	vor.u32 s10, v5;
	v49 =	vshll.u32 v60, $0x7;
	v18 =	vld.idx.msk [tilespmem:v61+s14+$0x0], $0xffff;
	[tilespmem:v38+s23+$0x0] =	vst.idx.msk $0xffff, v54;
	v38 =	vor.u32 v45, v41  }
0x103: {  	v20 =	vor.u32 v63, v48;
	v48 =	vmovc v50;
	v41 =	vor.u32 v44, v49;
	v49 =	vshll.u32 v57, $0x7;
	v54 =	vld.idx.msk [tilespmem:v62+s14+$0x0], $0xffff  }
0x104: {  	s1 =	sand.u32 $0x70, s22;
	v22 =	vor.u32 s17, v11;
	v21 =	vor.u32 v19, v36;
	[tilespmem:v40+s23+$0x0] =	vst.idx.msk $0xffff, v53;
	v53 =	vor.u32 v43, v49  }
0x105: {  	v23 =	vor.u32 v22, v48;
	v50 =	vmovc v47;
	v47 =	vmovc v46;
	v49 =	vor.u32 s1, v0;
	v57 =	vld.idx.msk [tilespmem:v17+s14+$0x0], $0xffff;
	v17 =	vshll.u32 v51, $0x7  }
.Ltmp5:
0x106: {  	v58 =	vor.u32 s12, v7;
	v46 =	vmovc v36;
	v61 =	vor.u32 s9, v26;
	[tilespmem:v37+s23+$0x0] =	vst.idx.msk $0xffff, v55;
	v59 =	vor.u32 v16, v17;
	(pc) =	sbr.rel @p0 .LBB2_4-.Ltmp5, $4  }
0x107: {  	v36 =	vshll.u32 v63, $0x7;
	v60 =	vor.u32 v58, v50;
	v17 =	vshll.u32 v39, $0x7;
	v62 =	vld.idx.msk [tilespmem:v52+s14+$0x0], $0xffff;
	[tilespmem:v38+s23+$0x0] =	vst.idx.msk $0xffff, v56  }
0x108: {  	v63 =	vor.u32 v61, v47;
	[tilespmem:v41+s23+$0x0] =	vst.idx.msk $0xffff, v18;
	v41 =	vor.u32 v42, v17;
	v51 =	vld.idx.msk [tilespmem:v20+s14+$0x0], $0xffff  }
0x109: {  	s4 =	sadd.s32 $0x10, s4;
	v52 =	vor.u32 v45, v36;
	v17 =	vshll.u32 v19, $0x7;
	v40 =	vld.idx.msk [tilespmem:v21+s14+$0x0], $0xffff;
	[tilespmem:v53+s23+$0x0] =	vst.idx.msk $0xffff, v54;
	v54 =	vor.u32 s17, v8  }
0x10a: {  	s22 =	sadd.s32 $0x2, s22;
	s1 =	sand.u32 $0x70, s4;
	v39 =	vor.u32 s10, v3;
	v56 =	vshll.u32 v22, $0x7;
	v45 =	vmovc v43;
	v43 =	vmovc v16;
	v38 =	vor.u32 v44, v17;
	v55 =	vld.idx.msk [tilespmem:v23+s14+$0x0], $0xffff  }
0x10b: {  	v16 =	vor.u32 s1, v0;
	v53 =	vshll.u32 v49, $0x7  }
0x10c: {  	v17 =	vor.u32 v16, v53;
	_ =	sdelay $0x3  }
0x10d: {  	v16 =	vshll.u32 v16, $0x7  }
0x10e: {  	v18 =	vor.u32 s1, v1;
	v16 =	vor.u32 v49, v16;
	v17 =	vld.idx.msk [tilespmem:v17+s14+$0x0], $0xffff  }
0x10f: {  	v19 =	vor.u32 v18, v53;
	_ =	sdelay $0x3  }
0x110: {  	[tilespmem:v16+s23+$0x0] =	vst.idx.msk $0xffff, v17;
	v16 =	vshll.u32 v18, $0x7  }
0x111: {  	v36 =	vor.u32 s1, v5;
	v17 =	vld.idx.msk [tilespmem:v19+s14+$0x0], $0xffff;
	v16 =	vor.u32 v49, v16  }
0x112: {  	v37 =	vor.u32 v36, v53;
	_ =	sdelay $0x3  }
0x113: {  	v20 =	vor.u32 v39, v46;
	[tilespmem:v16+s23+$0x0] =	vst.idx.msk $0xffff, v17;
	v16 =	vshll.u32 v36, $0x7  }
0x114: {  	v36 =	vor.u32 s1, v3;
	v17 =	vld.idx.msk [tilespmem:v37+s14+$0x0], $0xffff;
	v16 =	vor.u32 v49, v16  }
0x115: {  	v37 =	vor.u32 v36, v53;
	_ =	sdelay $0x1  }
0x116: {  	v21 =	vshll.u32 v39, $0x7;
	[tilespmem:v38+s23+$0x0] =	vst.idx.msk $0xffff, v40  }
0x117: {  	v22 =	vor.u32 s10, v31;
	v21 =	vor.u32 v44, v21;
	v20 =	vld.idx.msk [tilespmem:v20+s14+$0x0], $0xffff  }
0x118: {  	v23 =	vor.u32 v22, v46;
	[tilespmem:v16+s23+$0x0] =	vst.idx.msk $0xffff, v17;
	v16 =	vshll.u32 v36, $0x7  }
0x119: {  	v18 =	vor.u32 s1, v31;
	v17 =	vld.idx.msk [tilespmem:v37+s14+$0x0], $0xffff;
	v16 =	vor.u32 v49, v16  }
0x11a: {  	v38 =	vor.u32 v18, v53;
	_ =	sdelay $0x1  }
0x11b: {  	v39 =	vshll.u32 v22, $0x7;
	[tilespmem:v21+s23+$0x0] =	vst.idx.msk $0xffff, v20  }
0x11c: {  	v40 =	vor.u32 s10, v25;
	v20 =	vor.u32 v44, v39;
	v36 =	vld.idx.msk [tilespmem:v23+s14+$0x0], $0xffff  }
0x11d: {  	v37 =	vor.u32 v40, v46;
	[tilespmem:v16+s23+$0x0] =	vst.idx.msk $0xffff, v17;
	v16 =	vshll.u32 v18, $0x7  }
0x11e: {  	v17 =	vor.u32 s1, v25;
	v38 =	vld.idx.msk [tilespmem:v38+s14+$0x0], $0xffff;
	v16 =	vor.u32 v49, v16  }
0x11f: {  	v39 =	vor.u32 v17, v53;
	_ =	sdelay $0x1  }
0x120: {  	v40 =	vshll.u32 v40, $0x7;
	[tilespmem:v20+s23+$0x0] =	vst.idx.msk $0xffff, v36  }
0x121: {  	v21 =	vor.u32 s10, v26;
	v20 =	vor.u32 v44, v40;
	v22 =	vld.idx.msk [tilespmem:v37+s14+$0x0], $0xffff  }
0x122: {  	v23 =	vor.u32 v21, v46;
	[tilespmem:v16+s23+$0x0] =	vst.idx.msk $0xffff, v38;
	v16 =	vshll.u32 v17, $0x7  }
0x123: {  	[tilespmem:v41+s23+$0x0] =	vst.idx.msk $0xffff, v62;
	v18 =	vor.u32 s1, v26;
	v17 =	vshll.u32 v61, $0x7;
	v19 =	vld.idx.msk [tilespmem:v39+s14+$0x0], $0xffff;
	v16 =	vor.u32 v49, v16  }
0x124: {  	v36 =	vld.idx.msk [tilespmem:v63+s14+$0x0], $0xffff;
	v37 =	vor.u32 s9, v27;
	v38 =	vor.u32 v18, v53;
	v17 =	vor.u32 v42, v17  }
0x125: {  	v61 =	vor.u32 v37, v47  }
0x126: {  	v62 =	vshll.u32 v21, $0x7;
	[tilespmem:v20+s23+$0x0] =	vst.idx.msk $0xffff, v22  }
0x127: {  	v63 =	vor.u32 s10, v27;
	v20 =	vor.u32 v44, v62;
	v21 =	vld.idx.msk [tilespmem:v23+s14+$0x0], $0xffff  }
0x128: {  	v18 =	vshll.u32 v18, $0x7;
	[tilespmem:v16+s23+$0x0] =	vst.idx.msk $0xffff, v19;
	v16 =	vor.u32 v63, v46  }
0x129: {  	v23 =	vor.u32 s1, v27;
	v18 =	vor.u32 v49, v18;
	[tilespmem:v17+s23+$0x0] =	vst.idx.msk $0xffff, v36;
	v17 =	vshll.u32 v37, $0x7;
	v19 =	vld.idx.msk [tilespmem:v38+s14+$0x0], $0xffff  }
0x12a: {  	v37 =	vor.u32 s9, v28;
	v36 =	vld.idx.msk [tilespmem:v61+s14+$0x0], $0xffff;
	v17 =	vor.u32 v42, v17;
	v38 =	vor.u32 v23, v53  }
0x12b: {  	[tilespmem:v59+s23+$0x0] =	vst.idx.msk $0xffff, v57;
	v62 =	vor.u32 v37, v47  }
0x12c: {  	v57 =	vor.u32 s12, v9;
	v41 =	vld.idx.msk [tilespmem:v60+s14+$0x0], $0xffff;
	v22 =	vor.u32 s10, v28;
	[tilespmem:v20+s23+$0x0] =	vst.idx.msk $0xffff, v21;
	v63 =	vshll.u32 v63, $0x7  }
0x12d: {  	v21 =	vor.u32 v57, v50;
	v61 =	vshll.u32 v58, $0x7;
	v20 =	vor.u32 v44, v63;
	v16 =	vld.idx.msk [tilespmem:v16+s14+$0x0], $0xffff  }
0x12e: {  	v58 =	vshll.u32 v23, $0x7;
	v39 =	vor.u32 v43, v61;
	[tilespmem:v18+s23+$0x0] =	vst.idx.msk $0xffff, v19;
	v18 =	vor.u32 v22, v46  }
0x12f: {  	v59 =	vor.u32 s1, v28;
	[tilespmem:v17+s23+$0x0] =	vst.idx.msk $0xffff, v36;
	v17 =	vshll.u32 v37, $0x7;
	v19 =	vor.u32 v49, v58;
	v23 =	vld.idx.msk [tilespmem:v38+s14+$0x0], $0xffff  }
0x130: {  	v61 =	vor.u32 s9, v7;
	v60 =	vld.idx.msk [tilespmem:v62+s14+$0x0], $0xffff;
	v17 =	vor.u32 v42, v17;
	v62 =	vor.u32 v59, v53  }
0x131: {  	v63 =	vor.u32 v61, v47  }
0x132: {  	v58 =	vshll.u32 v57, $0x7;
	[tilespmem:v20+s23+$0x0] =	vst.idx.msk $0xffff, v16;
	v16 =	vshll.u32 v22, $0x7  }
0x133: {  	[tilespmem:v39+s23+$0x0] =	vst.idx.msk $0xffff, v41;
	v59 =	vshll.u32 v59, $0x7;
	v22 =	vor.u32 s10, v7;
	v18 =	vld.idx.msk [tilespmem:v18+s14+$0x0], $0xffff;
	v16 =	vor.u32 v44, v16  }
0x134: {  	v21 =	vld.idx.msk [tilespmem:v21+s14+$0x0], $0xffff;
	v20 =	vor.u32 v43, v58;
	v41 =	vor.u32 v22, v46;
	[tilespmem:v19+s23+$0x0] =	vst.idx.msk $0xffff, v23  }
0x135: {  	[tilespmem:v17+s23+$0x0] =	vst.idx.msk $0xffff, v60;
	v17 =	vshll.u32 v61, $0x7;
	v19 =	vor.u32 v49, v59;
	v60 =	vor.u32 s1, v7;
	v23 =	vld.idx.msk [tilespmem:v62+s14+$0x0], $0xffff  }
0x136: {  	v38 =	vor.u32 s9, v9;
	v37 =	vld.idx.msk [tilespmem:v63+s14+$0x0], $0xffff;
	v17 =	vor.u32 v42, v17;
	v61 =	vor.u32 v60, v53  }
0x137: {  	v62 =	vor.u32 s12, v29;
	v63 =	vor.u32 v38, v47  }
0x138: {  	v58 =	vshll.u32 v22, $0x7;
	[tilespmem:v16+s23+$0x0] =	vst.idx.msk $0xffff, v18;
	v16 =	vor.u32 v62, v50  }
0x139: {  	[tilespmem:v20+s23+$0x0] =	vst.idx.msk $0xffff, v21;
	v21 =	vor.u32 s10, v9;
	v18 =	vor.u32 v44, v58;
	v20 =	vld.idx.msk [tilespmem:v41+s14+$0x0], $0xffff  }
0x13a: {  	v36 =	vor.u32 s1, v9;
	v60 =	vshll.u32 v60, $0x7;
	v40 =	vor.u32 v21, v46;
	[tilespmem:v19+s23+$0x0] =	vst.idx.msk $0xffff, v23  }
0x13b: {  	v59 =	vshll.u32 v62, $0x7;
	[tilespmem:v17+s23+$0x0] =	vst.idx.msk $0xffff, v37;
	v17 =	vshll.u32 v38, $0x7;
	v19 =	vor.u32 v49, v60;
	v23 =	vld.idx.msk [tilespmem:v61+s14+$0x0], $0xffff  }
0x13c: {  	v62 =	vor.u32 v36, v53;
	v37 =	vld.idx.msk [tilespmem:v63+s14+$0x0], $0xffff;
	v17 =	vor.u32 v42, v17;
	v61 =	vor.u32 s9, v29  }
0x13d: {  	v22 =	vor.u32 v43, v59;
	v63 =	vor.u32 v61, v47;
	v16 =	vld.idx.msk [tilespmem:v16+s14+$0x0], $0xffff  }
0x13e: {  	v56 =	vor.u32 v45, v56;
	v59 =	vshll.u32 v21, $0x7;
	v41 =	vor.u32 s12, v11;
	[tilespmem:v18+s23+$0x0] =	vst.idx.msk $0xffff, v20  }
0x13f: {  	v58 =	vor.u32 v41, v50;
	v20 =	vor.u32 v44, v59;
	v21 =	vld.idx.msk [tilespmem:v40+s14+$0x0], $0xffff;
	v40 =	vor.u32 s10, v29  }
0x140: {  	v39 =	vor.u32 s12, v8;
	v36 =	vshll.u32 v36, $0x7;
	[tilespmem:v19+s23+$0x0] =	vst.idx.msk $0xffff, v23;
	v60 =	vor.u32 v40, v46  }
0x141: {  	v36 =	vor.u32 v49, v36;
	[tilespmem:v17+s23+$0x0] =	vst.idx.msk $0xffff, v37;
	v17 =	vshll.u32 v61, $0x7;
	v61 =	vld.idx.msk [tilespmem:v62+s14+$0x0], $0xffff;
	v62 =	vor.u32 s1, v29  }
0x142: {  	v17 =	vor.u32 v42, v17;
	[tilespmem:v22+s23+$0x0] =	vst.idx.msk $0xffff, v16;
	v16 =	vld.idx.msk [tilespmem:v63+s14+$0x0], $0xffff;
	v22 =	vor.u32 v62, v53  }
0x143: {  	[tilespmem:v56+s23+$0x0] =	vst.idx.msk $0xffff, v55;
	v41 =	vshll.u32 v41, $0x7;
	v19 =	vor.u32 v54, v48;
	v63 =	vor.u32 s9, v11  }
0x144: {  	v41 =	vor.u32 v43, v41;
	v18 =	vld.idx.msk [tilespmem:v58+s14+$0x0], $0xffff;
	v56 =	vor.u32 v63, v47;
	[tilespmem:v20+s23+$0x0] =	vst.idx.msk $0xffff, v21  }
0x145: {  	v59 =	vor.u32 v39, v50;
	v58 =	vshll.u32 v40, $0x7;
	v23 =	vld.idx.msk [tilespmem:v60+s14+$0x0], $0xffff;
	v60 =	vor.u32 s10, v11  }
0x146: {  	v20 =	vor.u32 v44, v58;
	[tilespmem:v36+s23+$0x0] =	vst.idx.msk $0xffff, v61;
	v36 =	vor.u32 v60, v46;
	v61 =	vshll.u32 v62, $0x7  }
0x147: {  	v57 =	vor.u32 s9, v8;
	[tilespmem:v17+s23+$0x0] =	vst.idx.msk $0xffff, v16;
	v16 =	vld.idx.msk [tilespmem:v22+s14+$0x0], $0xffff;
	v17 =	vor.u32 v49, v61;
	v22 =	vor.u32 s1, v11  }
0x148: {  	v63 =	vshll.u32 v63, $0x7;
	v19 =	vld.idx.msk [tilespmem:v19+s14+$0x0], $0xffff;
	v62 =	vshll.u32 v54, $0x7;
	v54 =	vor.u32 v22, v53  }
0x149: {  	v55 =	vor.u32 v57, v47;
	v38 =	vor.u32 v42, v63;
	[tilespmem:v41+s23+$0x0] =	vst.idx.msk $0xffff, v18;
	v58 =	vld.idx.msk [tilespmem:v56+s14+$0x0], $0xffff  }
0x14a: {  	v37 =	vor.u32 v45, v62;
	v21 =	vld.idx.msk [tilespmem:v59+s14+$0x0], $0xffff;
	v59 =	vshll.u32 v60, $0x7;
	v60 =	vshll.u32 v39, $0x7  }
0x14b: {  	v63 =	vor.u32 s1, v8;
	[tilespmem:v20+s23+$0x0] =	vst.idx.msk $0xffff, v23;
	v23 =	vor.u32 v43, v60  }
0x14c: {  	v61 =	vor.u32 s10, v8;
	v20 =	vor.u32 v44, v59;
	v36 =	vld.idx.msk [tilespmem:v36+s14+$0x0], $0xffff;
	[tilespmem:v17+s23+$0x0] =	vst.idx.msk $0xffff, v16;
	v16 =	vshll.u32 v22, $0x7  }
0x14d: {  	v62 =	vor.u32 v61, v46;
	v18 =	vshll.u32 v57, $0x7;
	v54 =	vld.idx.msk [tilespmem:v54+s14+$0x0], $0xffff;
	v16 =	vor.u32 v49, v16  }
0x14e: {  	v40 =	vor.u32 s10, v15;
	v57 =	vor.u32 v63, v53;
	v18 =	vor.u32 v42, v18;
	[tilespmem:v38+s23+$0x0] =	vst.idx.msk $0xffff, v58  }
0x14f: {  	v60 =	vshll.u32 v61, $0x7;
	v17 =	vor.u32 s17, v15;
	[tilespmem:v37+s23+$0x0] =	vst.idx.msk $0xffff, v19;
	v22 =	vor.u32 v40, v46;
	v59 =	vld.idx.msk [tilespmem:v55+s14+$0x0], $0xffff  }
0x150: {  	v40 =	vshll.u32 v40, $0x7;
	v38 =	vor.u32 v17, v48;
	v58 =	vor.u32 s12, v15;
	[tilespmem:v23+s23+$0x0] =	vst.idx.msk $0xffff, v21  }
0x151: {  	v21 =	vor.u32 s9, v15;
	[tilespmem:v20+s23+$0x0] =	vst.idx.msk $0xffff, v36;
	v20 =	vor.u32 v58, v50;
	v36 =	vor.u32 v44, v60  }
0x152: {  	v17 =	vshll.u32 v17, $0x7;
	v61 =	vld.idx.msk [tilespmem:v62+s14+$0x0], $0xffff;
	v62 =	vor.u32 v21, v47;
	[tilespmem:v16+s23+$0x0] =	vst.idx.msk $0xffff, v54;
	v16 =	vshll.u32 v63, $0x7  }
0x153: {  	v40 =	vor.u32 v44, v40;
	v63 =	vor.u32 s1, v15;
	v41 =	vld.idx.msk [tilespmem:v57+s14+$0x0], $0xffff;
	v16 =	vor.u32 v49, v16  }
0x154: {  	v55 =	vor.u32 s17, v30;
	v19 =	vshll.u32 v58, $0x7;
	[tilespmem:v18+s23+$0x0] =	vst.idx.msk $0xffff, v59;
	v18 =	vor.u32 v63, v53  }
0x155: {  	v17 =	vor.u32 v45, v17;
	v19 =	vor.u32 v43, v19;
	v21 =	vshll.u32 v21, $0x7;
	v57 =	vld.idx.msk [tilespmem:v38+s14+$0x0], $0xffff  }
0x156: {  	v58 =	vor.u32 v55, v48;
	v21 =	vor.u32 v42, v21;
	v59 =	vor.u32 s12, v30;
	v20 =	vld.idx.msk [tilespmem:v20+s14+$0x0], $0xffff  }
0x157: {  	v60 =	vor.u32 v59, v50;
	[tilespmem:v36+s23+$0x0] =	vst.idx.msk $0xffff, v61;
	v61 =	vor.u32 s9, v30;
	v39 =	vld.idx.msk [tilespmem:v62+s14+$0x0], $0xffff  }
0x158: {  	v63 =	vshll.u32 v63, $0x7;
	v62 =	vor.u32 v61, v47;
	v22 =	vld.idx.msk [tilespmem:v22+s14+$0x0], $0xffff;
	[tilespmem:v16+s23+$0x0] =	vst.idx.msk $0xffff, v41;
	v16 =	vor.u32 s10, v30  }
0x159: {  	v56 =	vor.u32 s1, v30;
	v41 =	vor.u32 v49, v63;
	v54 =	vor.u32 v16, v46;
	v18 =	vld.idx.msk [tilespmem:v18+s14+$0x0], $0xffff  }
0x15a: {  	[tilespmem:v17+s23+$0x0] =	vst.idx.msk $0xffff, v57;
	v17 =	vshll.u32 v55, $0x7;
	v57 =	vor.u32 v56, v53  }
0x15b: {  	v59 =	vshll.u32 v59, $0x7;
	v17 =	vor.u32 v45, v17;
	v58 =	vld.idx.msk [tilespmem:v58+s14+$0x0], $0xffff;
	[tilespmem:v19+s23+$0x0] =	vst.idx.msk $0xffff, v20  }
0x15c: {  	v61 =	vshll.u32 v61, $0x7;
	v20 =	vor.u32 v43, v59;
	[tilespmem:v21+s23+$0x0] =	vst.idx.msk $0xffff, v39;
	v60 =	vld.idx.msk [tilespmem:v60+s14+$0x0], $0xffff  }
0x15d: {  	v23 =	vor.u32 v42, v61;
	v16 =	vshll.u32 v16, $0x7;
	v62 =	vld.idx.msk [tilespmem:v62+s14+$0x0], $0xffff;
	[tilespmem:v40+s23+$0x0] =	vst.idx.msk $0xffff, v22  }
0x15e: {  	v63 =	vshll.u32 v56, $0x7;
	v16 =	vor.u32 v44, v16;
	v22 =	vld.idx.msk [tilespmem:v54+s14+$0x0], $0xffff;
	[tilespmem:v41+s23+$0x0] =	vst.idx.msk $0xffff, v18  }
0x15f: {  	[tilespmem:v52+s23+$0x0] =	vst.idx.msk $0xffff, v51;
	v45 =	vor.u32 s2, v6;
	v18 =	vor.u32 v49, v63;
	v37 =	vld.idx.msk [tilespmem:v57+s14+$0x0], $0xffff  }
0x160: {  	[tilespmem:v17+s23+$0x0] =	vst.idx.msk $0xffff, v58;
	v17 =	vor.u32 v0, v45  }
0x161: {  	s10 =	sor.u32 $0x80, s2;
	[tilespmem:v20+s23+$0x0] =	vst.idx.msk $0xffff, v60  }
0x162: {  	v39 =	vmov s10;
	[tilespmem:v23+s23+$0x0] =	vst.idx.msk $0xffff, v62  }
0x163: {  	v46 =	vshll.u32 v39, $0x7;
	[tilespmem:v16+s23+$0x0] =	vst.idx.msk $0xffff, v22  }
0x164: {  	v16 =	vor.u32 v4, v46;
	[tilespmem:v18+s23+$0x0] =	vst.idx.msk $0xffff, v37  }
0x165: {  	v16 =	vor.u32 v2, v16;
	v17 =	vld.idx.msk [tilespmem:v17+s15+$0x0], $0xffff  }
0x166: {  	v40 =	vor.u32 v1, v45;
	_ =	sdelay $0x3  }
0x167: {  	[tilespmem:v16+s23+$0x0] =	vst.idx.msk $0xffff, v17;
	v16 =	vor.u32 v24, v46  }
0x168: {  	v17 =	vld.idx.msk [tilespmem:v40+s15+$0x0], $0xffff;
	v16 =	vor.u32 v2, v16;
	_ =	sdelay $0x4  }
0x169: {  	[tilespmem:v16+s23+$0x0] =	vst.idx.msk $0xffff, v17  }
0x16a: {  	v6 =	vmov v4;
	v4 =	vld [tilespmem:$0x1FFD0]  }
0x16b: {  	v41 =	vor.u32 v5, v45;
	_ =	sdelay $0x3  }
0x16c: {  	v16 =	vor.u32 v4, v46  }
0x16d: {  	v17 =	vld.idx.msk [tilespmem:v41+s15+$0x0], $0xffff;
	v16 =	vor.u32 v2, v16;
	_ =	sdelay $0x4  }
0x16e: {  	[tilespmem:v16+s23+$0x0] =	vst.idx.msk $0xffff, v17  }
0x16f: {  	v13 =	vmov v6;
	v6 =	vld [tilespmem:$0x1FFC0]  }
0x170: {  	v42 =	vor.u32 v3, v45;
	_ =	sdelay $0x3  }
0x171: {  	v16 =	vor.u32 v6, v46  }
0x172: {  	v17 =	vld.idx.msk [tilespmem:v42+s15+$0x0], $0xffff;
	v16 =	vor.u32 v2, v16;
	_ =	sdelay $0x4  }
0x173: {  	v38 =	vor.u32 s28, v10;
	[tilespmem:v16+s23+$0x0] =	vst.idx.msk $0xffff, v17  }
0x174: {  	v53 =	vmov v24;
	v43 =	vor.u32 v0, v38;
	v24 =	vld [tilespmem:$0x1FFB0]  }
0x175: {  	s12 =	sor.u32 $0x80, s28;
	v49 =	vor.u32 v31, v45  }
0x176: {  	v44 =	vmov s12  }
0x177: {  	v37 =	vshll.u32 v44, $0x7  }
0x178: {  	v48 =	vor.u32 v13, v37  }
0x179: {  	v19 =	vld.idx.msk [tilespmem:v43+s15+$0x0], $0xffff;
	v18 =	vor.u32 v32, v48;
	v16 =	vor.u32 v24, v46  }
0x17a: {  	v17 =	vld.idx.msk [tilespmem:v49+s15+$0x0], $0xffff;
	v16 =	vor.u32 v2, v16;
	_ =	sdelay $0x3  }
0x17b: {  	[tilespmem:v18+s23+$0x0] =	vst.idx.msk $0xffff, v19  }
0x17c: {  	[tilespmem:v16+s23+$0x0] =	vst.idx.msk $0xffff, v17  }
0x17d: {  	v56 =	vor.u32 v1, v38;
	v55 =	vld [tilespmem:$0x1FFA0]  }
0x17e: {  	v60 =	vor.u32 v25, v45;
	_ =	sdelay $0x2  }
0x17f: {  	v59 =	vor.u32 v53, v37  }
0x180: {  	v18 =	vor.u32 v32, v59;
	v61 =	vld.idx.msk [tilespmem:v56+s15+$0x0], $0xffff;
	v16 =	vor.u32 v55, v46  }
0x181: {  	v17 =	vld.idx.msk [tilespmem:v60+s15+$0x0], $0xffff;
	v16 =	vor.u32 v2, v16;
	_ =	sdelay $0x3  }
0x182: {  	[tilespmem:v18+s23+$0x0] =	vst.idx.msk $0xffff, v61  }
0x183: {  	v47 =	vmov v3;
	v48 =	vor.u32 v3, v38;
	v3 =	vld [tilespmem:$0x1FEE0];
	[tilespmem:v16+s23+$0x0] =	vst.idx.msk $0xffff, v17  }
0x184: {  	v14 =	vmov v11;
	v62 =	vor.u32 v5, v38;
	v11 =	vld [tilespmem:$0x1FF90]  }
0x185: {  	v39 =	vor.u32 v26, v45;
	_ =	sdelay $0x2  }
0x186: {  	v36 =	vor.u32 v4, v37  }
0x187: {  	v18 =	vor.u32 v32, v36;
	v20 =	vld.idx.msk [tilespmem:v62+s15+$0x0], $0xffff;
	v16 =	vor.u32 v11, v46  }
0x188: {  	v17 =	vld.idx.msk [tilespmem:v39+s15+$0x0], $0xffff;
	v16 =	vor.u32 v2, v16;
	_ =	sdelay $0x3  }
0x189: {  	[tilespmem:v18+s23+$0x0] =	vst.idx.msk $0xffff, v20  }
0x18a: {  	v42 =	vor.u32 s11, v3;
	[tilespmem:v16+s23+$0x0] =	vst.idx.msk $0xffff, v17  }
0x18b: {  	v57 =	vmov v2;
	v49 =	vor.u32 v0, v42;
	v2 =	vld [tilespmem:$0x1FF80]  }
0x18c: {  	s17 =	sor.u32 $0x80, s11;
	v54 =	vor.u32 v27, v45  }
0x18d: {  	v51 =	vmov s17  }
0x18e: {  	v52 =	vor.u32 v6, v37;
	v39 =	vshll.u32 v51, $0x7  }
0x18f: {  	v59 =	vor.u32 v32, v52;
	v21 =	vld.idx.msk [tilespmem:v48+s15+$0x0], $0xffff;
	v61 =	vor.u32 v13, v39  }
0x190: {  	v22 =	vld.idx.msk [tilespmem:v49+s15+$0x0], $0xffff;
	v23 =	vor.u32 v33, v61;
	v16 =	vor.u32 v2, v46  }
0x191: {  	v17 =	vld.idx.msk [tilespmem:v54+s15+$0x0], $0xffff;
	v16 =	vor.u32 v57, v16;
	_ =	sdelay $0x2  }
0x192: {  	[tilespmem:v59+s23+$0x0] =	vst.idx.msk $0xffff, v21  }
0x193: {  	[tilespmem:v23+s23+$0x0] =	vst.idx.msk $0xffff, v22  }
0x194: {  	v60 =	vor.u32 v31, v38;
	[tilespmem:v16+s23+$0x0] =	vst.idx.msk $0xffff, v17  }
0x195: {  	v56 =	vmov v26;
	v62 =	vor.u32 v1, v42;
	v26 =	vld [tilespmem:$0x1FF70]  }
0x196: {  	v41 =	vor.u32 v28, v45;
	_ =	sdelay $0x1  }
0x197: {  	v40 =	vor.u32 v24, v37  }
0x198: {  	v18 =	vor.u32 v32, v40;
	v44 =	vor.u32 v53, v39;
	v19 =	vld.idx.msk [tilespmem:v60+s15+$0x0], $0xffff  }
0x199: {  	v22 =	vor.u32 v33, v44;
	v23 =	vld.idx.msk [tilespmem:v62+s15+$0x0], $0xffff;
	v16 =	vor.u32 v26, v46  }
0x19a: {  	v17 =	vld.idx.msk [tilespmem:v41+s15+$0x0], $0xffff;
	v16 =	vor.u32 v57, v16;
	_ =	sdelay $0x2  }
0x19b: {  	[tilespmem:v18+s23+$0x0] =	vst.idx.msk $0xffff, v19  }
0x19c: {  	[tilespmem:v22+s23+$0x0] =	vst.idx.msk $0xffff, v23  }
0x19d: {  	v43 =	vor.u32 v25, v38;
	v0 =	vld [tilespmem:$0x1FEF0];
	[tilespmem:v16+s23+$0x0] =	vst.idx.msk $0xffff, v17  }
0x19e: {  	v48 =	vor.u32 v5, v42;
	v54 =	vmov v5;
	v5 =	vld [tilespmem:$0x1FF60]  }
0x19f: {  	v51 =	vor.u32 v7, v45;
	_ =	sdelay $0x1  }
0x1a0: {  	v49 =	vor.u32 v55, v37  }
0x1a1: {  	v61 =	vor.u32 v4, v39;
	v18 =	vor.u32 v32, v49;
	v59 =	vld.idx.msk [tilespmem:v43+s15+$0x0], $0xffff  }
0x1a2: {  	v22 =	vor.u32 v33, v61;
	v23 =	vld.idx.msk [tilespmem:v48+s15+$0x0], $0xffff;
	v16 =	vor.u32 v5, v46  }
0x1a3: {  	v19 =	vld.idx.msk [tilespmem:v51+s15+$0x0], $0xffff;
	v16 =	vor.u32 v57, v16;
	_ =	sdelay $0x2  }
0x1a4: {  	[tilespmem:v18+s23+$0x0] =	vst.idx.msk $0xffff, v59  }
0x1a5: {  	v58 =	vmov v30;
	v60 =	vor.u32 v56, v38;
	[tilespmem:v22+s23+$0x0] =	vst.idx.msk $0xffff, v23  }
0x1a6: {  	v30 =	vmovc v28;
	v28 =	vmovc v1;
	v1 =	vlaneseq.u32;
	v62 =	vor.u32 v47, v42;
	v40 =	vor.u32 s5, v0;
	[tilespmem:v16+s23+$0x0] =	vst.idx.msk $0xffff, v19  }
0x1a7: {  	v17 =	vor.u32 v1, v40;
	v3 =	vld [tilespmem:$0x1FF50]  }
0x1a8: {  	s22 =	sor.u32 $0x80, s5;
	v48 =	vor.u32 v9, v45  }
0x1a9: {  	v44 =	vor.u32 v11, v37;
	v49 =	vmov s22  }
0x1aa: {  	v43 =	vshll.u32 v49, $0x7;
	v18 =	vor.u32 v32, v44;
	v51 =	vor.u32 v6, v39;
	v20 =	vld.idx.msk [tilespmem:v60+s15+$0x0], $0xffff  }
0x1ab: {  	v59 =	vor.u32 v13, v43;
	v36 =	vld.idx.msk [tilespmem:v62+s15+$0x0], $0xffff;
	v52 =	vor.u32 v33, v51  }
0x1ac: {  	v17 =	vld.idx.msk [tilespmem:v17+s15+$0x0], $0xffff;
	v16 =	vor.u32 v34, v59;
	v60 =	vor.u32 v3, v46  }
0x1ad: {  	v62 =	vld.idx.msk [tilespmem:v48+s15+$0x0], $0xffff;
	v19 =	vor.u32 v57, v60;
	_ =	sdelay $0x1  }
0x1ae: {  	[tilespmem:v18+s23+$0x0] =	vst.idx.msk $0xffff, v20  }
0x1af: {  	[tilespmem:v52+s23+$0x0] =	vst.idx.msk $0xffff, v36  }
0x1b0: {  	v41 =	vor.u32 v27, v38;
	[tilespmem:v16+s23+$0x0] =	vst.idx.msk $0xffff, v17  }
0x1b1: {  	v51 =	vor.u32 v31, v42;
	v52 =	vor.u32 v24, v39;
	[tilespmem:v19+s23+$0x0] =	vst.idx.msk $0xffff, v62  }
0x1b2: {  	v61 =	vor.u32 v28, v40;
	v22 =	vor.u32 v33, v52;
	v52 =	vld [tilespmem:$0x1FF40]  }
0x1b3: {  	v49 =	vor.u32 v29, v45  }
0x1b4: {  	v48 =	vor.u32 v2, v37  }
0x1b5: {  	v41 =	vld.idx.msk [tilespmem:v41+s15+$0x0], $0xffff;
	v20 =	vor.u32 v32, v48  }
0x1b6: {  	v23 =	vld.idx.msk [tilespmem:v51+s15+$0x0], $0xffff;
	v16 =	vor.u32 v53, v43  }
0x1b7: {  	v44 =	vld.idx.msk [tilespmem:v61+s15+$0x0], $0xffff;
	v16 =	vor.u32 v34, v16;
	v60 =	vor.u32 v52, v46  }
0x1b8: {  	v59 =	vor.u32 v30, v38;
	v21 =	vld.idx.msk [tilespmem:v49+s15+$0x0], $0xffff;
	v18 =	vor.u32 v57, v60;
	_ =	sdelay $0x1  }
0x1b9: {  	[tilespmem:v20+s23+$0x0] =	vst.idx.msk $0xffff, v41  }
0x1ba: {  	[tilespmem:v22+s23+$0x0] =	vst.idx.msk $0xffff, v23  }
0x1bb: {  	v17 =	vor.u32 v25, v42;
	[tilespmem:v16+s23+$0x0] =	vst.idx.msk $0xffff, v44  }
0x1bc: {  	v61 =	vor.u32 v54, v40;
	v62 =	vor.u32 v26, v37;
	v49 =	vld.idx.msk [tilespmem:v59+s15+$0x0], $0xffff;
	[tilespmem:v18+s23+$0x0] =	vst.idx.msk $0xffff, v21  }
0x1bd: {  	v48 =	vor.u32 v14, v45;
	v20 =	vor.u32 v32, v62;
	v0 =	vld [tilespmem:$0x1FF30];
	_ =	sdelay $0x1  }
0x1be: {  	v63 =	vmov v15;
	v15 =	vmov v4  }
0x1bf: {  	v59 =	vor.u32 v55, v39;
	v17 =	vld.idx.msk [tilespmem:v17+s15+$0x0], $0xffff;
	v60 =	vor.u32 v15, v43  }
0x1c0: {  	v50 =	vmovc v31;
	v31 =	vmov v47;
	v19 =	vld.idx.msk [tilespmem:v61+s15+$0x0], $0xffff;
	v16 =	vor.u32 v33, v59;
	v36 =	vor.u32 v34, v60  }
0x1c1: {  	v21 =	vor.u32 v47, v40;
	v47 =	vld.idx.msk [tilespmem:v48+s15+$0x0], $0xffff;
	[tilespmem:v20+s23+$0x0] =	vst.idx.msk $0xffff, v49;
	v61 =	vor.u32 v0, v46  }
0x1c2: {  	v20 =	vld [tilespmem:$0x1FED0];
	v18 =	vor.u32 v57, v61;
	_ =	sdelay $0x1  }
0x1c3: {  	v51 =	vor.u32 v7, v38  }
0x1c4: {  	v44 =	vor.u32 v56, v42;
	[tilespmem:v16+s23+$0x0] =	vst.idx.msk $0xffff, v17  }
0x1c5: {  	[tilespmem:v36+s23+$0x0] =	vst.idx.msk $0xffff, v19  }
0x1c6: {  	v41 =	vor.u32 s13, v20;
	[tilespmem:v18+s23+$0x0] =	vst.idx.msk $0xffff, v47  }
0x1c7: {  	v59 =	vmov v0;
	v48 =	vor.u32 v1, v41;
	v0 =	vld [tilespmem:$0x1FF20]  }
0x1c8: {  	s28 =	sor.u32 $0x80, s13;
	v62 =	vor.u32 v5, v37;
	v22 =	vor.u32 v8, v45;
	v23 =	vld.idx.msk [tilespmem:v51+s15+$0x0], $0xffff  }
0x1c9: {  	v16 =	vor.u32 v32, v62;
	v17 =	vld.idx.msk [tilespmem:v44+s15+$0x0], $0xffff;
	v44 =	vor.u32 v11, v39;
	v61 =	vmov s28  }
0x1ca: {  	v62 =	vor.u32 v6, v43;
	v19 =	vor.u32 v33, v44;
	v44 =	vshll.u32 v61, $0x7  }
0x1cb: {  	v21 =	vld.idx.msk [tilespmem:v21+s15+$0x0], $0xffff;
	v61 =	vor.u32 v13, v44;
	v18 =	vor.u32 v34, v62  }
0x1cc: {  	v47 =	vor.u32 v35, v61;
	v48 =	vld.idx.msk [tilespmem:v48+s15+$0x0], $0xffff;
	v51 =	vor.u32 v0, v46  }
0x1cd: {  	v49 =	vor.u32 v9, v38;
	v22 =	vld.idx.msk [tilespmem:v22+s15+$0x0], $0xffff;
	v20 =	vor.u32 v57, v51  }
0x1ce: {  	[tilespmem:v16+s23+$0x0] =	vst.idx.msk $0xffff, v23  }
0x1cf: {  	[tilespmem:v19+s23+$0x0] =	vst.idx.msk $0xffff, v17  }
0x1d0: {  	v12 =	vmovc v25;
	v60 =	vmov v5;
	v5 =	vmov v13;
	v36 =	vor.u32 v27, v42;
	[tilespmem:v18+s23+$0x0] =	vst.idx.msk $0xffff, v21  }
0x1d1: {  	v13 =	vmov v50;
	v50 =	vor.u32 v50, v40;
	v16 =	vor.u32 v3, v37;
	[tilespmem:v47+s23+$0x0] =	vst.idx.msk $0xffff, v48  }
0x1d2: {  	v19 =	vor.u32 v28, v41;
	v17 =	vld.idx.msk [tilespmem:v49+s15+$0x0], $0xffff;
	v16 =	vor.u32 v32, v16;
	[tilespmem:v20+s23+$0x0] =	vst.idx.msk $0xffff, v22  }
0x1d3: {  	v25 =	vmovc v11;
	v11 =	vmovc v9;
	v9 =	vmov v27;
	v27 =	vmov v3;
	v21 =	vor.u32 v29, v38;
	v3 =	vld [tilespmem:$0x1FF10]  }
0x1d4: {  	v23 =	vor.u32 v63, v45;
	v49 =	vor.u32 v2, v39  }
0x1d5: {  	v36 =	vld.idx.msk [tilespmem:v36+s15+$0x0], $0xffff;
	v18 =	vor.u32 v33, v49;
	v51 =	vor.u32 v24, v43  }
0x1d6: {  	v4 =	vmovc v14;
	v14 =	vmov v63;
	v63 =	vor.u32 v53, v44;
	v22 =	vld.idx.msk [tilespmem:v50+s15+$0x0], $0xffff;
	v20 =	vor.u32 v34, v51  }
0x1d7: {  	v19 =	vld.idx.msk [tilespmem:v19+s15+$0x0], $0xffff;
	[tilespmem:v16+s23+$0x0] =	vst.idx.msk $0xffff, v17;
	v16 =	vor.u32 v35, v63;
	v17 =	vor.u32 v52, v37  }
0x1d8: {  	v21 =	vld.idx.msk [tilespmem:v21+s15+$0x0], $0xffff;
	v17 =	vor.u32 v32, v17;
	v47 =	vor.u32 v3, v46  }
0x1d9: {  	v23 =	vld.idx.msk [tilespmem:v23+s15+$0x0], $0xffff;
	v47 =	vor.u32 v57, v47  }
0x1da: {  	[tilespmem:v18+s23+$0x0] =	vst.idx.msk $0xffff, v36  }
0x1db: {  	[tilespmem:v20+s23+$0x0] =	vst.idx.msk $0xffff, v22  }
0x1dc: {  	[tilespmem:v16+s23+$0x0] =	vst.idx.msk $0xffff, v19  }
0x1dd: {  	v48 =	vor.u32 v30, v42;
	[tilespmem:v17+s23+$0x0] =	vst.idx.msk $0xffff, v21  }
0x1de: {  	v61 =	vmovc v24;
	v24 =	vmov v3;
	v3 =	vmov v53;
	v53 =	vor.u32 v12, v40;
	[tilespmem:v47+s23+$0x0] =	vst.idx.msk $0xffff, v23  }
0x1df: {  	v45 =	vor.u32 v58, v45;
	v62 =	vmovc v0;
	v36 =	vor.u32 v54, v41;
	v16 =	vor.u32 v55, v43;
	v17 =	vld [tilespmem:$0x1FF00]  }
0x1e0: {  	v0 =	vmovc v28;
	v28 =	vmovc v30;
	v30 =	vmov v12;
	v12 =	vmov v55;
	v55 =	vor.u32 v34, v16;
	v16 =	vld [tilespmem:$0x1FFD0]  }
0x1e1: {  	v10 =	vmov v7  }
0x1e2: {  	v15 =	vmovc v8;
	v58 =	vmov v54;
	v49 =	vor.u32 v4, v38;
	v54 =	vor.u32 v26, v39;
	v50 =	vld.idx.msk [tilespmem:v48+s15+$0x0], $0xffff  }
0x1e3: {  	v8 =	vmovc v6;
	v51 =	vor.u32 v7, v42;
	v63 =	vmov v52;
	v52 =	vor.u32 v33, v54;
	v54 =	vld.idx.msk [tilespmem:v53+s15+$0x0], $0xffff  }
0x1e4: {  	v6 =	vmovc v2;
	v7 =	vmov v56;
	v53 =	vor.u32 v56, v40;
	v56 =	vld.idx.msk [tilespmem:v36+s15+$0x0], $0xffff;
	v17 =	vor.u32 v17, v46  }
0x1e5: {  	s1 =	simm.s32 $0xC;
	v2 =	vmovc v26;
	v45 =	vld.idx.msk [tilespmem:v45+s15+$0x0], $0xffff;
	v26 =	vmov v16;
	v36 =	vor.u32 v57, v17;
	v57 =	vor.u32 v16, v44  }
.LBB2_6:
0x1e6: {  	_ = 	snop  }
0x1e7: {  	v16 =	vor.u32 v35, v57;
	v18 =	vor.u32 v59, v37;
	v19 =	vmovc v32;
	v32 =	vmov v33  }
0x1e8: {  	s3 =	sadd.s32 $0x10, s3;
	v17 =	vld.idx.msk [tilespmem:v49+s15+$0x0], $0xffff;
	v33 =	vmovc v34;
	v34 =	vmovc v35;
	v35 =	vor.u32 s8, v1;
	v20 =	vmov v37;
	v37 =	vmov v39  }
0x1e9: {  	v22 =	vor.u32 v31, v41;
	[tilespmem:v52+s23+$0x0] =	vst.idx.msk $0xffff, v50;
	s2 =	sand.u32 $0x70, s3;
	v21 =	vshll.u32 v35, $0x7;
	v18 =	vor.u32 v19, v18  }
0x1ea: {  	v47 =	vor.u32 v15, v38;
	v39 =	vmovc v43;
	v43 =	vmovc v44;
	v46 =	vor.u32 v60, v37;
	v21 =	vor.u32 s2, v21  }
0x1eb: {  	v23 =	vld.idx.msk [tilespmem:v51+s15+$0x0], $0xffff;
	[tilespmem:v55+s23+$0x0] =	vst.idx.msk $0xffff, v54;
	v46 =	vor.u32 v32, v46;
	v48 =	vor.u32 v1, v21  }
0x1ec: {  	v50 =	vor.u32 v11, v42;
	v55 =	vor.u32 v25, v39;
	v49 =	vld.idx.msk [tilespmem:v53+s15+$0x0], $0xffff;
	[tilespmem:v36+s23+$0x0] =	vst.idx.msk $0xffff, v45  }
0x1ed: {  	v54 =	vor.u32 v8, v43;
	v51 =	vor.u32 v13, v41;
	s2 =	sor.u32 $0x80, s2;
	[tilespmem:v16+s23+$0x0] =	vst.idx.msk $0xffff, v56  }
0x1ee: {  	v57 =	vmov s2;
	v36 =	vor.u32 v9, v40;
	v16 =	vor.u32 v33, v55;
	v22 =	vld.idx.msk [tilespmem:v22+s15+$0x0], $0xffff;
	[tilespmem:v18+s23+$0x0] =	vst.idx.msk $0xffff, v17  }
0x1ef: {  	v44 =	vshll.u32 v57, $0x7;
	v55 =	vor.u32 v62, v20;
	v17 =	vor.u32 v34, v54;
	v18 =	vld.idx.msk [tilespmem:v47+s15+$0x0], $0xffff  }
0x1f0: {  	v56 =	vor.u32 v5, v44;
	v47 =	vld.idx.msk [tilespmem:v48+s15+$0x0], $0xffff;
	[tilespmem:v46+s23+$0x0] =	vst.idx.msk $0xffff, v23;
	v23 =	vor.u32 v19, v55  }
0x1f1: {  	v52 =	vor.u32 v0, v21;
	v45 =	vor.u32 v35, v56  }
0x1f2: {  	v57 =	vor.u32 v27, v37;
	v56 =	vor.u32 v6, v39;
	v46 =	vld.idx.msk [tilespmem:v50+s15+$0x0], $0xffff;
	v50 =	vor.u32 v14, v38  }
0x1f3: {  	[tilespmem:v16+s23+$0x0] =	vst.idx.msk $0xffff, v49;
	v16 =	vor.u32 v32, v57;
	v49 =	vor.u32 v29, v42  }
0x1f4: {  	v57 =	vor.u32 v61, v43;
	v36 =	vld.idx.msk [tilespmem:v36+s15+$0x0], $0xffff;
	[tilespmem:v17+s23+$0x0] =	vst.idx.msk $0xffff, v22;
	v17 =	vor.u32 v33, v56  }
0x1f5: {  	v48 =	vld.idx.msk [tilespmem:v51+s15+$0x0], $0xffff;
	[tilespmem:v23+s23+$0x0] =	vst.idx.msk $0xffff, v18;
	v18 =	vor.u32 v34, v57;
	v57 =	vor.u32 v3, v44  }
0x1f6: {  	v22 =	vor.u32 v28, v40;
	[tilespmem:v45+s23+$0x0] =	vst.idx.msk $0xffff, v47;
	v45 =	vor.u32 v35, v57;
	v57 =	vld [tilespmem:$0x1FFE0]  }
0x1f7: {  	v53 =	vor.u32 v30, v41;
	v56 =	vor.u32 v24, v20;
	v23 =	vld.idx.msk [tilespmem:v50+s15+$0x0], $0xffff  }
0x1f8: {  	v47 =	vld.idx.msk [tilespmem:v52+s15+$0x0], $0xffff;
	[tilespmem:v16+s23+$0x0] =	vst.idx.msk $0xffff, v46;
	v16 =	vor.u32 v19, v56;
	_ =	sdelay $0x1  }
0x1f9: {  	v46 =	vld.idx.msk [tilespmem:v49+s15+$0x0], $0xffff;
	[tilespmem:v17+s23+$0x0] =	vst.idx.msk $0xffff, v36  }
0x1fa: {  	v50 =	vld.idx.msk [tilespmem:v22+s15+$0x0], $0xffff;
	[tilespmem:v18+s23+$0x0] =	vst.idx.msk $0xffff, v48  }
0x1fb: {  	v54 =	vld.idx.msk [tilespmem:v53+s15+$0x0], $0xffff  }
0x1fc: {  	v52 =	vor.u32 v63, v37;
	v56 =	vor.u32 v57, v38;
	[tilespmem:v16+s23+$0x0] =	vst.idx.msk $0xffff, v23;
	v16 =	vld [tilespmem:$0x1FF00]  }
0x1fd: {  	p0 =	sne.s32 s1, $0x7E;
	v17 =	vor.u32 v32, v52;
	v57 =	vor.u32 v58, v21  }
.Ltmp6:
0x1fe: {  	v36 =	vor.u32 v2, v39;
	(pc) =	sbr.rel @p0 .LBB2_6-.Ltmp6, $4  }
0x1ff: {  	v52 =	vor.u32 v33, v36;
	v48 =	vor.u32 v12, v43;
	v38 =	vmovc v42;
	v42 =	vmovc v40;
	v40 =	vmov v41  }
0x200: {  	v41 =	vmov v21;
	v55 =	vor.u32 v34, v48;
	v49 =	vor.u32 v4, v38;
	[tilespmem:v45+s23+$0x0] =	vst.idx.msk $0xffff, v47  }
0x201: {  	v51 =	vor.u32 v10, v42;
	v53 =	vor.u32 v7, v40;
	v45 =	vld.idx.msk [tilespmem:v56+s15+$0x0], $0xffff;
	v16 =	vor.u32 v16, v20  }
0x202: {  	s8 =	sand.u32 $0x70, s1;
	s1 =	sadd.s32 $0x2, s1;
	v56 =	vld.idx.msk [tilespmem:v57+s15+$0x0], $0xffff;
	v57 =	vor.u32 v26, v44;
	[tilespmem:v17+s23+$0x0] =	vst.idx.msk $0xffff, v46;
	v36 =	vor.u32 v19, v16  }
0x203: {  	v46 =	vor.u32 s8, v1;
	s1 =	sadd.s32 $0x10, s3  }
0x204: {  	s1 =	sand.u32 $0x70, s1;
	v16 =	vshll.u32 v46, $0x7  }
0x205: {  	v48 =	vor.u32 s1, v16  }
0x206: {  	v16 =	vor.u32 v1, v48  }
0x207: {  	s1 =	sor.u32 $0x80, s1  }
0x208: {  	v17 =	vmov s1  }
0x209: {  	v47 =	vshll.u32 v17, $0x7  }
0x20a: {  	v17 =	vor.u32 v5, v47  }
0x20b: {  	v17 =	vor.u32 v46, v17;
	v16 =	vld.idx.msk [tilespmem:v16+s15+$0x0], $0xffff  }
0x20c: {  	v18 =	vor.u32 v0, v48;
	_ =	sdelay $0x3  }
0x20d: {  	[tilespmem:v17+s23+$0x0] =	vst.idx.msk $0xffff, v16;
	v16 =	vor.u32 v3, v47  }
0x20e: {  	v17 =	vld.idx.msk [tilespmem:v18+s15+$0x0], $0xffff;
	v16 =	vor.u32 v46, v16  }
0x20f: {  	v22 =	vor.u32 v58, v48;
	_ =	sdelay $0x3  }
0x210: {  	v19 =	vor.u32 v35, v57;
	[tilespmem:v16+s23+$0x0] =	vst.idx.msk $0xffff, v17;
	v16 =	vor.u32 v26, v47  }
0x211: {  	v17 =	vor.u32 v31, v41;
	v18 =	vld.idx.msk [tilespmem:v22+s15+$0x0], $0xffff;
	v16 =	vor.u32 v46, v16  }
0x212: {  	v20 =	vor.u32 v31, v48;
	_ =	sdelay $0x2  }
0x213: {  	v23 =	vor.u32 v8, v44;
	[tilespmem:v19+s23+$0x0] =	vst.idx.msk $0xffff, v56  }
0x214: {  	v19 =	vor.u32 v35, v23;
	v17 =	vld.idx.msk [tilespmem:v17+s15+$0x0], $0xffff;
	[tilespmem:v16+s23+$0x0] =	vst.idx.msk $0xffff, v18;
	v16 =	vor.u32 v8, v47  }
0x215: {  	v56 =	vor.u32 v13, v41;
	v20 =	vld.idx.msk [tilespmem:v20+s15+$0x0], $0xffff;
	v16 =	vor.u32 v46, v16  }
0x216: {  	v21 =	vor.u32 v13, v48;
	_ =	sdelay $0x2  }
0x217: {  	[tilespmem:v19+s23+$0x0] =	vst.idx.msk $0xffff, v17;
	v17 =	vor.u32 v61, v44  }
0x218: {  	v18 =	vld.idx.msk [tilespmem:v56+s15+$0x0], $0xffff;
	v17 =	vor.u32 v35, v17;
	[tilespmem:v16+s23+$0x0] =	vst.idx.msk $0xffff, v20;
	v16 =	vor.u32 v61, v47  }
0x219: {  	v57 =	vor.u32 v30, v41;
	v20 =	vld.idx.msk [tilespmem:v21+s15+$0x0], $0xffff;
	v16 =	vor.u32 v46, v16  }
0x21a: {  	v61 =	vor.u32 v30, v48;
	_ =	sdelay $0x2  }
0x21b: {  	[tilespmem:v17+s23+$0x0] =	vst.idx.msk $0xffff, v18;
	v17 =	vor.u32 v12, v44  }
0x21c: {  	v18 =	vld.idx.msk [tilespmem:v57+s15+$0x0], $0xffff;
	v17 =	vor.u32 v35, v17;
	[tilespmem:v16+s23+$0x0] =	vst.idx.msk $0xffff, v20;
	v16 =	vor.u32 v12, v47  }
0x21d: {  	v19 =	vor.u32 v7, v41;
	v20 =	vld.idx.msk [tilespmem:v61+s15+$0x0], $0xffff;
	v16 =	vor.u32 v46, v16  }
0x21e: {  	v57 =	vor.u32 v7, v48  }
0x21f: {  	[tilespmem:v55+s23+$0x0] =	vst.idx.msk $0xffff, v54;
	v22 =	vor.u32 v25, v43  }
0x220: {  	v23 =	vld.idx.msk [tilespmem:v53+s15+$0x0], $0xffff;
	v22 =	vor.u32 v34, v22  }
0x221: {  	v61 =	vor.u32 v9, v40;
	[tilespmem:v17+s23+$0x0] =	vst.idx.msk $0xffff, v18;
	v17 =	vor.u32 v25, v44  }
0x222: {  	v18 =	vld.idx.msk [tilespmem:v19+s15+$0x0], $0xffff;
	v17 =	vor.u32 v35, v17;
	[tilespmem:v16+s23+$0x0] =	vst.idx.msk $0xffff, v20;
	v16 =	vor.u32 v25, v47  }
0x223: {  	v19 =	vor.u32 v9, v41;
	v20 =	vld.idx.msk [tilespmem:v57+s15+$0x0], $0xffff;
	v16 =	vor.u32 v46, v16  }
0x224: {  	v21 =	vor.u32 v9, v48  }
0x225: {  	[tilespmem:v22+s23+$0x0] =	vst.idx.msk $0xffff, v23;
	v57 =	vor.u32 v6, v43  }
0x226: {  	v23 =	vld.idx.msk [tilespmem:v61+s15+$0x0], $0xffff;
	v22 =	vor.u32 v34, v57  }
0x227: {  	v61 =	vor.u32 v28, v40;
	[tilespmem:v17+s23+$0x0] =	vst.idx.msk $0xffff, v18;
	v17 =	vor.u32 v6, v44  }
0x228: {  	v18 =	vld.idx.msk [tilespmem:v19+s15+$0x0], $0xffff;
	v17 =	vor.u32 v35, v17;
	[tilespmem:v16+s23+$0x0] =	vst.idx.msk $0xffff, v20;
	v16 =	vor.u32 v6, v47  }
0x229: {  	v19 =	vor.u32 v28, v41;
	v20 =	vld.idx.msk [tilespmem:v21+s15+$0x0], $0xffff;
	v16 =	vor.u32 v46, v16  }
0x22a: {  	v21 =	vor.u32 v28, v48  }
0x22b: {  	v57 =	vor.u32 v2, v43;
	[tilespmem:v22+s23+$0x0] =	vst.idx.msk $0xffff, v23  }
0x22c: {  	[tilespmem:v52+s23+$0x0] =	vst.idx.msk $0xffff, v50;
	v22 =	vor.u32 v34, v57;
	v23 =	vld.idx.msk [tilespmem:v61+s15+$0x0], $0xffff  }
0x22d: {  	v61 =	vor.u32 v10, v40;
	[tilespmem:v17+s23+$0x0] =	vst.idx.msk $0xffff, v18;
	v17 =	vor.u32 v2, v44  }
0x22e: {  	v18 =	vld.idx.msk [tilespmem:v19+s15+$0x0], $0xffff;
	v17 =	vor.u32 v35, v17;
	[tilespmem:v16+s23+$0x0] =	vst.idx.msk $0xffff, v20;
	v16 =	vor.u32 v2, v47  }
0x22f: {  	v55 =	vor.u32 v60, v39;
	v19 =	vor.u32 v10, v41;
	v20 =	vld.idx.msk [tilespmem:v21+s15+$0x0], $0xffff;
	v16 =	vor.u32 v46, v16  }
0x230: {  	v51 =	vld.idx.msk [tilespmem:v51+s15+$0x0], $0xffff;
	v50 =	vor.u32 v10, v48;
	v21 =	vor.u32 v33, v55  }
0x231: {  	v57 =	vor.u32 v60, v43;
	[tilespmem:v22+s23+$0x0] =	vst.idx.msk $0xffff, v23;
	v23 =	vor.u32 v11, v42  }
0x232: {  	v53 =	vor.u32 v11, v40;
	v22 =	vor.u32 v34, v57  }
0x233: {  	v57 =	vor.u32 v27, v39;
	v61 =	vld.idx.msk [tilespmem:v61+s15+$0x0], $0xffff;
	[tilespmem:v17+s23+$0x0] =	vst.idx.msk $0xffff, v18;
	v17 =	vor.u32 v60, v44  }
0x234: {  	v18 =	vld.idx.msk [tilespmem:v19+s15+$0x0], $0xffff;
	v17 =	vor.u32 v35, v17;
	[tilespmem:v16+s23+$0x0] =	vst.idx.msk $0xffff, v20;
	v16 =	vor.u32 v60, v47  }
0x235: {  	v19 =	vor.u32 v11, v41;
	[tilespmem:v21+s23+$0x0] =	vst.idx.msk $0xffff, v51;
	v20 =	vld.idx.msk [tilespmem:v50+s15+$0x0], $0xffff;
	v16 =	vor.u32 v46, v16  }
0x236: {  	v54 =	vor.u32 v29, v40;
	v21 =	vor.u32 v33, v57;
	v23 =	vld.idx.msk [tilespmem:v23+s15+$0x0], $0xffff  }
0x237: {  	v60 =	vor.u32 v27, v43;
	v57 =	vor.u32 v29, v42;
	v50 =	vor.u32 v11, v48  }
0x238: {  	v51 =	vor.u32 v15, v38;
	[tilespmem:v22+s23+$0x0] =	vst.idx.msk $0xffff, v61;
	v61 =	vor.u32 v59, v37  }
0x239: {  	v22 =	vor.u32 v34, v60;
	v53 =	vld.idx.msk [tilespmem:v53+s15+$0x0], $0xffff;
	[tilespmem:v17+s23+$0x0] =	vst.idx.msk $0xffff, v18;
	v17 =	vor.u32 v27, v44  }
0x23a: {  	v18 =	vld.idx.msk [tilespmem:v19+s15+$0x0], $0xffff;
	v17 =	vor.u32 v35, v17;
	v19 =	vor.u32 v32, v61;
	[tilespmem:v16+s23+$0x0] =	vst.idx.msk $0xffff, v20  }
0x23b: {  	v16 =	vor.u32 v27, v47;
	v20 =	vor.u32 v29, v41;
	[tilespmem:v21+s23+$0x0] =	vst.idx.msk $0xffff, v23;
	v23 =	vld.idx.msk [tilespmem:v49+s15+$0x0], $0xffff  }
0x23c: {  	v60 =	vor.u32 v63, v39;
	v61 =	vor.u32 v63, v43;
	v50 =	vld.idx.msk [tilespmem:v50+s15+$0x0], $0xffff;
	v16 =	vor.u32 v46, v16  }
0x23d: {  	v21 =	vor.u32 v29, v48;
	v49 =	vor.u32 v33, v60;
	v60 =	vor.u32 v63, v44  }
0x23e: {  	[tilespmem:v22+s23+$0x0] =	vst.idx.msk $0xffff, v53;
	v52 =	vld.idx.msk [tilespmem:v57+s15+$0x0], $0xffff;
	v57 =	vor.u32 v4, v42;
	v22 =	vor.u32 v34, v61  }
0x23f: {  	v61 =	vor.u32 v62, v37;
	v54 =	vld.idx.msk [tilespmem:v54+s15+$0x0], $0xffff;
	[tilespmem:v17+s23+$0x0] =	vst.idx.msk $0xffff, v18;
	v17 =	vor.u32 v4, v40  }
0x240: {  	v18 =	vor.u32 v35, v60;
	v20 =	vld.idx.msk [tilespmem:v20+s15+$0x0], $0xffff;
	[tilespmem:v19+s23+$0x0] =	vst.idx.msk $0xffff, v23;
	v19 =	vor.u32 v32, v61  }
0x241: {  	v23 =	vor.u32 v4, v41;
	[tilespmem:v16+s23+$0x0] =	vst.idx.msk $0xffff, v50;
	v16 =	vor.u32 v63, v47;
	v50 =	vld.idx.msk [tilespmem:v51+s15+$0x0], $0xffff  }
0x242: {  	v60 =	vor.u32 v15, v42;
	v21 =	vld.idx.msk [tilespmem:v21+s15+$0x0], $0xffff;
	v16 =	vor.u32 v46, v16  }
0x243: {  	[tilespmem:v49+s23+$0x0] =	vst.idx.msk $0xffff, v52;
	v63 =	vor.u32 v59, v39;
	v51 =	vor.u32 v4, v48  }
0x244: {  	v52 =	vld.idx.msk [tilespmem:v57+s15+$0x0], $0xffff;
	v49 =	vor.u32 v33, v63;
	[tilespmem:v22+s23+$0x0] =	vst.idx.msk $0xffff, v54;
	v57 =	vor.u32 v59, v43  }
0x245: {  	v61 =	vor.u32 v59, v44;
	v22 =	vor.u32 v34, v57;
	v17 =	vld.idx.msk [tilespmem:v17+s15+$0x0], $0xffff;
	[tilespmem:v18+s23+$0x0] =	vst.idx.msk $0xffff, v20  }
0x246: {  	v18 =	vor.u32 v15, v40;
	v20 =	vor.u32 v35, v61;
	v63 =	vld.idx.msk [tilespmem:v23+s15+$0x0], $0xffff;
	[tilespmem:v19+s23+$0x0] =	vst.idx.msk $0xffff, v50  }
0x247: {  	v55 =	vor.u32 v59, v47;
	v19 =	vor.u32 v15, v41;
	[tilespmem:v16+s23+$0x0] =	vst.idx.msk $0xffff, v21  }
0x248: {  	v23 =	vor.u32 v46, v55;
	v16 =	vor.u32 v14, v38;
	v50 =	vld.idx.msk [tilespmem:v51+s15+$0x0], $0xffff  }
0x249: {  	v59 =	vor.u32 v15, v48;
	v57 =	vor.u32 v62, v39;
	[tilespmem:v49+s23+$0x0] =	vst.idx.msk $0xffff, v52  }
0x24a: {  	v49 =	vor.u32 v33, v57;
	v52 =	vld.idx.msk [tilespmem:v60+s15+$0x0], $0xffff;
	[tilespmem:v22+s23+$0x0] =	vst.idx.msk $0xffff, v17;
	v17 =	vor.u32 v62, v43  }
0x24b: {  	v54 =	vor.u32 v62, v44;
	v18 =	vld.idx.msk [tilespmem:v18+s15+$0x0], $0xffff;
	v17 =	vor.u32 v34, v17;
	[tilespmem:v20+s23+$0x0] =	vst.idx.msk $0xffff, v63  }
0x24c: {  	v21 =	vor.u32 v35, v54;
	v60 =	vor.u32 v24, v37;
	v19 =	vld.idx.msk [tilespmem:v19+s15+$0x0], $0xffff  }
0x24d: {  	v55 =	vor.u32 v62, v47;
	v22 =	vor.u32 v32, v60;
	v16 =	vld.idx.msk [tilespmem:v16+s15+$0x0], $0xffff;
	[tilespmem:v23+s23+$0x0] =	vst.idx.msk $0xffff, v50  }
0x24e: {  	v23 =	vor.u32 v46, v55;
	v51 =	vld.idx.msk [tilespmem:v59+s15+$0x0], $0xffff  }
0x24f: {  	v56 =	vmov v30;
	v30 =	vld [tilespmem:$0x1FFE0];
	[tilespmem:v49+s23+$0x0] =	vst.idx.msk $0xffff, v52  }
0x250: {  	v61 =	vor.u32 v14, v42;
	[tilespmem:v17+s23+$0x0] =	vst.idx.msk $0xffff, v18  }
0x251: {  	v63 =	vor.u32 v14, v40;
	[tilespmem:v21+s23+$0x0] =	vst.idx.msk $0xffff, v19  }
0x252: {  	v57 =	vor.u32 v14, v41;
	[tilespmem:v22+s23+$0x0] =	vst.idx.msk $0xffff, v16  }
0x253: {  	v59 =	vor.u32 v14, v48;
	[tilespmem:v23+s23+$0x0] =	vst.idx.msk $0xffff, v51  }
0x254: {  	v60 =	vor.u32 v24, v39;
	v26 =	vld [tilespmem:$0x1FF00]  }
0x255: {  	v52 =	vor.u32 v33, v60;
	v17 =	vor.u32 v24, v43;
	v61 =	vld.idx.msk [tilespmem:v61+s15+$0x0], $0xffff;
	v38 =	vor.u32 v30, v38  }
0x256: {  	v53 =	vor.u32 v24, v44;
	v17 =	vor.u32 v34, v17;
	v20 =	vld.idx.msk [tilespmem:v63+s15+$0x0], $0xffff;
	v62 =	vor.u32 v30, v42  }
0x257: {  	v54 =	vor.u32 v24, v47;
	v19 =	vor.u32 v35, v53;
	v21 =	vld.idx.msk [tilespmem:v57+s15+$0x0], $0xffff;
	v63 =	vor.u32 v30, v40  }
0x258: {  	v55 =	vor.u32 v30, v41;
	v23 =	vor.u32 v46, v54;
	v49 =	vld.idx.msk [tilespmem:v59+s15+$0x0], $0xffff  }
0x259: {  	v57 =	vor.u32 v30, v48;
	v16 =	vor.u32 v26, v37  }
0x25a: {  	[tilespmem:v52+s23+$0x0] =	vst.idx.msk $0xffff, v61;
	v59 =	vld.idx.msk [tilespmem:v38+s15+$0x0], $0xffff;
	v60 =	vor.u32 v26, v39;
	v16 =	vor.u32 v32, v16  }
0x25b: {  	[tilespmem:v17+s23+$0x0] =	vst.idx.msk $0xffff, v20;
	v61 =	vld.idx.msk [tilespmem:v62+s15+$0x0], $0xffff;
	v17 =	vor.u32 v26, v43;
	v18 =	vor.u32 v33, v60  }
0x25c: {  	[tilespmem:v19+s23+$0x0] =	vst.idx.msk $0xffff, v21;
	v20 =	vld.idx.msk [tilespmem:v63+s15+$0x0], $0xffff;
	v62 =	vor.u32 v26, v44;
	v17 =	vor.u32 v34, v17  }
0x25d: {  	v21 =	vld.idx.msk [tilespmem:v55+s15+$0x0], $0xffff;
	[tilespmem:v23+s23+$0x0] =	vst.idx.msk $0xffff, v49;
	v63 =	vor.u32 v26, v47;
	v19 =	vor.u32 v35, v62  }
0x25e: {  	[tilespmem:v36+s23+$0x0] =	vst.idx.msk $0xffff, v45;
	v22 =	vld.idx.msk [tilespmem:v57+s15+$0x0], $0xffff;
	v23 =	vor.u32 v46, v63  }
0x25f: {  	[tilespmem:v16+s23+$0x0] =	vst.idx.msk $0xffff, v59  }
0x260: {  	[tilespmem:v18+s23+$0x0] =	vst.idx.msk $0xffff, v61  }
0x261: {  	[tilespmem:v17+s23+$0x0] =	vst.idx.msk $0xffff, v20  }
0x262: {  	[tilespmem:v19+s23+$0x0] =	vst.idx.msk $0xffff, v21  }
0x263: {  	[tilespmem:v23+s23+$0x0] =	vst.idx.msk $0xffff, v22  }
0x264: {  	_ =	swait.ge [sflag:s24], $0x800  }
0x265: {  	[sflag:s24] =	ssyncset.done $0x0  }
0x266: {  	[sflag:s24] =	ssyncadd.s32 $0xFFFFF800  }
0x267: {  	s28 =	rddreg [dreg:$0x4]  }
0x268: {  	s1 =	sadd.s32 s28, s31  }
0x269: {  	[hbm4b:s1+s20] =	stream.strided.scatter [tilespmem:s23], [sflag:$0x4], $0x8800, s21, s20, $0x38;
	[tilespmem:$0x1D700] =	vst v63  }
0x26a: {  	s1 =	sadd.s32 $0x2, s30  }
0x26b: {  	p0 =	sge.u32 s1, s7  }
0x26c: {  	s1 =	sshll.u32 @!p0 s1, $0x7;
	s2 =	simm.s32 @!p0 $0x80;
	s3 =	simm.s32 @!p0 $0x4F00  }
0x26d: {  	v1 =	vmovc v0;
	v0 =	vlaneseq.u32;
	v5 =	vmov v58;
	v8 =	vmov v15;
	[tilespmem:s3], [sflag:$0x1] =	stream.indirect.gather @!p0 [hbm4b:s0+s2], $0x80, s1, s2, $0xb8;
	[tilespmem:$0x1D700] =	vst v63  }
0x26e: {  	v25 =	vmovc v56;
	v27 =	vmovc v9;
	v9 =	vmov v11;
	v11 =	vmov v4;
	v15 =	vmov v14;
	s1 =	sadd.s32 @!p0 $0x2780, s1;
	s3 =	simm.s32 @!p0 $0x8F00  }
0x26f: {  	v24 =	vmovc v3;
	v3 =	vmovc v31;
	v31 =	vmov v13;
	v26 =	vmov v7;
	v7 =	vmov v10;
	v2 =	vld [tilespmem:$0x1FFF0];
	[tilespmem:s3], [sflag:$0x1] =	stream.indirect.gather @!p0 [hbm4b:s0+s2], $0x80, s1, s2, $0xb8  }
.LBB2_8:
0x270: {  	s1 =	sor.u32 $0x1, s30  }
0x271: {  	p0 =	sge.u32 s1, s7  }
.Ltmp7:
0x272: {  	_ = 	snop;
	(pc) =	sbr.rel @p0 .LBB2_14-.Ltmp7, $1  }
0x273: {  	_ =	sdelay $0x3  }
0x274: {  	_ =	swait.ge [sflag:s25], $0x4000  }
0x275: {  	[sflag:s25] =	ssyncset.done $0x0  }
0x276: {  	[sflag:s25] =	ssyncadd.s32 $0xFFFFC000  }
0x277: {  	s2 =	simm.s32 $0x0;
	_ =	swait.ge [sflag:s25], $0x4000  }
0x278: {  	s2 =	sand.u32 $0x70, s2;
	[sflag:s25] =	ssyncset.done $0x0  }
0x279: {  	v4 =	vmov v24;
	v24 =	vor.u32 s2, v0;
	[sflag:s25] =	ssyncadd.s32 $0xFFFFC000  }
0x27a: {  	v6 =	vshll.u32 v24, $0x7;
	_ =	swait.ge [sflag:s26], $0x8800  }
0x27b: {  	s1 =	sadd.s32 s6, s1;
	v16 =	vor.u32 v24, v6;
	[sflag:s26] =	ssyncset.done $0x0  }
0x27c: {  	s1 =	sshll.u32 s1, $0x7;
	[sflag:s26] =	ssyncadd.s32 $0xFFFF7800  }
0x27d: {  	s31 =	sand.u32 $0x1FFFFF80, s1;
	s3 =	rddreg [dreg:$0x1]  }
0x27e: {  	s1 =	sadd.s32 s3, s31;
	s3 =	simm.s32 $0x1CF00  }
0x27f: {  	[tilespmem:s3], [sflag:$0x3] =	stream.strided.gather [hbm4b:s1+s20], $0x800, s21, s20, $0x38;
	[tilespmem:$0x1D700] =	vst v63  }
0x280: {  	v17 =	vor.u32 s2, v1;
	v18 =	vor.u32 v24, v6;
	v16 =	vld.idx.msk [tilespmem:v16+s16+$0x0], $0xffff  }
0x281: {  	v19 =	vor.u32 v17, v6;
	_ =	sdelay $0x3  }
0x282: {  	[tilespmem:v18+s23+$0x0] =	vst.idx.msk $0xffff, v16;
	v16 =	vshll.u32 v17, $0x7  }
0x283: {  	v22 =	vor.u32 s2, v5;
	v17 =	vld.idx.msk [tilespmem:v19+s16+$0x0], $0xffff;
	v16 =	vor.u32 v24, v16  }
0x284: {  	v23 =	vor.u32 v22, v6;
	_ =	sdelay $0x3  }
0x285: {  	[tilespmem:v16+s23+$0x0] =	vst.idx.msk $0xffff, v17;
	v16 =	vshll.u32 v22, $0x7  }
0x286: {  	s4 =	simm.s32 $0x2;
	v35 =	vor.u32 s2, v3;
	v17 =	vld.idx.msk [tilespmem:v23+s16+$0x0], $0xffff;
	v16 =	vor.u32 v24, v16  }
0x287: {  	s5 =	simm.s32 $0x10;
	v20 =	vor.u32 v35, v6;
	s1 =	sand.u32 $0x70, s4  }
0x288: {  	s17 =	sand.u32 $0x70, s5;
	v32 =	vor.u32 s1, v0  }
0x289: {  	v36 =	vor.u32 s17, v0;
	v12 =	vshll.u32 v32, $0x7  }
0x28a: {  	v21 =	vor.u32 v36, v12  }
0x28b: {  	[tilespmem:v16+s23+$0x0] =	vst.idx.msk $0xffff, v17;
	v16 =	vshll.u32 v35, $0x7  }
0x28c: {  	v37 =	vor.u32 s2, v31;
	v17 =	vld.idx.msk [tilespmem:v20+s16+$0x0], $0xffff;
	v16 =	vor.u32 v24, v16  }
0x28d: {  	v38 =	vor.u32 v37, v6  }
0x28e: {  	v19 =	vshll.u32 v36, $0x7  }
0x28f: {  	v21 =	vld.idx.msk [tilespmem:v21+s16+$0x0], $0xffff;
	v19 =	vor.u32 v32, v19;
	v22 =	vor.u32 s17, v1  }
0x290: {  	v23 =	vor.u32 v22, v12  }
0x291: {  	[tilespmem:v16+s23+$0x0] =	vst.idx.msk $0xffff, v17;
	v16 =	vshll.u32 v37, $0x7  }
0x292: {  	v17 =	vor.u32 s2, v25;
	v39 =	vld.idx.msk [tilespmem:v38+s16+$0x0], $0xffff;
	v16 =	vor.u32 v24, v16  }
0x293: {  	v41 =	vor.u32 v17, v6  }
0x294: {  	[tilespmem:v19+s23+$0x0] =	vst.idx.msk $0xffff, v21;
	v40 =	vshll.u32 v22, $0x7  }
0x295: {  	v42 =	vor.u32 s17, v5;
	v19 =	vor.u32 v32, v40;
	v21 =	vld.idx.msk [tilespmem:v23+s16+$0x0], $0xffff  }
0x296: {  	v43 =	vor.u32 v42, v12  }
0x297: {  	[tilespmem:v16+s23+$0x0] =	vst.idx.msk $0xffff, v39;
	v16 =	vshll.u32 v17, $0x7  }
0x298: {  	v17 =	vor.u32 s2, v26;
	v18 =	vld.idx.msk [tilespmem:v41+s16+$0x0], $0xffff;
	v16 =	vor.u32 v24, v16  }
0x299: {  	s8 =	simm.s32 $0x4;
	v45 =	vor.u32 v17, v6  }
0x29a: {  	s9 =	simm.s32 $0x20;
	v44 =	vshll.u32 v42, $0x7;
	s1 =	sand.u32 $0x70, s8;
	[tilespmem:v19+s23+$0x0] =	vst.idx.msk $0xffff, v21  }
0x29b: {  	s12 =	sand.u32 $0x70, s9;
	v46 =	vor.u32 s17, v3;
	v33 =	vor.u32 s1, v0;
	v19 =	vor.u32 v32, v44;
	v21 =	vld.idx.msk [tilespmem:v43+s16+$0x0], $0xffff  }
0x29c: {  	v34 =	vor.u32 s12, v0;
	v47 =	vor.u32 v46, v12;
	v13 =	vshll.u32 v33, $0x7  }
0x29d: {  	v35 =	vor.u32 v34, v13;
	[tilespmem:v16+s23+$0x0] =	vst.idx.msk $0xffff, v18;
	v16 =	vshll.u32 v17, $0x7  }
0x29e: {  	v48 =	vor.u32 s2, v27;
	v17 =	vld.idx.msk [tilespmem:v45+s16+$0x0], $0xffff;
	v16 =	vor.u32 v24, v16  }
0x29f: {  	v52 =	vor.u32 v48, v6  }
0x2a0: {  	v49 =	vshll.u32 v46, $0x7;
	[tilespmem:v19+s23+$0x0] =	vst.idx.msk $0xffff, v21  }
0x2a1: {  	v51 =	vor.u32 s17, v31;
	v34 =	vshll.u32 v34, $0x7;
	v19 =	vor.u32 v32, v49;
	v50 =	vld.idx.msk [tilespmem:v47+s16+$0x0], $0xffff  }
0x2a2: {  	v53 =	vor.u32 v51, v12;
	v34 =	vor.u32 v33, v34;
	v35 =	vld.idx.msk [tilespmem:v35+s16+$0x0], $0xffff;
	v38 =	vor.u32 s12, v1  }
0x2a3: {  	v39 =	vor.u32 v38, v13;
	[tilespmem:v16+s23+$0x0] =	vst.idx.msk $0xffff, v17;
	v16 =	vshll.u32 v48, $0x7  }
0x2a4: {  	v54 =	vor.u32 s2, v28;
	v17 =	vld.idx.msk [tilespmem:v52+s16+$0x0], $0xffff;
	v16 =	vor.u32 v24, v16  }
0x2a5: {  	v58 =	vor.u32 v54, v6  }
0x2a6: {  	v55 =	vshll.u32 v51, $0x7;
	[tilespmem:v19+s23+$0x0] =	vst.idx.msk $0xffff, v50  }
0x2a7: {  	v56 =	vor.u32 s17, v25;
	v60 =	vshll.u32 v38, $0x7;
	[tilespmem:v34+s23+$0x0] =	vst.idx.msk $0xffff, v35;
	v19 =	vor.u32 v32, v55;
	v57 =	vld.idx.msk [tilespmem:v53+s16+$0x0], $0xffff  }
0x2a8: {  	v61 =	vor.u32 s12, v5;
	v59 =	vor.u32 v56, v12;
	v34 =	vor.u32 v33, v60;
	v35 =	vld.idx.msk [tilespmem:v39+s16+$0x0], $0xffff  }
0x2a9: {  	s11 =	simm.s32 $0x30;
	v62 =	vor.u32 v61, v13;
	[tilespmem:v16+s23+$0x0] =	vst.idx.msk $0xffff, v17;
	v16 =	vshll.u32 v54, $0x7  }
0x2aa: {  	s9 =	sand.u32 $0x70, s11;
	v63 =	vor.u32 s2, v7;
	v17 =	vld.idx.msk [tilespmem:v58+s16+$0x0], $0xffff;
	v16 =	vor.u32 v24, v16  }
0x2ab: {  	v46 =	vor.u32 v63, v6;
	v40 =	vor.u32 s9, v0;
	v50 =	vor.u32 s12, v3  }
0x2ac: {  	s10 =	simm.s32 $0x6;
	v44 =	vshll.u32 v56, $0x7;
	v43 =	vor.u32 s9, v1;
	v41 =	vor.u32 v50, v13;
	[tilespmem:v19+s23+$0x0] =	vst.idx.msk $0xffff, v57  }
0x2ad: {  	s1 =	sand.u32 $0x70, s10;
	v45 =	vor.u32 s17, v26;
	[tilespmem:v34+s23+$0x0] =	vst.idx.msk $0xffff, v35;
	v19 =	vor.u32 v32, v44;
	v21 =	vld.idx.msk [tilespmem:v59+s16+$0x0], $0xffff;
	v48 =	vshll.u32 v61, $0x7  }
0x2ae: {  	v47 =	vor.u32 v45, v12;
	v34 =	vor.u32 s1, v0;
	v49 =	vld.idx.msk [tilespmem:v62+s16+$0x0], $0xffff;
	v35 =	vor.u32 v33, v48  }
0x2af: {  	v55 =	vshll.u32 v50, $0x7;
	v14 =	vshll.u32 v34, $0x7;
	[tilespmem:v16+s23+$0x0] =	vst.idx.msk $0xffff, v17;
	v16 =	vshll.u32 v63, $0x7  }
0x2b0: {  	v20 =	vshll.u32 v45, $0x7;
	v17 =	vor.u32 v40, v14;
	v51 =	vld.idx.msk [tilespmem:v46+s16+$0x0], $0xffff;
	v16 =	vor.u32 v24, v16  }
0x2b1: {  	v45 =	vor.u32 s9, v3;
	v20 =	vor.u32 v32, v20;
	v52 =	vor.u32 s2, v9  }
0x2b2: {  	v60 =	vor.u32 v43, v14;
	v61 =	vor.u32 s2, v29;
	v53 =	vor.u32 v52, v6;
	[tilespmem:v19+s23+$0x0] =	vst.idx.msk $0xffff, v21  }
0x2b3: {  	v59 =	vshll.u32 v52, $0x7;
	v21 =	vld.idx.msk [tilespmem:v47+s16+$0x0], $0xffff;
	v54 =	vor.u32 s17, v27;
	[tilespmem:v35+s23+$0x0] =	vst.idx.msk $0xffff, v49;
	v35 =	vor.u32 v33, v55  }
0x2b4: {  	v56 =	vor.u32 v54, v12;
	v57 =	vld.idx.msk [tilespmem:v41+s16+$0x0], $0xffff;
	v58 =	vor.u32 s12, v31;
	v40 =	vshll.u32 v40, $0x7  }
0x2b5: {  	v42 =	vor.u32 v58, v13;
	v17 =	vld.idx.msk [tilespmem:v17+s16+$0x0], $0xffff;
	[tilespmem:v16+s23+$0x0] =	vst.idx.msk $0xffff, v51;
	v16 =	vor.u32 v34, v40  }
0x2b6: {  	v48 =	vor.u32 v61, v6;
	v52 =	vor.u32 s12, v25;
	v18 =	vor.u32 v24, v59  }
0x2b7: {  	v49 =	vor.u32 s17, v28;
	v62 =	vshll.u32 v54, $0x7;
	v54 =	vshll.u32 v61, $0x7;
	v22 =	vld.idx.msk [tilespmem:v53+s16+$0x0], $0xffff  }
0x2b8: {  	v61 =	vor.u32 s12, v26;
	v41 =	vshll.u32 v52, $0x7;
	v50 =	vshll.u32 v58, $0x7;
	[tilespmem:v20+s23+$0x0] =	vst.idx.msk $0xffff, v21  }
0x2b9: {  	v44 =	vor.u32 v33, v50;
	v21 =	vor.u32 v32, v62;
	v63 =	vld.idx.msk [tilespmem:v56+s16+$0x0], $0xffff;
	[tilespmem:v35+s23+$0x0] =	vst.idx.msk $0xffff, v57  }
0x2ba: {  	s13 =	simm.s32 $0x8;
	v58 =	vshll.u32 v49, $0x7;
	v42 =	vld.idx.msk [tilespmem:v42+s16+$0x0], $0xffff;
	v51 =	vor.u32 v49, v12;
	[tilespmem:v16+s23+$0x0] =	vst.idx.msk $0xffff, v17;
	v17 =	vshll.u32 v43, $0x7  }
0x2bb: {  	s1 =	sand.u32 $0x70, s13;
	v38 =	vor.u32 v32, v58;
	v16 =	vor.u32 v52, v13;
	v19 =	vld.idx.msk [tilespmem:v60+s16+$0x0], $0xffff;
	v17 =	vor.u32 v34, v17  }
0x2bc: {  	v57 =	vor.u32 s2, v11;
	v35 =	vor.u32 s1, v0;
	v53 =	vor.u32 s9, v5;
	[tilespmem:v18+s23+$0x0] =	vst.idx.msk $0xffff, v22  }
0x2bd: {  	s3 =	simm.s32 $0x40;
	v59 =	vor.u32 v57, v6;
	v56 =	vor.u32 v53, v14;
	v18 =	vor.u32 v24, v54;
	v55 =	vld.idx.msk [tilespmem:v48+s16+$0x0], $0xffff  }
0x2be: {  	s10 =	sand.u32 $0x70, s3;
	v50 =	vshll.u32 v57, $0x7;
	v57 =	vor.u32 v45, v14;
	v10 =	vshll.u32 v35, $0x7;
	[tilespmem:v21+s23+$0x0] =	vst.idx.msk $0xffff, v63  }
0x2bf: {  	v63 =	vor.u32 v61, v13;
	[tilespmem:v44+s23+$0x0] =	vst.idx.msk $0xffff, v42;
	v23 =	vld.idx.msk [tilespmem:v51+s16+$0x0], $0xffff;
	v51 =	vor.u32 s10, v0;
	v60 =	vor.u32 s17, v7  }
0x2c0: {  	v62 =	vor.u32 v60, v12;
	v16 =	vld.idx.msk [tilespmem:v16+s16+$0x0], $0xffff;
	[tilespmem:v17+s23+$0x0] =	vst.idx.msk $0xffff, v19;
	v17 =	vor.u32 v33, v41  }
0x2c1: {  	v48 =	vshll.u32 v53, $0x7;
	v58 =	vshll.u32 v60, $0x7;
	v60 =	vor.u32 v51, v10  }
0x2c2: {  	v49 =	vor.u32 s2, v8;
	v52 =	vshll.u32 v45, $0x7;
	v41 =	vor.u32 v34, v48;
	v22 =	vld.idx.msk [tilespmem:v56+s16+$0x0], $0xffff;
	[tilespmem:v18+s23+$0x0] =	vst.idx.msk $0xffff, v55  }
0x2c3: {  	v54 =	vor.u32 v34, v52;
	v20 =	vshll.u32 v51, $0x7;
	v18 =	vor.u32 v24, v50;
	v39 =	vld.idx.msk [tilespmem:v59+s16+$0x0], $0xffff  }
0x2c4: {  	v53 =	vor.u32 s9, v31;
	v20 =	vor.u32 v35, v20;
	[tilespmem:v38+s23+$0x0] =	vst.idx.msk $0xffff, v23;
	v59 =	vor.u32 v49, v6  }
0x2c5: {  	v46 =	vor.u32 s17, v9;
	v45 =	vshll.u32 v53, $0x7;
	v38 =	vld.idx.msk [tilespmem:v62+s16+$0x0], $0xffff;
	[tilespmem:v17+s23+$0x0] =	vst.idx.msk $0xffff, v16;
	v16 =	vor.u32 v32, v58  }
0x2c6: {  	v62 =	vor.u32 s12, v27;
	v44 =	vld.idx.msk [tilespmem:v60+s16+$0x0], $0xffff;
	v17 =	vshll.u32 v61, $0x7;
	v61 =	vor.u32 v46, v12  }
0x2c7: {  	v55 =	vor.u32 v53, v14;
	v19 =	vld.idx.msk [tilespmem:v63+s16+$0x0], $0xffff;
	[tilespmem:v41+s23+$0x0] =	vst.idx.msk $0xffff, v22;
	v17 =	vor.u32 v33, v17  }
0x2c8: {  	v56 =	vshll.u32 v49, $0x7;
	v47 =	vor.u32 v62, v13;
	v46 =	vshll.u32 v46, $0x7;
	v21 =	vld.idx.msk [tilespmem:v57+s16+$0x0], $0xffff;
	[tilespmem:v18+s23+$0x0] =	vst.idx.msk $0xffff, v39  }
0x2c9: {  	v42 =	vor.u32 v24, v56;
	v63 =	vor.u32 s2, v15;
	v58 =	vor.u32 v32, v46;
	v40 =	vld.idx.msk [tilespmem:v59+s16+$0x0], $0xffff  }
0x2ca: {  	v22 =	vor.u32 s2, v30;
	v57 =	vor.u32 s10, v1;
	v48 =	vor.u32 v63, v6;
	[tilespmem:v16+s23+$0x0] =	vst.idx.msk $0xffff, v38  }
0x2cb: {  	[tilespmem:v20+s23+$0x0] =	vst.idx.msk $0xffff, v44;
	v18 =	vor.u32 s9, v25;
	v59 =	vor.u32 s17, v29;
	v16 =	vor.u32 v57, v10;
	v23 =	vld.idx.msk [tilespmem:v61+s16+$0x0], $0xffff  }
0x2cc: {  	v43 =	vshll.u32 v57, $0x7;
	v60 =	vor.u32 v59, v12;
	[tilespmem:v17+s23+$0x0] =	vst.idx.msk $0xffff, v19;
	v17 =	vshll.u32 v62, $0x7  }
0x2cd: {  	v61 =	vor.u32 s12, v28;
	v62 =	vshll.u32 v63, $0x7;
	v47 =	vld.idx.msk [tilespmem:v47+s16+$0x0], $0xffff;
	[tilespmem:v54+s23+$0x0] =	vst.idx.msk $0xffff, v21;
	v17 =	vor.u32 v33, v17  }
0x2ce: {  	v63 =	vor.u32 v34, v45;
	v50 =	vor.u32 v61, v13;
	v39 =	vld.idx.msk [tilespmem:v55+s16+$0x0], $0xffff;
	[tilespmem:v42+s23+$0x0] =	vst.idx.msk $0xffff, v40  }
0x2cf: {  	v41 =	vor.u32 v18, v14;
	v52 =	vor.u32 v35, v43;
	v40 =	vor.u32 v24, v62;
	v42 =	vld.idx.msk [tilespmem:v48+s16+$0x0], $0xffff  }
0x2d0: {  	v44 =	vor.u32 s10, v5;
	v53 =	vshll.u32 v59, $0x7;
	v54 =	vor.u32 v22, v6;
	v16 =	vld.idx.msk [tilespmem:v16+s16+$0x0], $0xffff;
	[tilespmem:v58+s23+$0x0] =	vst.idx.msk $0xffff, v23  }
0x2d1: {  	s22 =	simm.s32 $0xA;
	v46 =	vor.u32 s17, v11;
	v38 =	vor.u32 v32, v53;
	v55 =	vor.u32 v44, v10;
	v19 =	vld.idx.msk [tilespmem:v60+s16+$0x0], $0xffff  }
0x2d2: {  	s8 =	sand.u32 $0x70, s22;
	v21 =	vor.u32 v46, v12;
	[tilespmem:v17+s23+$0x0] =	vst.idx.msk $0xffff, v47  }
0x2d3: {  	v49 =	vor.u32 s8, v0;
	v57 =	vld.idx.msk [tilespmem:v50+s16+$0x0], $0xffff;
	[tilespmem:v63+s23+$0x0] =	vst.idx.msk $0xffff, v39  }
0x2d4: {  	v56 =	vshll.u32 v46, $0x7;
	v45 =	vmovc v32;
	v43 =	vmov v33;
	v17 =	vshll.u32 v61, $0x7;
	v62 =	vld.idx.msk [tilespmem:v41+s16+$0x0], $0xffff;
	[tilespmem:v40+s23+$0x0] =	vst.idx.msk $0xffff, v42  }
0x2d5: {  	v58 =	vor.u32 s12, v7;
	v61 =	vor.u32 s9, v26;
	v59 =	vor.u32 v33, v17;
	[tilespmem:v52+s23+$0x0] =	vst.idx.msk $0xffff, v16;
	v51 =	vld.idx.msk [tilespmem:v54+s16+$0x0], $0xffff  }
0x2d6: {  	v60 =	vor.u32 v58, v13;
	v47 =	vshll.u32 v22, $0x7;
	v17 =	vshll.u32 v18, $0x7;
	v40 =	vld.idx.msk [tilespmem:v55+s16+$0x0], $0xffff;
	[tilespmem:v38+s23+$0x0] =	vst.idx.msk $0xffff, v19  }
0x2d7: {  	s11 =	smov.u32 s12;
	v46 =	vmov v10;
	v63 =	vor.u32 v61, v14;
	v41 =	vor.u32 v34, v17;
	v55 =	vld.idx.msk [tilespmem:v21+s16+$0x0], $0xffff;
	[tilespmem:$0x1FEA0] =	vst v10  }
0x2d8: {  	s5 =	smov.u32 s9;
	s28 =	smov.u32 s17;
	s4 =	simm.s32 $0x50;
	v48 =	vmovc v12;
	v39 =	vor.u32 s10, v3;
	v50 =	vmovc v13;
	v16 =	vshll.u32 v44, $0x7;
	v52 =	vor.u32 v24, v47;
	[tilespmem:$0x1FEB0] =	vst v13  }
0x2d9: {  	s22 =	simm.s32 $0xC;
	s13 =	smov.u32 s10;
	s1 =	sand.u32 $0x70, s4;
	v42 =	vmovc v34;
	v54 =	vor.u32 s17, v8;
	v44 =	vmovc v35;
	v47 =	vmov v14;
	v38 =	vor.u32 v35, v16;
	[tilespmem:$0x1FEC0] =	vst v14  }
.LBB2_10:
0x2da: {  	p0 =	sne.s32 s22, $0x7E;
	v16 =	vor.u32 s1, v0;
	v17 =	vor.u32 v39, v46;
	[tilespmem:v59+s23+$0x0] =	vst.idx.msk $0xffff, v57;
	v18 =	vor.u32 v45, v56  }
0x2db: {  	v19 =	vshll.u32 v49, $0x7;
	v21 =	vshll.u32 v58, $0x7;
	v22 =	vor.u32 v54, v48;
	v23 =	vmovc v42;
	v42 =	vmovc v44;
	v20 =	vld.idx.msk [tilespmem:v60+s16+$0x0], $0xffff  }
0x2dc: {  	v53 =	vor.u32 v16, v19;
	v21 =	vor.u32 v43, v21;
	[tilespmem:v41+s23+$0x0] =	vst.idx.msk $0xffff, v62;
	v41 =	vor.u32 s11, v9  }
0x2dd: {  	v57 =	vshll.u32 v61, $0x7;
	v44 =	vmov v49;
	v56 =	vld.idx.msk [tilespmem:v63+s16+$0x0], $0xffff;
	v58 =	vor.u32 v41, v50;
	[tilespmem:v52+s23+$0x0] =	vst.idx.msk $0xffff, v51  }
0x2de: {  	v49 =	vor.u32 s28, v15;
	[tilespmem:v38+s23+$0x0] =	vst.idx.msk $0xffff, v40;
	v38 =	vor.u32 v23, v57;
	v40 =	vor.u32 s5, v27  }
0x2df: {  	v39 =	vshll.u32 v39, $0x7;
	v51 =	vor.u32 s13, v31;
	v17 =	vld.idx.msk [tilespmem:v17+s16+$0x0], $0xffff;
	v52 =	vor.u32 v40, v47;
	[tilespmem:v18+s23+$0x0] =	vst.idx.msk $0xffff, v55  }
0x2e0: {  	v54 =	vshll.u32 v54, $0x7;
	v18 =	vor.u32 v42, v39;
	v39 =	vor.u32 v51, v46;
	v22 =	vld.idx.msk [tilespmem:v22+s16+$0x0], $0xffff  }
0x2e1: {  	v16 =	vshll.u32 v16, $0x7;
	v55 =	vor.u32 s1, v1;
	v53 =	vld.idx.msk [tilespmem:v53+s16+$0x0], $0xffff;
	[tilespmem:v21+s23+$0x0] =	vst.idx.msk $0xffff, v20;
	v20 =	vor.u32 v45, v54  }
0x2e2: {  	v16 =	vor.u32 v44, v16;
	v41 =	vshll.u32 v41, $0x7;
	v54 =	vor.u32 v49, v48;
	v21 =	vld.idx.msk [tilespmem:v58+s16+$0x0], $0xffff  }
0x2e3: {  	v57 =	vor.u32 v55, v19;
	[tilespmem:v38+s23+$0x0] =	vst.idx.msk $0xffff, v56;
	v38 =	vor.u32 v43, v41;
	v41 =	vor.u32 s11, v29  }
0x2e4: {  	v63 =	vor.u32 s28, v30;
	s28 =	smov.u32 s11;
	v40 =	vshll.u32 v40, $0x7;
	s11 =	smov.u32 s5;
	s5 =	smov.u32 s13;
	v52 =	vld.idx.msk [tilespmem:v52+s16+$0x0], $0xffff;
	v56 =	vor.u32 v41, v50  }
0x2e5: {  	s13 =	smov.u32 s1;
	[tilespmem:v18+s23+$0x0] =	vst.idx.msk $0xffff, v17;
	v17 =	vor.u32 s5, v25;
	v18 =	vor.u32 v23, v40;
	v40 =	vor.u32 s11, v28  }
0x2e6: {  	v51 =	vshll.u32 v51, $0x7;
	v39 =	vld.idx.msk [tilespmem:v39+s16+$0x0], $0xffff;
	v58 =	vor.u32 v40, v47;
	[tilespmem:v20+s23+$0x0] =	vst.idx.msk $0xffff, v22;
	v20 =	vshll.u32 v49, $0x7  }
0x2e7: {  	v22 =	vor.u32 v17, v46;
	[tilespmem:v16+s23+$0x0] =	vst.idx.msk $0xffff, v53;
	v16 =	vor.u32 v42, v51;
	v51 =	vld.idx.msk [tilespmem:v54+s16+$0x0], $0xffff  }
0x2e8: {  	v49 =	vshll.u32 v55, $0x7;
	v54 =	vor.u32 s13, v5;
	v20 =	vor.u32 v45, v20;
	v53 =	vld.idx.msk [tilespmem:v57+s16+$0x0], $0xffff;
	[tilespmem:v38+s23+$0x0] =	vst.idx.msk $0xffff, v21  }
0x2e9: {  	v41 =	vshll.u32 v41, $0x7;
	v55 =	vor.u32 v63, v48;
	v48 =	vmovc v50;
	v21 =	vor.u32 v44, v49;
	v38 =	vld.idx.msk [tilespmem:v56+s16+$0x0], $0xffff  }
0x2ea: {  	v37 =	vor.u32 s28, v11;
	s1 =	sand.u32 $0x70, s22;
	v56 =	vor.u32 v54, v19;
	[tilespmem:v18+s23+$0x0] =	vst.idx.msk $0xffff, v52;
	v18 =	vor.u32 v43, v41  }
0x2eb: {  	v40 =	vshll.u32 v40, $0x7;
	v50 =	vmovc v47;
	v47 =	vmovc v46;
	v36 =	vor.u32 v37, v48;
	v49 =	vor.u32 s1, v0;
	v57 =	vld.idx.msk [tilespmem:v58+s16+$0x0], $0xffff  }
.Ltmp8:
0x2ec: {  	v61 =	vor.u32 s5, v26;
	v46 =	vmovc v19;
	v59 =	vor.u32 v23, v40;
	v58 =	vor.u32 s11, v7;
	[tilespmem:v16+s23+$0x0] =	vst.idx.msk $0xffff, v39;
	(pc) =	sbr.rel @p0 .LBB2_10-.Ltmp8, $4  }
0x2ed: {  	v16 =	vshll.u32 v17, $0x7;
	v60 =	vor.u32 v58, v50;
	v17 =	vshll.u32 v63, $0x7;
	v62 =	vld.idx.msk [tilespmem:v22+s16+$0x0], $0xffff;
	[tilespmem:v20+s23+$0x0] =	vst.idx.msk $0xffff, v51  }
0x2ee: {  	v63 =	vor.u32 v61, v47;
	v41 =	vor.u32 v42, v16;
	[tilespmem:v21+s23+$0x0] =	vst.idx.msk $0xffff, v53;
	v51 =	vld.idx.msk [tilespmem:v55+s16+$0x0], $0xffff  }
0x2ef: {  	s4 =	sadd.s32 $0x10, s4;
	v16 =	vshll.u32 v54, $0x7;
	v54 =	vor.u32 s28, v8;
	v52 =	vor.u32 v45, v17;
	v40 =	vld.idx.msk [tilespmem:v56+s16+$0x0], $0xffff;
	[tilespmem:v18+s23+$0x0] =	vst.idx.msk $0xffff, v38  }
0x2f0: {  	s22 =	sadd.s32 $0x2, s22;
	s1 =	sand.u32 $0x70, s4;
	v39 =	vor.u32 s13, v3;
	v45 =	vmovc v43;
	v43 =	vmovc v23;
	v38 =	vor.u32 v44, v16;
	v56 =	vshll.u32 v37, $0x7;
	v55 =	vld.idx.msk [tilespmem:v36+s16+$0x0], $0xffff  }
0x2f1: {  	v16 =	vor.u32 s1, v0;
	v53 =	vshll.u32 v49, $0x7  }
0x2f2: {  	v17 =	vor.u32 v16, v53;
	_ =	sdelay $0x3  }
0x2f3: {  	v16 =	vshll.u32 v16, $0x7  }
0x2f4: {  	v18 =	vor.u32 s1, v1;
	v16 =	vor.u32 v49, v16;
	v17 =	vld.idx.msk [tilespmem:v17+s16+$0x0], $0xffff  }
0x2f5: {  	v19 =	vor.u32 v18, v53;
	_ =	sdelay $0x3  }
0x2f6: {  	[tilespmem:v16+s23+$0x0] =	vst.idx.msk $0xffff, v17;
	v16 =	vshll.u32 v18, $0x7  }
0x2f7: {  	v36 =	vor.u32 s1, v5;
	v17 =	vld.idx.msk [tilespmem:v19+s16+$0x0], $0xffff;
	v16 =	vor.u32 v49, v16  }
0x2f8: {  	v37 =	vor.u32 v36, v53;
	_ =	sdelay $0x3  }
0x2f9: {  	v20 =	vor.u32 v39, v46;
	[tilespmem:v16+s23+$0x0] =	vst.idx.msk $0xffff, v17;
	v16 =	vshll.u32 v36, $0x7  }
0x2fa: {  	v36 =	vor.u32 s1, v3;
	v17 =	vld.idx.msk [tilespmem:v37+s16+$0x0], $0xffff;
	v16 =	vor.u32 v49, v16  }
0x2fb: {  	v37 =	vor.u32 v36, v53;
	_ =	sdelay $0x1  }
0x2fc: {  	v21 =	vshll.u32 v39, $0x7;
	[tilespmem:v38+s23+$0x0] =	vst.idx.msk $0xffff, v40  }
0x2fd: {  	v22 =	vor.u32 s13, v31;
	v21 =	vor.u32 v44, v21;
	v20 =	vld.idx.msk [tilespmem:v20+s16+$0x0], $0xffff  }
0x2fe: {  	v23 =	vor.u32 v22, v46;
	[tilespmem:v16+s23+$0x0] =	vst.idx.msk $0xffff, v17;
	v16 =	vshll.u32 v36, $0x7  }
0x2ff: {  	v18 =	vor.u32 s1, v31;
	v17 =	vld.idx.msk [tilespmem:v37+s16+$0x0], $0xffff;
	v16 =	vor.u32 v49, v16  }
0x300: {  	v38 =	vor.u32 v18, v53;
	_ =	sdelay $0x1  }
0x301: {  	v39 =	vshll.u32 v22, $0x7;
	[tilespmem:v21+s23+$0x0] =	vst.idx.msk $0xffff, v20  }
0x302: {  	v40 =	vor.u32 s13, v25;
	v20 =	vor.u32 v44, v39;
	v36 =	vld.idx.msk [tilespmem:v23+s16+$0x0], $0xffff  }
0x303: {  	v37 =	vor.u32 v40, v46;
	[tilespmem:v16+s23+$0x0] =	vst.idx.msk $0xffff, v17;
	v16 =	vshll.u32 v18, $0x7  }
0x304: {  	v17 =	vor.u32 s1, v25;
	v38 =	vld.idx.msk [tilespmem:v38+s16+$0x0], $0xffff;
	v16 =	vor.u32 v49, v16  }
0x305: {  	v39 =	vor.u32 v17, v53;
	_ =	sdelay $0x1  }
0x306: {  	v40 =	vshll.u32 v40, $0x7;
	[tilespmem:v20+s23+$0x0] =	vst.idx.msk $0xffff, v36  }
0x307: {  	v21 =	vor.u32 s13, v26;
	v20 =	vor.u32 v44, v40;
	v22 =	vld.idx.msk [tilespmem:v37+s16+$0x0], $0xffff  }
0x308: {  	v23 =	vor.u32 v21, v46;
	[tilespmem:v16+s23+$0x0] =	vst.idx.msk $0xffff, v38;
	v16 =	vshll.u32 v17, $0x7  }
0x309: {  	[tilespmem:v41+s23+$0x0] =	vst.idx.msk $0xffff, v62;
	v18 =	vor.u32 s1, v26;
	v17 =	vshll.u32 v61, $0x7;
	v19 =	vld.idx.msk [tilespmem:v39+s16+$0x0], $0xffff;
	v16 =	vor.u32 v49, v16  }
0x30a: {  	v36 =	vld.idx.msk [tilespmem:v63+s16+$0x0], $0xffff;
	v37 =	vor.u32 s5, v27;
	v38 =	vor.u32 v18, v53;
	v17 =	vor.u32 v42, v17  }
0x30b: {  	v61 =	vor.u32 v37, v47  }
0x30c: {  	v62 =	vshll.u32 v21, $0x7;
	[tilespmem:v20+s23+$0x0] =	vst.idx.msk $0xffff, v22  }
0x30d: {  	v63 =	vor.u32 s13, v27;
	v20 =	vor.u32 v44, v62;
	v21 =	vld.idx.msk [tilespmem:v23+s16+$0x0], $0xffff  }
0x30e: {  	v18 =	vshll.u32 v18, $0x7;
	[tilespmem:v16+s23+$0x0] =	vst.idx.msk $0xffff, v19;
	v16 =	vor.u32 v63, v46  }
0x30f: {  	v23 =	vor.u32 s1, v27;
	v18 =	vor.u32 v49, v18;
	[tilespmem:v17+s23+$0x0] =	vst.idx.msk $0xffff, v36;
	v17 =	vshll.u32 v37, $0x7;
	v19 =	vld.idx.msk [tilespmem:v38+s16+$0x0], $0xffff  }
0x310: {  	v37 =	vor.u32 s5, v28;
	v36 =	vld.idx.msk [tilespmem:v61+s16+$0x0], $0xffff;
	v17 =	vor.u32 v42, v17;
	v38 =	vor.u32 v23, v53  }
0x311: {  	[tilespmem:v59+s23+$0x0] =	vst.idx.msk $0xffff, v57;
	v62 =	vor.u32 v37, v47  }
0x312: {  	v57 =	vor.u32 s11, v9;
	v41 =	vld.idx.msk [tilespmem:v60+s16+$0x0], $0xffff;
	v22 =	vor.u32 s13, v28;
	[tilespmem:v20+s23+$0x0] =	vst.idx.msk $0xffff, v21;
	v63 =	vshll.u32 v63, $0x7  }
0x313: {  	v21 =	vor.u32 v57, v50;
	v61 =	vshll.u32 v58, $0x7;
	v20 =	vor.u32 v44, v63;
	v16 =	vld.idx.msk [tilespmem:v16+s16+$0x0], $0xffff  }
0x314: {  	v58 =	vshll.u32 v23, $0x7;
	v39 =	vor.u32 v43, v61;
	[tilespmem:v18+s23+$0x0] =	vst.idx.msk $0xffff, v19;
	v18 =	vor.u32 v22, v46  }
0x315: {  	v59 =	vor.u32 s1, v28;
	[tilespmem:v17+s23+$0x0] =	vst.idx.msk $0xffff, v36;
	v17 =	vshll.u32 v37, $0x7;
	v19 =	vor.u32 v49, v58;
	v23 =	vld.idx.msk [tilespmem:v38+s16+$0x0], $0xffff  }
0x316: {  	v61 =	vor.u32 s5, v7;
	v60 =	vld.idx.msk [tilespmem:v62+s16+$0x0], $0xffff;
	v17 =	vor.u32 v42, v17;
	v62 =	vor.u32 v59, v53  }
0x317: {  	v63 =	vor.u32 v61, v47  }
0x318: {  	v58 =	vshll.u32 v57, $0x7;
	[tilespmem:v20+s23+$0x0] =	vst.idx.msk $0xffff, v16;
	v16 =	vshll.u32 v22, $0x7  }
0x319: {  	[tilespmem:v39+s23+$0x0] =	vst.idx.msk $0xffff, v41;
	v59 =	vshll.u32 v59, $0x7;
	v22 =	vor.u32 s13, v7;
	v18 =	vld.idx.msk [tilespmem:v18+s16+$0x0], $0xffff;
	v16 =	vor.u32 v44, v16  }
0x31a: {  	v21 =	vld.idx.msk [tilespmem:v21+s16+$0x0], $0xffff;
	v20 =	vor.u32 v43, v58;
	v41 =	vor.u32 v22, v46;
	[tilespmem:v19+s23+$0x0] =	vst.idx.msk $0xffff, v23  }
0x31b: {  	[tilespmem:v17+s23+$0x0] =	vst.idx.msk $0xffff, v60;
	v17 =	vshll.u32 v61, $0x7;
	v19 =	vor.u32 v49, v59;
	v60 =	vor.u32 s1, v7;
	v23 =	vld.idx.msk [tilespmem:v62+s16+$0x0], $0xffff  }
0x31c: {  	v38 =	vor.u32 s5, v9;
	v37 =	vld.idx.msk [tilespmem:v63+s16+$0x0], $0xffff;
	v17 =	vor.u32 v42, v17;
	v61 =	vor.u32 v60, v53  }
0x31d: {  	v62 =	vor.u32 s11, v29;
	v63 =	vor.u32 v38, v47  }
0x31e: {  	v58 =	vshll.u32 v22, $0x7;
	[tilespmem:v16+s23+$0x0] =	vst.idx.msk $0xffff, v18;
	v16 =	vor.u32 v62, v50  }
0x31f: {  	[tilespmem:v20+s23+$0x0] =	vst.idx.msk $0xffff, v21;
	v21 =	vor.u32 s13, v9;
	v18 =	vor.u32 v44, v58;
	v20 =	vld.idx.msk [tilespmem:v41+s16+$0x0], $0xffff  }
0x320: {  	v36 =	vor.u32 s1, v9;
	v60 =	vshll.u32 v60, $0x7;
	v40 =	vor.u32 v21, v46;
	[tilespmem:v19+s23+$0x0] =	vst.idx.msk $0xffff, v23  }
0x321: {  	v59 =	vshll.u32 v62, $0x7;
	[tilespmem:v17+s23+$0x0] =	vst.idx.msk $0xffff, v37;
	v17 =	vshll.u32 v38, $0x7;
	v19 =	vor.u32 v49, v60;
	v23 =	vld.idx.msk [tilespmem:v61+s16+$0x0], $0xffff  }
0x322: {  	v62 =	vor.u32 v36, v53;
	v37 =	vld.idx.msk [tilespmem:v63+s16+$0x0], $0xffff;
	v17 =	vor.u32 v42, v17;
	v61 =	vor.u32 s5, v29  }
0x323: {  	v22 =	vor.u32 v43, v59;
	v63 =	vor.u32 v61, v47;
	v16 =	vld.idx.msk [tilespmem:v16+s16+$0x0], $0xffff  }
0x324: {  	v56 =	vor.u32 v45, v56;
	v59 =	vshll.u32 v21, $0x7;
	v41 =	vor.u32 s11, v11;
	[tilespmem:v18+s23+$0x0] =	vst.idx.msk $0xffff, v20  }
0x325: {  	v58 =	vor.u32 v41, v50;
	v20 =	vor.u32 v44, v59;
	v21 =	vld.idx.msk [tilespmem:v40+s16+$0x0], $0xffff;
	v40 =	vor.u32 s13, v29  }
0x326: {  	v39 =	vor.u32 s11, v8;
	v36 =	vshll.u32 v36, $0x7;
	[tilespmem:v19+s23+$0x0] =	vst.idx.msk $0xffff, v23;
	v60 =	vor.u32 v40, v46  }
0x327: {  	v36 =	vor.u32 v49, v36;
	[tilespmem:v17+s23+$0x0] =	vst.idx.msk $0xffff, v37;
	v17 =	vshll.u32 v61, $0x7;
	v61 =	vld.idx.msk [tilespmem:v62+s16+$0x0], $0xffff;
	v62 =	vor.u32 s1, v29  }
0x328: {  	v17 =	vor.u32 v42, v17;
	[tilespmem:v22+s23+$0x0] =	vst.idx.msk $0xffff, v16;
	v16 =	vld.idx.msk [tilespmem:v63+s16+$0x0], $0xffff;
	v22 =	vor.u32 v62, v53  }
0x329: {  	[tilespmem:v56+s23+$0x0] =	vst.idx.msk $0xffff, v55;
	v41 =	vshll.u32 v41, $0x7;
	v19 =	vor.u32 v54, v48;
	v63 =	vor.u32 s5, v11  }
0x32a: {  	v41 =	vor.u32 v43, v41;
	v18 =	vld.idx.msk [tilespmem:v58+s16+$0x0], $0xffff;
	v56 =	vor.u32 v63, v47;
	[tilespmem:v20+s23+$0x0] =	vst.idx.msk $0xffff, v21  }
0x32b: {  	v59 =	vor.u32 v39, v50;
	v58 =	vshll.u32 v40, $0x7;
	v23 =	vld.idx.msk [tilespmem:v60+s16+$0x0], $0xffff;
	v60 =	vor.u32 s13, v11  }
0x32c: {  	v20 =	vor.u32 v44, v58;
	[tilespmem:v36+s23+$0x0] =	vst.idx.msk $0xffff, v61;
	v36 =	vor.u32 v60, v46;
	v61 =	vshll.u32 v62, $0x7  }
0x32d: {  	v57 =	vor.u32 s5, v8;
	[tilespmem:v17+s23+$0x0] =	vst.idx.msk $0xffff, v16;
	v16 =	vld.idx.msk [tilespmem:v22+s16+$0x0], $0xffff;
	v17 =	vor.u32 v49, v61;
	v22 =	vor.u32 s1, v11  }
0x32e: {  	v63 =	vshll.u32 v63, $0x7;
	v19 =	vld.idx.msk [tilespmem:v19+s16+$0x0], $0xffff;
	v62 =	vshll.u32 v54, $0x7;
	v54 =	vor.u32 v22, v53  }
0x32f: {  	v55 =	vor.u32 v57, v47;
	v38 =	vor.u32 v42, v63;
	[tilespmem:v41+s23+$0x0] =	vst.idx.msk $0xffff, v18;
	v58 =	vld.idx.msk [tilespmem:v56+s16+$0x0], $0xffff  }
0x330: {  	v37 =	vor.u32 v45, v62;
	v21 =	vld.idx.msk [tilespmem:v59+s16+$0x0], $0xffff;
	v59 =	vshll.u32 v60, $0x7;
	v60 =	vshll.u32 v39, $0x7  }
0x331: {  	v63 =	vor.u32 s1, v8;
	[tilespmem:v20+s23+$0x0] =	vst.idx.msk $0xffff, v23;
	v23 =	vor.u32 v43, v60  }
0x332: {  	v61 =	vor.u32 s13, v8;
	v20 =	vor.u32 v44, v59;
	v36 =	vld.idx.msk [tilespmem:v36+s16+$0x0], $0xffff;
	[tilespmem:v17+s23+$0x0] =	vst.idx.msk $0xffff, v16;
	v16 =	vshll.u32 v22, $0x7  }
0x333: {  	v62 =	vor.u32 v61, v46;
	v18 =	vshll.u32 v57, $0x7;
	v54 =	vld.idx.msk [tilespmem:v54+s16+$0x0], $0xffff;
	v16 =	vor.u32 v49, v16  }
0x334: {  	v40 =	vor.u32 s13, v15;
	v57 =	vor.u32 v63, v53;
	v18 =	vor.u32 v42, v18;
	[tilespmem:v38+s23+$0x0] =	vst.idx.msk $0xffff, v58  }
0x335: {  	v60 =	vshll.u32 v61, $0x7;
	v17 =	vor.u32 s28, v15;
	[tilespmem:v37+s23+$0x0] =	vst.idx.msk $0xffff, v19;
	v22 =	vor.u32 v40, v46;
	v59 =	vld.idx.msk [tilespmem:v55+s16+$0x0], $0xffff  }
0x336: {  	v40 =	vshll.u32 v40, $0x7;
	v38 =	vor.u32 v17, v48;
	v58 =	vor.u32 s11, v15;
	[tilespmem:v23+s23+$0x0] =	vst.idx.msk $0xffff, v21  }
0x337: {  	v21 =	vor.u32 s5, v15;
	[tilespmem:v20+s23+$0x0] =	vst.idx.msk $0xffff, v36;
	v20 =	vor.u32 v58, v50;
	v36 =	vor.u32 v44, v60  }
0x338: {  	v17 =	vshll.u32 v17, $0x7;
	v61 =	vld.idx.msk [tilespmem:v62+s16+$0x0], $0xffff;
	v62 =	vor.u32 v21, v47;
	[tilespmem:v16+s23+$0x0] =	vst.idx.msk $0xffff, v54;
	v16 =	vshll.u32 v63, $0x7  }
0x339: {  	v40 =	vor.u32 v44, v40;
	v63 =	vor.u32 s1, v15;
	v41 =	vld.idx.msk [tilespmem:v57+s16+$0x0], $0xffff;
	v16 =	vor.u32 v49, v16  }
0x33a: {  	v55 =	vor.u32 s28, v30;
	v19 =	vshll.u32 v58, $0x7;
	[tilespmem:v18+s23+$0x0] =	vst.idx.msk $0xffff, v59;
	v18 =	vor.u32 v63, v53  }
0x33b: {  	v17 =	vor.u32 v45, v17;
	v19 =	vor.u32 v43, v19;
	v21 =	vshll.u32 v21, $0x7;
	v57 =	vld.idx.msk [tilespmem:v38+s16+$0x0], $0xffff  }
0x33c: {  	v58 =	vor.u32 v55, v48;
	v21 =	vor.u32 v42, v21;
	v59 =	vor.u32 s11, v30;
	v20 =	vld.idx.msk [tilespmem:v20+s16+$0x0], $0xffff  }
0x33d: {  	v60 =	vor.u32 v59, v50;
	[tilespmem:v36+s23+$0x0] =	vst.idx.msk $0xffff, v61;
	v61 =	vor.u32 s5, v30;
	v39 =	vld.idx.msk [tilespmem:v62+s16+$0x0], $0xffff  }
0x33e: {  	v63 =	vshll.u32 v63, $0x7;
	v62 =	vor.u32 v61, v47;
	v22 =	vld.idx.msk [tilespmem:v22+s16+$0x0], $0xffff;
	[tilespmem:v16+s23+$0x0] =	vst.idx.msk $0xffff, v41;
	v16 =	vor.u32 s13, v30  }
0x33f: {  	v56 =	vor.u32 s1, v30;
	v41 =	vor.u32 v49, v63;
	v54 =	vor.u32 v16, v46;
	v18 =	vld.idx.msk [tilespmem:v18+s16+$0x0], $0xffff  }
0x340: {  	[tilespmem:v17+s23+$0x0] =	vst.idx.msk $0xffff, v57;
	v17 =	vshll.u32 v55, $0x7;
	v57 =	vor.u32 v56, v53  }
0x341: {  	v59 =	vshll.u32 v59, $0x7;
	v17 =	vor.u32 v45, v17;
	v58 =	vld.idx.msk [tilespmem:v58+s16+$0x0], $0xffff;
	[tilespmem:v19+s23+$0x0] =	vst.idx.msk $0xffff, v20  }
0x342: {  	v61 =	vshll.u32 v61, $0x7;
	v20 =	vor.u32 v43, v59;
	[tilespmem:v21+s23+$0x0] =	vst.idx.msk $0xffff, v39;
	v60 =	vld.idx.msk [tilespmem:v60+s16+$0x0], $0xffff  }
0x343: {  	v23 =	vor.u32 v42, v61;
	v16 =	vshll.u32 v16, $0x7;
	v62 =	vld.idx.msk [tilespmem:v62+s16+$0x0], $0xffff;
	[tilespmem:v40+s23+$0x0] =	vst.idx.msk $0xffff, v22  }
0x344: {  	v63 =	vshll.u32 v56, $0x7;
	v16 =	vor.u32 v44, v16;
	v22 =	vld.idx.msk [tilespmem:v54+s16+$0x0], $0xffff;
	[tilespmem:v41+s23+$0x0] =	vst.idx.msk $0xffff, v18  }
0x345: {  	[tilespmem:v52+s23+$0x0] =	vst.idx.msk $0xffff, v51;
	v45 =	vor.u32 s2, v6;
	v18 =	vor.u32 v49, v63;
	v37 =	vld.idx.msk [tilespmem:v57+s16+$0x0], $0xffff  }
0x346: {  	[tilespmem:v17+s23+$0x0] =	vst.idx.msk $0xffff, v58;
	v17 =	vor.u32 v0, v45  }
0x347: {  	s11 =	sor.u32 $0x80, s2;
	[tilespmem:v20+s23+$0x0] =	vst.idx.msk $0xffff, v60  }
0x348: {  	v36 =	vmov s11;
	[tilespmem:v23+s23+$0x0] =	vst.idx.msk $0xffff, v62  }
0x349: {  	v46 =	vshll.u32 v36, $0x7;
	[tilespmem:v16+s23+$0x0] =	vst.idx.msk $0xffff, v22  }
0x34a: {  	v16 =	vor.u32 v2, v46;
	[tilespmem:v18+s23+$0x0] =	vst.idx.msk $0xffff, v37  }
0x34b: {  	v16 =	vor.u32 v24, v16;
	v17 =	vld.idx.msk [tilespmem:v17+s18+$0x0], $0xffff  }
0x34c: {  	v38 =	vor.u32 v1, v45;
	_ =	sdelay $0x3  }
0x34d: {  	[tilespmem:v16+s23+$0x0] =	vst.idx.msk $0xffff, v17;
	v16 =	vor.u32 v4, v46  }
0x34e: {  	v17 =	vld.idx.msk [tilespmem:v38+s18+$0x0], $0xffff;
	v16 =	vor.u32 v24, v16;
	_ =	sdelay $0x4  }
0x34f: {  	[tilespmem:v16+s23+$0x0] =	vst.idx.msk $0xffff, v17  }
0x350: {  	v47 =	vmov v3;
	v3 =	vld [tilespmem:$0x1FFD0]  }
0x351: {  	v43 =	vor.u32 v5, v45;
	_ =	sdelay $0x3  }
0x352: {  	v16 =	vor.u32 v3, v46  }
0x353: {  	v17 =	vld.idx.msk [tilespmem:v43+s18+$0x0], $0xffff;
	v16 =	vor.u32 v24, v16;
	_ =	sdelay $0x4  }
0x354: {  	[tilespmem:v16+s23+$0x0] =	vst.idx.msk $0xffff, v17  }
0x355: {  	v61 =	vld [tilespmem:$0x1FFC0]  }
0x356: {  	v44 =	vor.u32 v47, v45;
	_ =	sdelay $0x3  }
0x357: {  	v16 =	vor.u32 v61, v46  }
0x358: {  	v17 =	vld.idx.msk [tilespmem:v44+s18+$0x0], $0xffff;
	v16 =	vor.u32 v24, v16;
	_ =	sdelay $0x4  }
0x359: {  	v38 =	vor.u32 s17, v12;
	[tilespmem:v16+s23+$0x0] =	vst.idx.msk $0xffff, v17  }
0x35a: {  	v57 =	vmov v24;
	v54 =	vor.u32 v0, v38;
	v24 =	vld [tilespmem:$0x1FFB0]  }
0x35b: {  	s13 =	sor.u32 $0x80, s17;
	v36 =	vor.u32 v31, v45  }
0x35c: {  	v55 =	vmov s13  }
0x35d: {  	v37 =	vshll.u32 v55, $0x7  }
0x35e: {  	v62 =	vor.u32 v2, v37  }
0x35f: {  	v18 =	vor.u32 v32, v62;
	v19 =	vld.idx.msk [tilespmem:v54+s18+$0x0], $0xffff;
	v16 =	vor.u32 v24, v46  }
0x360: {  	v17 =	vld.idx.msk [tilespmem:v36+s18+$0x0], $0xffff;
	v16 =	vor.u32 v57, v16;
	_ =	sdelay $0x3  }
0x361: {  	[tilespmem:v18+s23+$0x0] =	vst.idx.msk $0xffff, v19  }
0x362: {  	[tilespmem:v16+s23+$0x0] =	vst.idx.msk $0xffff, v17  }
0x363: {  	v39 =	vor.u32 v1, v38;
	v55 =	vld [tilespmem:$0x1FFA0]  }
0x364: {  	v42 =	vor.u32 v25, v45;
	_ =	sdelay $0x1  }
0x365: {  	v41 =	vmov v4  }
0x366: {  	v40 =	vor.u32 v41, v37  }
0x367: {  	v18 =	vor.u32 v32, v40;
	v43 =	vld.idx.msk [tilespmem:v39+s18+$0x0], $0xffff;
	v16 =	vor.u32 v55, v46  }
0x368: {  	v17 =	vld.idx.msk [tilespmem:v42+s18+$0x0], $0xffff;
	v16 =	vor.u32 v57, v16;
	_ =	sdelay $0x3  }
0x369: {  	[tilespmem:v18+s23+$0x0] =	vst.idx.msk $0xffff, v43  }
0x36a: {  	v4 =	vmov v8;
	v48 =	vor.u32 v3, v37;
	v8 =	vmov v3;
	v3 =	vld [tilespmem:$0x1FEB0];
	[tilespmem:v16+s23+$0x0] =	vst.idx.msk $0xffff, v17  }
0x36b: {  	v51 =	vmov v11;
	v44 =	vor.u32 v5, v38;
	v11 =	vld [tilespmem:$0x1FF90]  }
0x36c: {  	v49 =	vor.u32 v26, v45;
	_ =	sdelay $0x3  }
0x36d: {  	v18 =	vor.u32 v32, v48;
	v20 =	vld.idx.msk [tilespmem:v44+s18+$0x0], $0xffff;
	v16 =	vor.u32 v11, v46  }
0x36e: {  	v17 =	vld.idx.msk [tilespmem:v49+s18+$0x0], $0xffff;
	v16 =	vor.u32 v57, v16;
	_ =	sdelay $0x3  }
0x36f: {  	[tilespmem:v18+s23+$0x0] =	vst.idx.msk $0xffff, v20  }
0x370: {  	v52 =	vor.u32 v47, v38;
	v42 =	vor.u32 s12, v3;
	[tilespmem:v16+s23+$0x0] =	vst.idx.msk $0xffff, v17  }
0x371: {  	v63 =	vmov v15;
	v15 =	vmov v9;
	v53 =	vor.u32 v0, v42;
	v9 =	vld [tilespmem:$0x1FF80]  }
0x372: {  	v60 =	vor.u32 v27, v45;
	s17 =	sor.u32 $0x80, s12  }
0x373: {  	v54 =	vmov s17  }
0x374: {  	v59 =	vor.u32 v61, v37;
	v39 =	vshll.u32 v54, $0x7  }
0x375: {  	v62 =	vor.u32 v32, v59;
	v43 =	vor.u32 v2, v39;
	v21 =	vld.idx.msk [tilespmem:v52+s18+$0x0], $0xffff  }
0x376: {  	v23 =	vor.u32 v33, v43;
	v22 =	vld.idx.msk [tilespmem:v53+s18+$0x0], $0xffff;
	v16 =	vor.u32 v9, v46  }
0x377: {  	v17 =	vld.idx.msk [tilespmem:v60+s18+$0x0], $0xffff;
	v16 =	vor.u32 v57, v16;
	_ =	sdelay $0x2  }
0x378: {  	[tilespmem:v62+s23+$0x0] =	vst.idx.msk $0xffff, v21  }
0x379: {  	[tilespmem:v23+s23+$0x0] =	vst.idx.msk $0xffff, v22  }
0x37a: {  	v44 =	vor.u32 v1, v42;
	[tilespmem:v16+s23+$0x0] =	vst.idx.msk $0xffff, v17  }
0x37b: {  	v56 =	vmov v26;
	v40 =	vor.u32 v31, v38;
	v26 =	vld [tilespmem:$0x1FF70]  }
0x37c: {  	v49 =	vor.u32 v28, v45;
	_ =	sdelay $0x1  }
0x37d: {  	v53 =	vor.u32 v41, v39  }
0x37e: {  	v48 =	vor.u32 v24, v37;
	v22 =	vor.u32 v33, v53;
	v23 =	vld.idx.msk [tilespmem:v44+s18+$0x0], $0xffff  }
0x37f: {  	v54 =	vor.u32 v5, v42;
	v18 =	vor.u32 v32, v48;
	v19 =	vld.idx.msk [tilespmem:v40+s18+$0x0], $0xffff;
	v16 =	vor.u32 v26, v46  }
0x380: {  	v17 =	vld.idx.msk [tilespmem:v49+s18+$0x0], $0xffff;
	v16 =	vor.u32 v57, v16;
	_ =	sdelay $0x2  }
0x381: {  	[tilespmem:v22+s23+$0x0] =	vst.idx.msk $0xffff, v23  }
0x382: {  	[tilespmem:v18+s23+$0x0] =	vst.idx.msk $0xffff, v19;
	v23 =	vld.idx.msk [tilespmem:v54+s18+$0x0], $0xffff  }
0x383: {  	v52 =	vor.u32 v25, v38;
	v0 =	vld [tilespmem:$0x1FEC0];
	[tilespmem:v16+s23+$0x0] =	vst.idx.msk $0xffff, v17  }
0x384: {  	v54 =	vmov v5;
	v5 =	vld [tilespmem:$0x1FF60]  }
0x385: {  	v60 =	vor.u32 v7, v45;
	_ =	sdelay $0x1  }
0x386: {  	v59 =	vor.u32 v55, v37  }
0x387: {  	v48 =	vor.u32 v8, v39;
	v18 =	vor.u32 v32, v59;
	v62 =	vld.idx.msk [tilespmem:v52+s18+$0x0], $0xffff  }
0x388: {  	v22 =	vor.u32 v33, v48;
	v16 =	vor.u32 v5, v46  }
0x389: {  	v19 =	vld.idx.msk [tilespmem:v60+s18+$0x0], $0xffff;
	v16 =	vor.u32 v57, v16;
	_ =	sdelay $0x2  }
0x38a: {  	[tilespmem:v18+s23+$0x0] =	vst.idx.msk $0xffff, v62  }
0x38b: {  	v58 =	vmov v30;
	v44 =	vor.u32 v56, v38;
	[tilespmem:v22+s23+$0x0] =	vst.idx.msk $0xffff, v23  }
0x38c: {  	v30 =	vmovc v28;
	v28 =	vmovc v1;
	v1 =	vlaneseq.u32;
	v49 =	vor.u32 v47, v42;
	v40 =	vor.u32 s9, v0;
	[tilespmem:v16+s23+$0x0] =	vst.idx.msk $0xffff, v19  }
0x38d: {  	v17 =	vor.u32 v1, v40;
	v3 =	vld [tilespmem:$0x1FF50]  }
0x38e: {  	s22 =	sor.u32 $0x80, s9;
	v59 =	vor.u32 v15, v45  }
0x38f: {  	v52 =	vor.u32 v11, v37;
	v60 =	vmov s22  }
0x390: {  	v18 =	vor.u32 v32, v52;
	v62 =	vor.u32 v61, v39;
	v20 =	vld.idx.msk [tilespmem:v44+s18+$0x0], $0xffff;
	v43 =	vshll.u32 v60, $0x7  }
0x391: {  	v36 =	vld.idx.msk [tilespmem:v49+s18+$0x0], $0xffff;
	v22 =	vor.u32 v33, v62;
	v48 =	vor.u32 v2, v43  }
0x392: {  	v17 =	vld.idx.msk [tilespmem:v17+s18+$0x0], $0xffff;
	v16 =	vor.u32 v34, v48;
	v49 =	vor.u32 v3, v46  }
0x393: {  	v52 =	vor.u32 v28, v40;
	v59 =	vld.idx.msk [tilespmem:v59+s18+$0x0], $0xffff;
	v19 =	vor.u32 v57, v49;
	_ =	sdelay $0x1  }
0x394: {  	[tilespmem:v18+s23+$0x0] =	vst.idx.msk $0xffff, v20  }
0x395: {  	[tilespmem:v22+s23+$0x0] =	vst.idx.msk $0xffff, v36  }
0x396: {  	v53 =	vmov v41;
	v41 =	vor.u32 v27, v38;
	[tilespmem:v16+s23+$0x0] =	vst.idx.msk $0xffff, v17  }
0x397: {  	v23 =	vor.u32 v31, v42;
	v44 =	vld.idx.msk [tilespmem:v52+s18+$0x0], $0xffff;
	[tilespmem:v19+s23+$0x0] =	vst.idx.msk $0xffff, v59  }
0x398: {  	v52 =	vld [tilespmem:$0x1FF40]  }
0x399: {  	v62 =	vor.u32 v29, v45  }
0x39a: {  	v60 =	vor.u32 v9, v37  }
0x39b: {  	v48 =	vor.u32 v24, v39;
	v20 =	vor.u32 v32, v60;
	v41 =	vld.idx.msk [tilespmem:v41+s18+$0x0], $0xffff  }
0x39c: {  	v22 =	vor.u32 v33, v48;
	v23 =	vld.idx.msk [tilespmem:v23+s18+$0x0], $0xffff;
	v16 =	vor.u32 v53, v43  }
0x39d: {  	v16 =	vor.u32 v34, v16;
	v59 =	vor.u32 v52, v46  }
0x39e: {  	v49 =	vor.u32 v30, v38;
	v21 =	vld.idx.msk [tilespmem:v62+s18+$0x0], $0xffff;
	v18 =	vor.u32 v57, v59;
	_ =	sdelay $0x1  }
0x39f: {  	[tilespmem:v20+s23+$0x0] =	vst.idx.msk $0xffff, v41  }
0x3a0: {  	[tilespmem:v22+s23+$0x0] =	vst.idx.msk $0xffff, v23  }
0x3a1: {  	v17 =	vor.u32 v25, v42;
	[tilespmem:v16+s23+$0x0] =	vst.idx.msk $0xffff, v44  }
0x3a2: {  	v60 =	vor.u32 v26, v37;
	v19 =	vor.u32 v54, v40;
	v62 =	vld.idx.msk [tilespmem:v49+s18+$0x0], $0xffff;
	[tilespmem:v18+s23+$0x0] =	vst.idx.msk $0xffff, v21  }
0x3a3: {  	v41 =	vor.u32 v51, v45;
	v20 =	vor.u32 v32, v60;
	v0 =	vld [tilespmem:$0x1FF30];
	_ =	sdelay $0x2  }
0x3a4: {  	v49 =	vor.u32 v55, v39;
	v17 =	vld.idx.msk [tilespmem:v17+s18+$0x0], $0xffff;
	v59 =	vor.u32 v8, v43  }
0x3a5: {  	v50 =	vmovc v31;
	v31 =	vmov v47;
	v16 =	vor.u32 v33, v49;
	v19 =	vld.idx.msk [tilespmem:v19+s18+$0x0], $0xffff;
	v36 =	vor.u32 v34, v59  }
0x3a6: {  	v21 =	vor.u32 v47, v40;
	v47 =	vld.idx.msk [tilespmem:v41+s18+$0x0], $0xffff;
	[tilespmem:v20+s23+$0x0] =	vst.idx.msk $0xffff, v62;
	v60 =	vor.u32 v0, v46  }
0x3a7: {  	v48 =	vor.u32 v7, v38;
	v20 =	vld [tilespmem:$0x1FEA0];
	v18 =	vor.u32 v57, v60;
	_ =	sdelay $0x2  }
0x3a8: {  	v44 =	vor.u32 v56, v42;
	[tilespmem:v16+s23+$0x0] =	vst.idx.msk $0xffff, v17  }
0x3a9: {  	[tilespmem:v36+s23+$0x0] =	vst.idx.msk $0xffff, v19  }
0x3aa: {  	v23 =	vld.idx.msk [tilespmem:v48+s18+$0x0], $0xffff;
	v41 =	vor.u32 s10, v20;
	[tilespmem:v18+s23+$0x0] =	vst.idx.msk $0xffff, v47  }
0x3ab: {  	v59 =	vmov v0;
	v48 =	vor.u32 v1, v41;
	v0 =	vld [tilespmem:$0x1FF20]  }
0x3ac: {  	s28 =	sor.u32 $0x80, s10;
	v22 =	vor.u32 v4, v45;
	v62 =	vor.u32 v5, v37  }
0x3ad: {  	v16 =	vor.u32 v32, v62;
	v62 =	vor.u32 v11, v39;
	v17 =	vld.idx.msk [tilespmem:v44+s18+$0x0], $0xffff;
	v44 =	vmov s28  }
0x3ae: {  	v19 =	vor.u32 v33, v62;
	v62 =	vor.u32 v61, v43;
	v44 =	vshll.u32 v44, $0x7  }
0x3af: {  	v8 =	vmov v61;
	v21 =	vld.idx.msk [tilespmem:v21+s18+$0x0], $0xffff;
	v61 =	vor.u32 v2, v44;
	v18 =	vor.u32 v34, v62  }
0x3b0: {  	v47 =	vor.u32 v35, v61;
	v48 =	vld.idx.msk [tilespmem:v48+s18+$0x0], $0xffff;
	v20 =	vor.u32 v0, v46  }
0x3b1: {  	v49 =	vor.u32 v15, v38;
	v22 =	vld.idx.msk [tilespmem:v22+s18+$0x0], $0xffff;
	v20 =	vor.u32 v57, v20  }
0x3b2: {  	[tilespmem:v16+s23+$0x0] =	vst.idx.msk $0xffff, v23  }
0x3b3: {  	[tilespmem:v19+s23+$0x0] =	vst.idx.msk $0xffff, v17  }
0x3b4: {  	v36 =	vor.u32 v27, v42;
	[tilespmem:v18+s23+$0x0] =	vst.idx.msk $0xffff, v21  }
0x3b5: {  	v13 =	vmov v50;
	v50 =	vor.u32 v50, v40;
	v16 =	vor.u32 v3, v37;
	[tilespmem:v47+s23+$0x0] =	vst.idx.msk $0xffff, v48  }
0x3b6: {  	v19 =	vor.u32 v28, v41;
	v17 =	vld.idx.msk [tilespmem:v49+s18+$0x0], $0xffff;
	v16 =	vor.u32 v32, v16;
	[tilespmem:v20+s23+$0x0] =	vst.idx.msk $0xffff, v22  }
0x3b7: {  	v6 =	vmovc v25;
	v25 =	vmovc v11;
	v11 =	vmov v27;
	v27 =	vmov v3;
	v21 =	vor.u32 v29, v38;
	v3 =	vld [tilespmem:$0x1FF10]  }
0x3b8: {  	v60 =	vmovc v5;
	v5 =	vmovc v2;
	v2 =	vmov v63;
	v23 =	vor.u32 v63, v45;
	v63 =	vor.u32 v9, v39  }
0x3b9: {  	v36 =	vld.idx.msk [tilespmem:v36+s18+$0x0], $0xffff;
	v49 =	vor.u32 v24, v43;
	v18 =	vor.u32 v33, v63  }
0x3ba: {  	v63 =	vor.u32 v53, v44;
	v22 =	vld.idx.msk [tilespmem:v50+s18+$0x0], $0xffff;
	v20 =	vor.u32 v34, v49  }
0x3bb: {  	v19 =	vld.idx.msk [tilespmem:v19+s18+$0x0], $0xffff;
	[tilespmem:v16+s23+$0x0] =	vst.idx.msk $0xffff, v17;
	v16 =	vor.u32 v35, v63;
	v17 =	vor.u32 v52, v37  }
0x3bc: {  	v21 =	vld.idx.msk [tilespmem:v21+s18+$0x0], $0xffff;
	v17 =	vor.u32 v32, v17;
	v47 =	vor.u32 v3, v46  }
0x3bd: {  	v23 =	vld.idx.msk [tilespmem:v23+s18+$0x0], $0xffff;
	v47 =	vor.u32 v57, v47  }
0x3be: {  	[tilespmem:v18+s23+$0x0] =	vst.idx.msk $0xffff, v36  }
0x3bf: {  	[tilespmem:v20+s23+$0x0] =	vst.idx.msk $0xffff, v22  }
0x3c0: {  	[tilespmem:v16+s23+$0x0] =	vst.idx.msk $0xffff, v19  }
0x3c1: {  	v14 =	vmov v7;
	v10 =	vmov v4;
	v48 =	vor.u32 v30, v42;
	[tilespmem:v17+s23+$0x0] =	vst.idx.msk $0xffff, v21  }
0x3c2: {  	v61 =	vmovc v24;
	v24 =	vmov v3;
	v3 =	vmov v53;
	v53 =	vor.u32 v6, v40;
	[tilespmem:v47+s23+$0x0] =	vst.idx.msk $0xffff, v23  }
0x3c3: {  	v4 =	vmovc v51;
	v45 =	vor.u32 v58, v45;
	v36 =	vor.u32 v54, v41;
	v16 =	vor.u32 v55, v43;
	v17 =	vld [tilespmem:$0x1FF00]  }
0x3c4: {  	v49 =	vor.u32 v51, v38;
	v51 =	vor.u32 v7, v42;
	v7 =	vmovc v55;
	v55 =	vor.u32 v34, v16;
	v16 =	vld [tilespmem:$0x1FFD0];
	_ =	sdelay $0x1  }
0x3c5: {  	v12 =	vmovc v15;
	v15 =	vmov v9;
	v58 =	vmov v54;
	v54 =	vor.u32 v26, v39;
	v50 =	vld.idx.msk [tilespmem:v48+s18+$0x0], $0xffff  }
0x3c6: {  	v62 =	vmovc v0;
	v0 =	vmovc v28;
	v28 =	vmov v30;
	v63 =	vmov v52;
	v52 =	vor.u32 v33, v54;
	v54 =	vld.idx.msk [tilespmem:v53+s18+$0x0], $0xffff  }
0x3c7: {  	v30 =	vmovc v6;
	v6 =	vmov v56;
	v53 =	vor.u32 v56, v40;
	v56 =	vld.idx.msk [tilespmem:v36+s18+$0x0], $0xffff;
	v17 =	vor.u32 v17, v46  }
0x3c8: {  	s1 =	simm.s32 $0xC;
	v9 =	vmovc v26;
	v45 =	vld.idx.msk [tilespmem:v45+s18+$0x0], $0xffff;
	v26 =	vmov v16;
	v36 =	vor.u32 v57, v17;
	v57 =	vor.u32 v16, v44  }
.LBB2_12:
0x3c9: {  	_ = 	snop  }
0x3ca: {  	v16 =	vor.u32 v35, v57;
	v18 =	vor.u32 v59, v37;
	v19 =	vmovc v32;
	v32 =	vmov v33  }
0x3cb: {  	s3 =	sadd.s32 $0x10, s3;
	v17 =	vld.idx.msk [tilespmem:v49+s18+$0x0], $0xffff;
	v33 =	vmovc v34;
	v34 =	vmovc v35;
	v35 =	vor.u32 s8, v1;
	v20 =	vmov v37;
	v37 =	vmov v39  }
0x3cc: {  	v22 =	vor.u32 v31, v41;
	[tilespmem:v52+s23+$0x0] =	vst.idx.msk $0xffff, v50;
	s2 =	sand.u32 $0x70, s3;
	v21 =	vshll.u32 v35, $0x7;
	v18 =	vor.u32 v19, v18  }
0x3cd: {  	v47 =	vor.u32 v10, v38;
	v39 =	vmovc v43;
	v43 =	vmovc v44;
	v46 =	vor.u32 v60, v37;
	v21 =	vor.u32 s2, v21  }
0x3ce: {  	v23 =	vld.idx.msk [tilespmem:v51+s18+$0x0], $0xffff;
	[tilespmem:v55+s23+$0x0] =	vst.idx.msk $0xffff, v54;
	v46 =	vor.u32 v32, v46;
	v48 =	vor.u32 v1, v21  }
0x3cf: {  	v50 =	vor.u32 v12, v42;
	v55 =	vor.u32 v25, v39;
	v49 =	vld.idx.msk [tilespmem:v53+s18+$0x0], $0xffff;
	[tilespmem:v36+s23+$0x0] =	vst.idx.msk $0xffff, v45  }
0x3d0: {  	v54 =	vor.u32 v8, v43;
	v51 =	vor.u32 v13, v41;
	s2 =	sor.u32 $0x80, s2;
	[tilespmem:v16+s23+$0x0] =	vst.idx.msk $0xffff, v56  }
0x3d1: {  	v57 =	vmov s2;
	v36 =	vor.u32 v11, v40;
	v16 =	vor.u32 v33, v55;
	v22 =	vld.idx.msk [tilespmem:v22+s18+$0x0], $0xffff;
	[tilespmem:v18+s23+$0x0] =	vst.idx.msk $0xffff, v17  }
0x3d2: {  	v44 =	vshll.u32 v57, $0x7;
	v55 =	vor.u32 v62, v20;
	v17 =	vor.u32 v34, v54;
	v18 =	vld.idx.msk [tilespmem:v47+s18+$0x0], $0xffff  }
0x3d3: {  	v56 =	vor.u32 v5, v44;
	v47 =	vld.idx.msk [tilespmem:v48+s18+$0x0], $0xffff;
	[tilespmem:v46+s23+$0x0] =	vst.idx.msk $0xffff, v23;
	v23 =	vor.u32 v19, v55  }
0x3d4: {  	v52 =	vor.u32 v0, v21;
	v45 =	vor.u32 v35, v56  }
0x3d5: {  	v57 =	vor.u32 v27, v37;
	v56 =	vor.u32 v15, v39;
	v46 =	vld.idx.msk [tilespmem:v50+s18+$0x0], $0xffff;
	v50 =	vor.u32 v2, v38  }
0x3d6: {  	[tilespmem:v16+s23+$0x0] =	vst.idx.msk $0xffff, v49;
	v16 =	vor.u32 v32, v57;
	v49 =	vor.u32 v29, v42  }
0x3d7: {  	v57 =	vor.u32 v61, v43;
	v36 =	vld.idx.msk [tilespmem:v36+s18+$0x0], $0xffff;
	[tilespmem:v17+s23+$0x0] =	vst.idx.msk $0xffff, v22;
	v17 =	vor.u32 v33, v56  }
0x3d8: {  	v48 =	vld.idx.msk [tilespmem:v51+s18+$0x0], $0xffff;
	[tilespmem:v23+s23+$0x0] =	vst.idx.msk $0xffff, v18;
	v18 =	vor.u32 v34, v57;
	v57 =	vor.u32 v3, v44  }
0x3d9: {  	v22 =	vor.u32 v28, v40;
	[tilespmem:v45+s23+$0x0] =	vst.idx.msk $0xffff, v47;
	v45 =	vor.u32 v35, v57;
	v57 =	vld [tilespmem:$0x1FFE0]  }
0x3da: {  	v53 =	vor.u32 v30, v41;
	v56 =	vor.u32 v24, v20;
	v23 =	vld.idx.msk [tilespmem:v50+s18+$0x0], $0xffff  }
0x3db: {  	v47 =	vld.idx.msk [tilespmem:v52+s18+$0x0], $0xffff;
	[tilespmem:v16+s23+$0x0] =	vst.idx.msk $0xffff, v46;
	v16 =	vor.u32 v19, v56;
	_ =	sdelay $0x1  }
0x3dc: {  	v46 =	vld.idx.msk [tilespmem:v49+s18+$0x0], $0xffff;
	[tilespmem:v17+s23+$0x0] =	vst.idx.msk $0xffff, v36  }
0x3dd: {  	v50 =	vld.idx.msk [tilespmem:v22+s18+$0x0], $0xffff;
	[tilespmem:v18+s23+$0x0] =	vst.idx.msk $0xffff, v48  }
0x3de: {  	v54 =	vld.idx.msk [tilespmem:v53+s18+$0x0], $0xffff  }
0x3df: {  	v52 =	vor.u32 v63, v37;
	v56 =	vor.u32 v57, v38;
	[tilespmem:v16+s23+$0x0] =	vst.idx.msk $0xffff, v23;
	v16 =	vld [tilespmem:$0x1FF00]  }
0x3e0: {  	p0 =	sne.s32 s1, $0x7E;
	v17 =	vor.u32 v32, v52;
	v57 =	vor.u32 v58, v21  }
.Ltmp9:
0x3e1: {  	v36 =	vor.u32 v9, v39;
	(pc) =	sbr.rel @p0 .LBB2_12-.Ltmp9, $4  }
0x3e2: {  	v52 =	vor.u32 v33, v36;
	v48 =	vor.u32 v7, v43;
	v38 =	vmovc v42;
	v42 =	vmovc v40;
	v40 =	vmov v41  }
0x3e3: {  	v41 =	vmov v21;
	v55 =	vor.u32 v34, v48;
	v49 =	vor.u32 v4, v38;
	[tilespmem:v45+s23+$0x0] =	vst.idx.msk $0xffff, v47  }
0x3e4: {  	v51 =	vor.u32 v14, v42;
	v53 =	vor.u32 v6, v40;
	v45 =	vld.idx.msk [tilespmem:v56+s18+$0x0], $0xffff;
	v16 =	vor.u32 v16, v20  }
0x3e5: {  	s8 =	sand.u32 $0x70, s1;
	s1 =	sadd.s32 $0x2, s1;
	v56 =	vld.idx.msk [tilespmem:v57+s18+$0x0], $0xffff;
	v57 =	vor.u32 v26, v44;
	[tilespmem:v17+s23+$0x0] =	vst.idx.msk $0xffff, v46;
	v36 =	vor.u32 v19, v16  }
0x3e6: {  	v46 =	vor.u32 s8, v1;
	s1 =	sadd.s32 $0x10, s3  }
0x3e7: {  	s1 =	sand.u32 $0x70, s1;
	v16 =	vshll.u32 v46, $0x7  }
0x3e8: {  	v48 =	vor.u32 s1, v16  }
0x3e9: {  	v16 =	vor.u32 v1, v48  }
0x3ea: {  	s1 =	sor.u32 $0x80, s1  }
0x3eb: {  	v17 =	vmov s1  }
0x3ec: {  	v47 =	vshll.u32 v17, $0x7  }
0x3ed: {  	v17 =	vor.u32 v5, v47  }
0x3ee: {  	v17 =	vor.u32 v46, v17;
	v16 =	vld.idx.msk [tilespmem:v16+s18+$0x0], $0xffff  }
0x3ef: {  	v18 =	vor.u32 v0, v48;
	_ =	sdelay $0x3  }
0x3f0: {  	[tilespmem:v17+s23+$0x0] =	vst.idx.msk $0xffff, v16;
	v16 =	vor.u32 v3, v47  }
0x3f1: {  	v17 =	vld.idx.msk [tilespmem:v18+s18+$0x0], $0xffff;
	v16 =	vor.u32 v46, v16  }
0x3f2: {  	v23 =	vor.u32 v58, v48;
	_ =	sdelay $0x3  }
0x3f3: {  	v19 =	vor.u32 v35, v57;
	[tilespmem:v16+s23+$0x0] =	vst.idx.msk $0xffff, v17;
	v16 =	vor.u32 v26, v47  }
0x3f4: {  	v17 =	vor.u32 v31, v41;
	v18 =	vld.idx.msk [tilespmem:v23+s18+$0x0], $0xffff;
	v16 =	vor.u32 v46, v16  }
0x3f5: {  	v20 =	vor.u32 v31, v48;
	_ =	sdelay $0x2  }
0x3f6: {  	[tilespmem:v19+s23+$0x0] =	vst.idx.msk $0xffff, v56;
	v56 =	vor.u32 v8, v44  }
0x3f7: {  	v19 =	vor.u32 v35, v56;
	v17 =	vld.idx.msk [tilespmem:v17+s18+$0x0], $0xffff;
	[tilespmem:v16+s23+$0x0] =	vst.idx.msk $0xffff, v18;
	v16 =	vor.u32 v8, v47  }
0x3f8: {  	v57 =	vor.u32 v13, v41;
	v20 =	vld.idx.msk [tilespmem:v20+s18+$0x0], $0xffff;
	v16 =	vor.u32 v46, v16  }
0x3f9: {  	v21 =	vor.u32 v13, v48;
	_ =	sdelay $0x2  }
0x3fa: {  	[tilespmem:v19+s23+$0x0] =	vst.idx.msk $0xffff, v17;
	v17 =	vor.u32 v61, v44  }
0x3fb: {  	v18 =	vld.idx.msk [tilespmem:v57+s18+$0x0], $0xffff;
	v17 =	vor.u32 v35, v17;
	[tilespmem:v16+s23+$0x0] =	vst.idx.msk $0xffff, v20;
	v16 =	vor.u32 v61, v47  }
0x3fc: {  	v56 =	vor.u32 v30, v41;
	v20 =	vld.idx.msk [tilespmem:v21+s18+$0x0], $0xffff;
	v16 =	vor.u32 v46, v16  }
0x3fd: {  	v61 =	vor.u32 v30, v48;
	_ =	sdelay $0x2  }
0x3fe: {  	[tilespmem:v17+s23+$0x0] =	vst.idx.msk $0xffff, v18;
	v17 =	vor.u32 v7, v44  }
0x3ff: {  	v18 =	vld.idx.msk [tilespmem:v56+s18+$0x0], $0xffff;
	v17 =	vor.u32 v35, v17;
	[tilespmem:v16+s23+$0x0] =	vst.idx.msk $0xffff, v20;
	v16 =	vor.u32 v7, v47  }
0x400: {  	v19 =	vor.u32 v6, v41;
	v20 =	vld.idx.msk [tilespmem:v61+s18+$0x0], $0xffff;
	v16 =	vor.u32 v46, v16  }
0x401: {  	v56 =	vor.u32 v6, v48  }
0x402: {  	[tilespmem:v55+s23+$0x0] =	vst.idx.msk $0xffff, v54;
	v22 =	vor.u32 v25, v43  }
0x403: {  	v22 =	vor.u32 v34, v22;
	v23 =	vld.idx.msk [tilespmem:v53+s18+$0x0], $0xffff  }
0x404: {  	v61 =	vor.u32 v11, v40;
	[tilespmem:v17+s23+$0x0] =	vst.idx.msk $0xffff, v18;
	v17 =	vor.u32 v25, v44  }
0x405: {  	v18 =	vld.idx.msk [tilespmem:v19+s18+$0x0], $0xffff;
	v17 =	vor.u32 v35, v17;
	[tilespmem:v16+s23+$0x0] =	vst.idx.msk $0xffff, v20;
	v16 =	vor.u32 v25, v47  }
0x406: {  	v19 =	vor.u32 v11, v41;
	v20 =	vld.idx.msk [tilespmem:v56+s18+$0x0], $0xffff;
	v16 =	vor.u32 v46, v16  }
0x407: {  	v21 =	vor.u32 v11, v48  }
0x408: {  	[tilespmem:v22+s23+$0x0] =	vst.idx.msk $0xffff, v23;
	v56 =	vor.u32 v15, v43  }
0x409: {  	v23 =	vld.idx.msk [tilespmem:v61+s18+$0x0], $0xffff;
	v22 =	vor.u32 v34, v56  }
0x40a: {  	v61 =	vor.u32 v28, v40;
	[tilespmem:v17+s23+$0x0] =	vst.idx.msk $0xffff, v18;
	v17 =	vor.u32 v15, v44  }
0x40b: {  	v18 =	vld.idx.msk [tilespmem:v19+s18+$0x0], $0xffff;
	v17 =	vor.u32 v35, v17;
	[tilespmem:v16+s23+$0x0] =	vst.idx.msk $0xffff, v20;
	v16 =	vor.u32 v15, v47  }
0x40c: {  	v19 =	vor.u32 v28, v41;
	v20 =	vld.idx.msk [tilespmem:v21+s18+$0x0], $0xffff;
	v16 =	vor.u32 v46, v16  }
0x40d: {  	v21 =	vor.u32 v28, v48  }
0x40e: {  	v56 =	vor.u32 v9, v43;
	[tilespmem:v22+s23+$0x0] =	vst.idx.msk $0xffff, v23  }
0x40f: {  	[tilespmem:v52+s23+$0x0] =	vst.idx.msk $0xffff, v50;
	v22 =	vor.u32 v34, v56;
	v23 =	vld.idx.msk [tilespmem:v61+s18+$0x0], $0xffff  }
0x410: {  	v61 =	vor.u32 v14, v40;
	[tilespmem:v17+s23+$0x0] =	vst.idx.msk $0xffff, v18;
	v17 =	vor.u32 v9, v44  }
0x411: {  	v18 =	vld.idx.msk [tilespmem:v19+s18+$0x0], $0xffff;
	v17 =	vor.u32 v35, v17;
	[tilespmem:v16+s23+$0x0] =	vst.idx.msk $0xffff, v20;
	v16 =	vor.u32 v9, v47  }
0x412: {  	v55 =	vor.u32 v60, v39;
	v19 =	vor.u32 v14, v41;
	v20 =	vld.idx.msk [tilespmem:v21+s18+$0x0], $0xffff;
	v16 =	vor.u32 v46, v16  }
0x413: {  	v51 =	vld.idx.msk [tilespmem:v51+s18+$0x0], $0xffff;
	v50 =	vor.u32 v14, v48;
	v21 =	vor.u32 v33, v55  }
0x414: {  	v56 =	vor.u32 v60, v43;
	[tilespmem:v22+s23+$0x0] =	vst.idx.msk $0xffff, v23;
	v23 =	vor.u32 v12, v42  }
0x415: {  	v53 =	vor.u32 v12, v40;
	v22 =	vor.u32 v34, v56  }
0x416: {  	v56 =	vor.u32 v27, v39;
	v61 =	vld.idx.msk [tilespmem:v61+s18+$0x0], $0xffff;
	[tilespmem:v17+s23+$0x0] =	vst.idx.msk $0xffff, v18;
	v17 =	vor.u32 v60, v44  }
0x417: {  	v18 =	vld.idx.msk [tilespmem:v19+s18+$0x0], $0xffff;
	v17 =	vor.u32 v35, v17;
	[tilespmem:v16+s23+$0x0] =	vst.idx.msk $0xffff, v20;
	v16 =	vor.u32 v60, v47  }
0x418: {  	v19 =	vor.u32 v12, v41;
	[tilespmem:v21+s23+$0x0] =	vst.idx.msk $0xffff, v51;
	v20 =	vld.idx.msk [tilespmem:v50+s18+$0x0], $0xffff;
	v16 =	vor.u32 v46, v16  }
0x419: {  	v52 =	vor.u32 v29, v42;
	v21 =	vor.u32 v33, v56;
	v23 =	vld.idx.msk [tilespmem:v23+s18+$0x0], $0xffff  }
0x41a: {  	v60 =	vor.u32 v27, v43;
	v51 =	vor.u32 v10, v38;
	v50 =	vor.u32 v12, v48  }
0x41b: {  	[tilespmem:v22+s23+$0x0] =	vst.idx.msk $0xffff, v61;
	v61 =	vor.u32 v59, v37;
	v22 =	vor.u32 v34, v60  }
0x41c: {  	v60 =	vor.u32 v29, v40;
	v53 =	vld.idx.msk [tilespmem:v53+s18+$0x0], $0xffff;
	[tilespmem:v17+s23+$0x0] =	vst.idx.msk $0xffff, v18;
	v17 =	vor.u32 v27, v44  }
0x41d: {  	v18 =	vld.idx.msk [tilespmem:v19+s18+$0x0], $0xffff;
	v17 =	vor.u32 v35, v17;
	v19 =	vor.u32 v32, v61;
	[tilespmem:v16+s23+$0x0] =	vst.idx.msk $0xffff, v20  }
0x41e: {  	v16 =	vor.u32 v27, v47;
	v20 =	vor.u32 v29, v41;
	[tilespmem:v21+s23+$0x0] =	vst.idx.msk $0xffff, v23;
	v23 =	vld.idx.msk [tilespmem:v49+s18+$0x0], $0xffff  }
0x41f: {  	v56 =	vor.u32 v63, v43;
	v61 =	vor.u32 v63, v39;
	v50 =	vld.idx.msk [tilespmem:v50+s18+$0x0], $0xffff;
	v16 =	vor.u32 v46, v16  }
0x420: {  	v21 =	vor.u32 v29, v48;
	v49 =	vor.u32 v33, v61;
	v61 =	vor.u32 v62, v37  }
0x421: {  	[tilespmem:v22+s23+$0x0] =	vst.idx.msk $0xffff, v53;
	v52 =	vld.idx.msk [tilespmem:v52+s18+$0x0], $0xffff;
	v53 =	vor.u32 v4, v42;
	v22 =	vor.u32 v34, v56  }
0x422: {  	v54 =	vld.idx.msk [tilespmem:v60+s18+$0x0], $0xffff;
	v60 =	vor.u32 v63, v44;
	[tilespmem:v17+s23+$0x0] =	vst.idx.msk $0xffff, v18;
	v17 =	vor.u32 v4, v40  }
0x423: {  	v18 =	vor.u32 v35, v60;
	v20 =	vld.idx.msk [tilespmem:v20+s18+$0x0], $0xffff;
	[tilespmem:v19+s23+$0x0] =	vst.idx.msk $0xffff, v23;
	v19 =	vor.u32 v32, v61  }
0x424: {  	v23 =	vor.u32 v4, v41;
	[tilespmem:v16+s23+$0x0] =	vst.idx.msk $0xffff, v50;
	v16 =	vor.u32 v63, v47;
	v50 =	vld.idx.msk [tilespmem:v51+s18+$0x0], $0xffff  }
0x425: {  	v56 =	vor.u32 v59, v43;
	v21 =	vld.idx.msk [tilespmem:v21+s18+$0x0], $0xffff;
	v16 =	vor.u32 v46, v16  }
0x426: {  	[tilespmem:v49+s23+$0x0] =	vst.idx.msk $0xffff, v52;
	v63 =	vor.u32 v59, v39;
	v51 =	vor.u32 v4, v48  }
0x427: {  	v60 =	vor.u32 v10, v42;
	v52 =	vld.idx.msk [tilespmem:v53+s18+$0x0], $0xffff;
	v49 =	vor.u32 v33, v63;
	[tilespmem:v22+s23+$0x0] =	vst.idx.msk $0xffff, v54  }
0x428: {  	v61 =	vor.u32 v59, v44;
	v22 =	vor.u32 v34, v56;
	v17 =	vld.idx.msk [tilespmem:v17+s18+$0x0], $0xffff;
	[tilespmem:v18+s23+$0x0] =	vst.idx.msk $0xffff, v20  }
0x429: {  	v18 =	vor.u32 v10, v40;
	v20 =	vor.u32 v35, v61;
	v63 =	vld.idx.msk [tilespmem:v23+s18+$0x0], $0xffff;
	[tilespmem:v19+s23+$0x0] =	vst.idx.msk $0xffff, v50  }
0x42a: {  	v55 =	vor.u32 v59, v47;
	v19 =	vor.u32 v10, v41;
	[tilespmem:v16+s23+$0x0] =	vst.idx.msk $0xffff, v21  }
0x42b: {  	v23 =	vor.u32 v46, v55;
	v16 =	vor.u32 v2, v38;
	v50 =	vld.idx.msk [tilespmem:v51+s18+$0x0], $0xffff  }
0x42c: {  	v59 =	vor.u32 v10, v48;
	v56 =	vor.u32 v62, v39;
	[tilespmem:v49+s23+$0x0] =	vst.idx.msk $0xffff, v52  }
0x42d: {  	v49 =	vor.u32 v33, v56;
	v52 =	vld.idx.msk [tilespmem:v60+s18+$0x0], $0xffff;
	[tilespmem:v22+s23+$0x0] =	vst.idx.msk $0xffff, v17;
	v17 =	vor.u32 v62, v43  }
0x42e: {  	v54 =	vor.u32 v62, v44;
	v18 =	vld.idx.msk [tilespmem:v18+s18+$0x0], $0xffff;
	v17 =	vor.u32 v34, v17;
	[tilespmem:v20+s23+$0x0] =	vst.idx.msk $0xffff, v63  }
0x42f: {  	v21 =	vor.u32 v35, v54;
	v60 =	vor.u32 v24, v37;
	v19 =	vld.idx.msk [tilespmem:v19+s18+$0x0], $0xffff  }
0x430: {  	v55 =	vor.u32 v62, v47;
	v22 =	vor.u32 v32, v60;
	v16 =	vld.idx.msk [tilespmem:v16+s18+$0x0], $0xffff;
	[tilespmem:v23+s23+$0x0] =	vst.idx.msk $0xffff, v50  }
0x431: {  	v23 =	vor.u32 v46, v55;
	v51 =	vld.idx.msk [tilespmem:v59+s18+$0x0], $0xffff  }
0x432: {  	v57 =	vmov v30;
	v30 =	vld [tilespmem:$0x1FFE0];
	[tilespmem:v49+s23+$0x0] =	vst.idx.msk $0xffff, v52  }
0x433: {  	v61 =	vor.u32 v2, v42;
	[tilespmem:v17+s23+$0x0] =	vst.idx.msk $0xffff, v18  }
0x434: {  	v63 =	vor.u32 v2, v40;
	[tilespmem:v21+s23+$0x0] =	vst.idx.msk $0xffff, v19  }
0x435: {  	v56 =	vor.u32 v2, v41;
	[tilespmem:v22+s23+$0x0] =	vst.idx.msk $0xffff, v16  }
0x436: {  	v59 =	vor.u32 v2, v48;
	[tilespmem:v23+s23+$0x0] =	vst.idx.msk $0xffff, v51  }
0x437: {  	v60 =	vor.u32 v24, v39;
	v26 =	vld [tilespmem:$0x1FF00]  }
0x438: {  	v52 =	vor.u32 v33, v60;
	v17 =	vor.u32 v24, v43;
	v61 =	vld.idx.msk [tilespmem:v61+s18+$0x0], $0xffff;
	v38 =	vor.u32 v30, v38  }
0x439: {  	v53 =	vor.u32 v24, v44;
	v17 =	vor.u32 v34, v17;
	v20 =	vld.idx.msk [tilespmem:v63+s18+$0x0], $0xffff;
	v62 =	vor.u32 v30, v42  }
0x43a: {  	v54 =	vor.u32 v24, v47;
	v19 =	vor.u32 v35, v53;
	v21 =	vld.idx.msk [tilespmem:v56+s18+$0x0], $0xffff;
	v63 =	vor.u32 v30, v40  }
0x43b: {  	v55 =	vor.u32 v30, v41;
	v23 =	vor.u32 v46, v54;
	v49 =	vld.idx.msk [tilespmem:v59+s18+$0x0], $0xffff  }
0x43c: {  	v56 =	vor.u32 v30, v48;
	v16 =	vor.u32 v26, v37  }
0x43d: {  	[tilespmem:v52+s23+$0x0] =	vst.idx.msk $0xffff, v61;
	v59 =	vld.idx.msk [tilespmem:v38+s18+$0x0], $0xffff;
	v60 =	vor.u32 v26, v39;
	v16 =	vor.u32 v32, v16  }
0x43e: {  	[tilespmem:v17+s23+$0x0] =	vst.idx.msk $0xffff, v20;
	v61 =	vld.idx.msk [tilespmem:v62+s18+$0x0], $0xffff;
	v17 =	vor.u32 v26, v43;
	v18 =	vor.u32 v33, v60  }
0x43f: {  	[tilespmem:v19+s23+$0x0] =	vst.idx.msk $0xffff, v21;
	v20 =	vld.idx.msk [tilespmem:v63+s18+$0x0], $0xffff;
	v62 =	vor.u32 v26, v44;
	v17 =	vor.u32 v34, v17  }
0x440: {  	v21 =	vld.idx.msk [tilespmem:v55+s18+$0x0], $0xffff;
	[tilespmem:v23+s23+$0x0] =	vst.idx.msk $0xffff, v49;
	v63 =	vor.u32 v26, v47;
	v19 =	vor.u32 v35, v62  }
0x441: {  	[tilespmem:v36+s23+$0x0] =	vst.idx.msk $0xffff, v45;
	v22 =	vld.idx.msk [tilespmem:v56+s18+$0x0], $0xffff;
	v23 =	vor.u32 v46, v63  }
0x442: {  	[tilespmem:v16+s23+$0x0] =	vst.idx.msk $0xffff, v59  }
0x443: {  	[tilespmem:v18+s23+$0x0] =	vst.idx.msk $0xffff, v61  }
0x444: {  	[tilespmem:v17+s23+$0x0] =	vst.idx.msk $0xffff, v20  }
0x445: {  	[tilespmem:v19+s23+$0x0] =	vst.idx.msk $0xffff, v21  }
0x446: {  	[tilespmem:v23+s23+$0x0] =	vst.idx.msk $0xffff, v22  }
0x447: {  	_ =	swait.ge [sflag:s24], $0x800  }
0x448: {  	[sflag:s24] =	ssyncset.done $0x0  }
0x449: {  	[sflag:s24] =	ssyncadd.s32 $0xFFFFF800  }
0x44a: {  	s28 =	rddreg [dreg:$0x4]  }
0x44b: {  	s1 =	sadd.s32 s28, s31  }
0x44c: {  	[hbm4b:s1+s20] =	stream.strided.scatter [tilespmem:s23], [sflag:$0x4], $0x8800, s21, s20, $0x38;
	[tilespmem:$0x1D700] =	vst v63  }
0x44d: {  	s1 =	sadd.s32 $0x3, s30  }
.Ltmp10:
0x44e: {  	p0 =	sge.u32 s1, s7;
	(pc) =	sbr.rel .LBB2_14-.Ltmp10, $4  }
0x44f: {  	s1 =	sshll.u32 @!p0 s1, $0x7;
	s2 =	simm.s32 @!p0 $0x80;
	s3 =	simm.s32 @!p0 $0xCF00  }
0x450: {  	v1 =	vmovc v0;
	v0 =	vlaneseq.u32;
	v5 =	vmov v58;
	v8 =	vmov v10;
	[tilespmem:s3], [sflag:$0x2] =	stream.indirect.gather @!p0 [hbm4b:s0+s2], $0x80, s1, s2, $0xb8;
	[tilespmem:$0x1D700] =	vst v63  }
0x451: {  	v7 =	vmovc v14;
	v25 =	vmovc v57;
	v15 =	vmov v2;
	v9 =	vmov v12;
	v27 =	vmov v11;
	s1 =	sadd.s32 @!p0 $0x2780, s1;
	s3 =	simm.s32 @!p0 $0x10F00  }
0x452: {  	v11 =	vmovc v4;
	v24 =	vmovc v3;
	v3 =	vmov v31;
	v31 =	vmov v13;
	v26 =	vmov v6;
	v2 =	vld [tilespmem:$0x1FFF0];
	[tilespmem:s3], [sflag:$0x2] =	stream.indirect.gather @!p0 [hbm4b:s0+s2], $0x80, s1, s2, $0xb8  }
.LBB2_16:
0x453: {  	_ =	sfence.sel $0x180000  }
0x454: {  	[bflag:$0x0] =	sbarrier.arrive $0xFFFF  }
0x455: {  	_ =	strace $0x90000047  }
0x456: {  	s0 =	stileid.u32;
	[bflag:$0x2] =	sbarrier.arrive $0xFFFF  }
0x457: {  	p0 =	sne.s32 s0, $0x0;
	s0 =	rddreg [dreg:$0x5]  }
0x458: {  	s0 =	sadd.s32 @!p0 $0x100000, s0  }
0x459: {  	[sflag:s0] =	ssyncadd.tile.s32 @!p0 $0x1;
	_ =	shalt  }
.Lfunc_end2:
_tile_overlayer_lowered:
.L_overlay_start_2:
0x45a: {  	(tag) =	ssettag $0x2  }
0x45b: {  	s0 =	rddreg [dreg:$0x0];
	s2 =	stileid.u32  }
0x45c: {  	s1 =	rddreg [dreg:$0x1];
	p0 =	sne.s32 s2, $0x0  }
0x45d: {  	s3 =	rddreg [dreg:$0x2];
	[bflag:$0x3] =	sbarrier.arrive $0xFFFF;
	s2 =	simm.s32 @!p0 $0x1C05  }
0x45e: {  	[timem:s3], [sflag:s2] =	dma.local @!p0 [hbm:s0], s1  }
0x45f: {  	s0 =	simm.s32 @!p0 $0x5  }
0x460: {  	_ =	swait.ge @!p0 [sflag:s0], s1  }
0x461: {  	s1 =	ssub.s32 @!p0 $0x0, s1;
	[sflag:s0] =	ssyncset.done @!p0 $0x0  }
0x462: {  	[sflag:s0] =	ssyncadd.s32 @!p0 s1  }
0x463: {  	[bflag:$0x3] =	sbarrier.arrive $0xFFFF  }
0x464: {  	_ =	shalt  }

</sc_bundles>
